<compile_context>
chip_gen: v7x
topology: tpu7x:2x2x1
jax: 0.10.2.dev20260603
libtpu: 0.0.44.dev20260713+nightly
codegen_flags: <defaults>
</compile_context>

<pallas_src>
import functools

import jax
import jax.numpy as jnp
from jax import lax
from jax.experimental import pallas as pl
from jax.experimental.pallas import tpu as pltpu
from jax.experimental.pallas import tpu_sc as plsc

BATCH = 16384
MF_DIM = 16
MLP_DIM = 8

_NC = 2
_NS = 16
_NW = _NC * _NS
_EPW = BATCH // _NW
_GRP = 8
_NGRP = _EPW // _GRP
_RW = _GRP * 128


def _sc_gather_body(uid_hbm, mid_hbm, mfu_t, mfi_t, mlu_t, mli_t,
                    out_mfu, out_mfi, out_mlu, out_mli,
                    vidx_u, vidx_m,
                    ra_mfu, ra_mfi, ra_mlu, ra_mli,
                    rb_mfu, rb_mfi, rb_mlu, rb_mli,
                    bmfu, bmfi, bmlu, bmli, sem_a, sem_b):
    wid = lax.axis_index("s") * _NC + lax.axis_index("c")
    base = pl.multiple_of(wid * _EPW, 128)
    pltpu.sync_copy(uid_hbm.at[pl.ds(base, _EPW)], vidx_u)
    pltpu.sync_copy(mid_hbm.at[pl.ds(base, _EPW)], vidx_m)

    rows = lax.iota(jnp.int32, 16)
    rows8 = jnp.bitwise_and(rows, 7)
    mask8 = rows < 8

    def fire(uvec, mvec, half, ring, sem):
        r_mfu, r_mfi, r_mlu, r_mli = ring
        for j in range(_GRP):
            u = uvec[half * _GRP + j]
            m = mvec[half * _GRP + j]
            cu = pl.multiple_of((u >> 7) * 128, 128)
            cm = pl.multiple_of((m >> 7) * 128, 128)
            dst = pl.ds(j * 128, 128)
            pltpu.async_copy(mfu_t.at[:, pl.ds(cu, 128)], r_mfu.at[:, dst], sem)
            pltpu.async_copy(mfi_t.at[:, pl.ds(cm, 128)], r_mfi.at[:, dst], sem)
            pltpu.async_copy(mlu_t.at[:, pl.ds(cu, 128)], r_mlu.at[:, dst], sem)
            pltpu.async_copy(mli_t.at[:, pl.ds(cm, 128)], r_mli.at[:, dst], sem)

    def wait(ring, sem):
        r_mfu, r_mfi, r_mlu, r_mli = ring
        pltpu.make_async_copy(out_mfu.at[:, pl.ds(0, _RW)], r_mfu, sem).wait()
        pltpu.make_async_copy(out_mfi.at[:, pl.ds(0, _RW)], r_mfi, sem).wait()
        pltpu.make_async_copy(out_mlu.at[:, pl.ds(0, _RW)], r_mlu, sem).wait()
        pltpu.make_async_copy(out_mli.at[:, pl.ds(0, _RW)], r_mli, sem).wait()

    def extract(uvec, mvec, g, half, ring):
        r_mfu, r_mfi, r_mlu, r_mli = ring
        for j in range(_GRP):
            i = g * _GRP + j
            u = uvec[half * _GRP + j]
            m = mvec[half * _GRP + j]
            cols_u = jnp.full((16,), j * 128 + jnp.bitwise_and(u, 127), jnp.int32)
            cols_m = jnp.full((16,), j * 128 + jnp.bitwise_and(m, 127), jnp.int32)
            outc = jnp.full((16,), i, jnp.int32)
            v = plsc.load_gather(r_mfu, [rows, cols_u])
            plsc.store_scatter(bmfu, [rows, outc], v)
            v = plsc.load_gather(r_mfi, [rows, cols_m])
            plsc.store_scatter(bmfi, [rows, outc], v)
            v = plsc.load_gather(r_mlu, [rows8, cols_u], mask=mask8)
            plsc.store_scatter(bmlu, [rows8, outc], v, mask=mask8)
            v = plsc.load_gather(r_mli, [rows8, cols_m], mask=mask8)
            plsc.store_scatter(bmli, [rows8, outc], v, mask=mask8)

    ring_a = (ra_mfu, ra_mfi, ra_mlu, ra_mli)
    ring_b = (rb_mfu, rb_mfi, rb_mlu, rb_mli)

    uvec0 = vidx_u[pl.ds(0, 16)]
    mvec0 = vidx_m[pl.ds(0, 16)]
    fire(uvec0, mvec0, 0, ring_a, sem_a)

    def body(t, carry):
        g = 2 * t
        uvec = vidx_u[pl.ds(t * 16, 16)]
        mvec = vidx_m[pl.ds(t * 16, 16)]
        fire(uvec, mvec, 1, ring_b, sem_b)
        wait(ring_a, sem_a)
        extract(uvec, mvec, g, 0, ring_a)

        @pl.when(t < _NGRP // 2 - 1)
        def _():
            uvec2 = vidx_u[pl.ds(t * 16 + 16, 16)]
            mvec2 = vidx_m[pl.ds(t * 16 + 16, 16)]
            fire(uvec2, mvec2, 0, ring_a, sem_a)

        wait(ring_b, sem_b)
        extract(uvec, mvec, g + 1, 1, ring_b)
        return carry

    lax.fori_loop(0, _NGRP // 2, body, 0)

    out_slc = pl.ds(base, _EPW)
    pltpu.sync_copy(bmfu, out_mfu.at[:, out_slc])
    pltpu.sync_copy(bmfi, out_mfi.at[:, out_slc])
    pltpu.sync_copy(bmlu, out_mlu.at[:, out_slc])
    pltpu.sync_copy(bmli, out_mli.at[:, out_slc])


_sc_gather = functools.partial(
    pl.kernel,
    mesh=plsc.VectorSubcoreMesh(core_axis_name="c", subcore_axis_name="s"),
    compiler_params=pltpu.CompilerParams(use_tc_tiling_on_sc=True,
                                         needs_layout_passes=False),
    out_type=[
        jax.ShapeDtypeStruct((MF_DIM, BATCH), jnp.float32),
        jax.ShapeDtypeStruct((MF_DIM, BATCH), jnp.float32),
        jax.ShapeDtypeStruct((MLP_DIM, BATCH), jnp.float32),
        jax.ShapeDtypeStruct((MLP_DIM, BATCH), jnp.float32),
    ],
    scratch_types=[
        pltpu.VMEM((_EPW,), jnp.int32),
        pltpu.VMEM((_EPW,), jnp.int32),
        pltpu.VMEM((MF_DIM, _RW), jnp.float32),
        pltpu.VMEM((MF_DIM, _RW), jnp.float32),
        pltpu.VMEM((MLP_DIM, _RW), jnp.float32),
        pltpu.VMEM((MLP_DIM, _RW), jnp.float32),
        pltpu.VMEM((MF_DIM, _RW), jnp.float32),
        pltpu.VMEM((MF_DIM, _RW), jnp.float32),
        pltpu.VMEM((MLP_DIM, _RW), jnp.float32),
        pltpu.VMEM((MLP_DIM, _RW), jnp.float32),
        pltpu.VMEM((MF_DIM, _EPW), jnp.float32),
        pltpu.VMEM((MF_DIM, _EPW), jnp.float32),
        pltpu.VMEM((MLP_DIM, _EPW), jnp.float32),
        pltpu.VMEM((MLP_DIM, _EPW), jnp.float32),
        pltpu.SemaphoreType.DMA,
        pltpu.SemaphoreType.DMA,
    ],
)(_sc_gather_body)


def _tc_mlp_body(mfu, mfi, mlu, mli, w1u, w1i, b1, w2, b2, wl, bl,
                 w2l_mf, w2l_mlp, b2l, out):
    h1 = jnp.maximum(
        jnp.dot(w1u[...], mlu[...], preferred_element_type=jnp.float32)
        + jnp.dot(w1i[...], mli[...], preferred_element_type=jnp.float32)
        + b1[...], 0.0)
    h2 = jnp.maximum(
        jnp.dot(w2[...], h1, preferred_element_type=jnp.float32) + b2[...], 0.0)
    mlp_vec = jnp.dot(wl[...], h2, preferred_element_type=jnp.float32) + bl[...]
    mf_vec = mfu[...] * mfi[...]
    z = (jnp.dot(w2l_mf[...], mf_vec, preferred_element_type=jnp.float32)
         + jnp.dot(w2l_mlp[...], mlp_vec, preferred_element_type=jnp.float32)
         + b2l[...])
    out[...] = jax.nn.sigmoid(z)


_TC_BLOCK = 8192


def _tc_mlp(mfu, mfi, mlu, mli, w1u, w1i, b1, w2, b2, wl, bl,
            w2l_mf, w2l_mlp, b2l):
    nblk = BATCH // _TC_BLOCK
    data_spec = lambda d: pl.BlockSpec((d, _TC_BLOCK), lambda i: (0, i))
    full_spec = lambda a: pl.BlockSpec(a.shape, lambda i: (0,) * a.ndim)
    return pl.pallas_call(
        _tc_mlp_body,
        grid=(nblk,),
        in_specs=[
            data_spec(MF_DIM), data_spec(MF_DIM),
            data_spec(MLP_DIM), data_spec(MLP_DIM),
            full_spec(w1u), full_spec(w1i), full_spec(b1),
            full_spec(w2), full_spec(b2), full_spec(wl), full_spec(bl),
            full_spec(w2l_mf), full_spec(w2l_mlp), full_spec(b2l),
        ],
        out_specs=pl.BlockSpec((1, _TC_BLOCK), lambda i: (0, i)),
        out_shape=jax.ShapeDtypeStruct((1, BATCH), jnp.float32),
    )(mfu, mfi, mlu, mli, w1u, w1i, b1, w2, b2, wl, bl,
      w2l_mf, w2l_mlp, b2l)


def kernel(uid, mid, mf_user, mf_item, mlp_user, mlp_item,
           W1, b1, W2, b2, Wl, bl, W2l, b2l):
    mfu_t, mfi_t, mlu_t, mli_t = _sc_gather(
        uid, mid, mf_user.T, mf_item.T, mlp_user.T, mlp_item.T)
    out = _tc_mlp(
        mfu_t, mfi_t, mlu_t, mli_t,
        W1[:, :MLP_DIM], W1[:, MLP_DIM:], b1.reshape(-1, 1),
        W2, b2.reshape(-1, 1), Wl, bl.reshape(-1, 1),
        W2l[:, :MF_DIM], W2l[:, MF_DIM:], b2l.reshape(1, 1),
    )
    return out.reshape(BATCH)

# --- scband reference (transcript-rebuilt; emitter-appended) ---
"""Pipeline reference for scband-neural-mf-70643622084817 (READ-ONLY COPY).

The authoritative reference and input builder live on the scoring server;
editing this copy changes nothing except your own understanding.
"""

import jax, jax.numpy as jnp
import numpy as np

NUM_USERS = 1000000
NUM_ITEMS = 1000000
MF_DIM = 16
LAYERS = [16, 32, 64]
BATCH = 16384


def setup_inputs(seed: int = 0) -> dict:
    key = jax.random.key(seed)
    ks = jax.random.split(key, 14)
    uid = jax.random.randint(ks[0], (BATCH,), 0, NUM_USERS, dtype=jnp.int64 if jax.config.jax_enable_x64 else jnp.int32).astype(jnp.int32)
    mid = jax.random.randint(ks[1], (BATCH,), 0, NUM_ITEMS, dtype=jnp.int64 if jax.config.jax_enable_x64 else jnp.int32).astype(jnp.int32)
    u = lambda k, shape: jax.random.uniform(k, shape, dtype=jnp.float32, minval=0.0, maxval=0.005)
    mf_user = u(ks[2], (NUM_USERS, MF_DIM))
    mf_item = u(ks[3], (NUM_ITEMS, MF_DIM))
    mlp_user = u(ks[4], (NUM_USERS, LAYERS[0] // 2))
    mlp_item = u(ks[5], (NUM_ITEMS, LAYERS[0] // 2))
    W1 = u(ks[6], (LAYERS[1], LAYERS[0]))
    b1 = jnp.zeros((LAYERS[1],), dtype=jnp.float32)
    W2 = u(ks[7], (LAYERS[2], LAYERS[1]))
    b2 = jnp.zeros((LAYERS[2],), dtype=jnp.float32)
    Wl = u(ks[8], (MF_DIM, LAYERS[2]))
    bl = jnp.zeros((MF_DIM,), dtype=jnp.float32)
    W2l = u(ks[9], (1, 2 * MF_DIM))
    b2l = jnp.zeros((1,), dtype=jnp.float32)
    return {"uid": uid, "mid": mid, "mf_user": mf_user, "mf_item": mf_item,
            "mlp_user": mlp_user, "mlp_item": mlp_item,
            "W1": W1, "b1": b1, "W2": W2, "b2": b2,
            "Wl": Wl, "bl": bl, "W2l": W2l, "b2l": b2l}


def reference(uid, mid, mf_user, mf_item, mlp_user, mlp_item, W1, b1, W2, b2, Wl, bl, W2l, b2l):
    mf_u = jnp.take(mf_user, uid, axis=0)
    mf_i = jnp.take(mf_item, mid, axis=0)
    mf_vec = mf_u * mf_i
    mlp_u = jnp.take(mlp_user, uid, axis=0)
    mlp_i = jnp.take(mlp_item, mid, axis=0)
    x = jnp.concatenate([mlp_u, mlp_i], axis=-1)
    x = jax.nn.relu(x @ W1.T + b1)
    x = jax.nn.relu(x @ W2.T + b2)
    mlp_vec = x @ Wl.T + bl
    vector = jnp.concatenate([mf_vec, mlp_vec], axis=-1)
    out = jax.nn.sigmoid(vector @ W2l.T + b2l)
    return out.squeeze(-1)

if __name__ == "__main__":
    import jax
    _d = setup_inputs()
    print(jax.jit(kernel)(*tuple(_d.values())))

</pallas_src>

<mosaic_0001>
#map = affine_map<(d0, d1) -> (0)>
#map1 = affine_map<(d0, d1) -> (0, 0)>
module attributes {stable_mosaic.version = 14 : i64} {
  func.func @_sc_gather_body(%arg0: i32, %arg1: i32, %arg2: memref<16384xi32, #tpu.memory_space<hbm>>, %arg3: memref<16384xi32, #tpu.memory_space<hbm>>, %arg4: memref<16x1000000xf32, #tpu.memory_space<hbm>>, %arg5: memref<16x1000000xf32, #tpu.memory_space<hbm>>, %arg6: memref<8x1000000xf32, #tpu.memory_space<hbm>>, %arg7: memref<8x1000000xf32, #tpu.memory_space<hbm>>, %arg8: memref<16x16384xf32, #tpu.memory_space<hbm>>, %arg9: memref<16x16384xf32, #tpu.memory_space<hbm>>, %arg10: memref<8x16384xf32, #tpu.memory_space<hbm>>, %arg11: memref<8x16384xf32, #tpu.memory_space<hbm>>, %arg12: memref<512xi32, #tpu.memory_space<vmem>>, %arg13: memref<512xi32, #tpu.memory_space<vmem>>, %arg14: memref<16x1024xf32, #tpu.memory_space<vmem>>, %arg15: memref<16x1024xf32, #tpu.memory_space<vmem>>, %arg16: memref<8x1024xf32, #tpu.memory_space<vmem>>, %arg17: memref<8x1024xf32, #tpu.memory_space<vmem>>, %arg18: memref<16x1024xf32, #tpu.memory_space<vmem>>, %arg19: memref<16x1024xf32, #tpu.memory_space<vmem>>, %arg20: memref<8x1024xf32, #tpu.memory_space<vmem>>, %arg21: memref<8x1024xf32, #tpu.memory_space<vmem>>, %arg22: memref<16x512xf32, #tpu.memory_space<vmem>>, %arg23: memref<16x512xf32, #tpu.memory_space<vmem>>, %arg24: memref<8x512xf32, #tpu.memory_space<vmem>>, %arg25: memref<8x512xf32, #tpu.memory_space<vmem>>, %arg26: memref<!tpu.dma_semaphore, #tpu.memory_space<semaphore_mem>>, %arg27: memref<!tpu.dma_semaphore, #tpu.memory_space<semaphore_mem>>) attributes {dimension_semantics = [#tpu.dimension_semantics<core_parallel>, #tpu.dimension_semantics<subcore_parallel>], iteration_bounds = array<i64: 2, 16>, scalar_prefetch = 0 : i64, scratch_operands = 16 : i64, tpu.core_type = #tpu.core_type<sc_vector_subcore>, window_params = [{transform_indices = #map}, {transform_indices = #map}, {transform_indices = #map1}, {transform_indices = #map1}, {transform_indices = #map1}, {transform_indices = #map1}, {transform_indices = #map1}, {transform_indices = #map1}, {transform_indices = #map1}, {transform_indices = #map1}]} {
    %mul3A = arith.constant 2 : i32
    %mul3A_0 = arith.muli %arg1, %mul3A : i32
    %add3A = arith.addi %mul3A_0, %arg0 : i32
    %mul3A_1 = arith.constant 512 : i32
    %mul3A_2 = arith.muli %add3A, %mul3A_1 : i32
    %multiple_of3A = tpu.assume_multiple %mul3A_2, 128 : i32
    "tpu.region"() ({
      %run_scoped3A = tpu.sem_alloc : memref<!tpu.dma_semaphore, #tpu.memory_space<semaphore_mem>>
      %dma_start3A_443 = tpu.memref_slice %arg2[%multiple_of3A] : memref<16384xi32, #tpu.memory_space<hbm>> -> memref<512xi32, #tpu.memory_space<hbm>>
      %dma_start3A_444 = tpu.memref_slice %arg2[%multiple_of3A] : memref<16384xi32, #tpu.memory_space<hbm>> -> memref<512xi32, #tpu.memory_space<hbm>>
      tpu.enqueue_dma source(%dma_start3A_444 : memref<512xi32, #tpu.memory_space<hbm>>) target(%arg12 : memref<512xi32, #tpu.memory_space<vmem>>) target_semaphore(%run_scoped3A : memref<!tpu.dma_semaphore, #tpu.memory_space<semaphore_mem>>)
      %dma_wait3A = tpu.memref_slice %arg2[%multiple_of3A] : memref<16384xi32, #tpu.memory_space<hbm>> -> memref<512xi32, #tpu.memory_space<hbm>>
      %dma_wait3A_445 = tpu.memref_slice %arg2[%multiple_of3A] : memref<16384xi32, #tpu.memory_space<hbm>> -> memref<512xi32, #tpu.memory_space<hbm>>
      tpu.wait_dma2 semaphore(%run_scoped3A : memref<!tpu.dma_semaphore, #tpu.memory_space<semaphore_mem>>) src(%dma_wait3A_445 : memref<512xi32, #tpu.memory_space<hbm>>) dst(%arg12 : memref<512xi32, #tpu.memory_space<vmem>>)
      tpu.yield
    }) : () -> ()
    "tpu.region"() ({
      %run_scoped3A = tpu.sem_alloc : memref<!tpu.dma_semaphore, #tpu.memory_space<semaphore_mem>>
      %dma_start3A_443 = tpu.memref_slice %arg3[%multiple_of3A] : memref<16384xi32, #tpu.memory_space<hbm>> -> memref<512xi32, #tpu.memory_space<hbm>>
      %dma_start3A_444 = tpu.memref_slice %arg3[%multiple_of3A] : memref<16384xi32, #tpu.memory_space<hbm>> -> memref<512xi32, #tpu.memory_space<hbm>>
      tpu.enqueue_dma source(%dma_start3A_444 : memref<512xi32, #tpu.memory_space<hbm>>) target(%arg13 : memref<512xi32, #tpu.memory_space<vmem>>) target_semaphore(%run_scoped3A : memref<!tpu.dma_semaphore, #tpu.memory_space<semaphore_mem>>)
      %dma_wait3A = tpu.memref_slice %arg3[%multiple_of3A] : memref<16384xi32, #tpu.memory_space<hbm>> -> memref<512xi32, #tpu.memory_space<hbm>>
      %dma_wait3A_445 = tpu.memref_slice %arg3[%multiple_of3A] : memref<16384xi32, #tpu.memory_space<hbm>> -> memref<512xi32, #tpu.memory_space<hbm>>
      tpu.wait_dma2 semaphore(%run_scoped3A : memref<!tpu.dma_semaphore, #tpu.memory_space<semaphore_mem>>) src(%dma_wait3A_445 : memref<512xi32, #tpu.memory_space<hbm>>) dst(%arg13 : memref<512xi32, #tpu.memory_space<vmem>>)
      tpu.yield
    }) : () -> ()
    %iota3A = tpu.iota {dimensions = array<i32: 0>} : vector<16xi32>
    %and3A = arith.constant 7 : i32
    %and3A_3 = vector.broadcast %and3A : i32 to vector<16xi32>
    %and3A_4 = arith.andi %iota3A, %and3A_3 : vector<16xi32>
    %lt3A = arith.constant 8 : i32
    %lt3A_5 = vector.broadcast %lt3A : i32 to vector<16xi32>
    %lt3A_6 = arith.cmpi slt, %iota3A, %lt3A_5 : vector<16xi32>
    %get3A = arith.constant 0 : index
    %get3A_7 = tpu.vector_load %arg12[%get3A] {strides = array<i32>} : memref<512xi32, #tpu.memory_space<vmem>>, vector<16xi32>,
    %get3A_8 = arith.constant 0 : index
    %get3A_9 = tpu.vector_load %arg13[%get3A_8] {strides = array<i32>} : memref<512xi32, #tpu.memory_space<vmem>>, vector<16xi32>,
    %slice3A = vector.extract_strided_slice %get3A_7 {offsets = [0], sizes = [1], strides = [1]} : vector<16xi32> to vector<1xi32>
    %squeeze3A = vector.extract %slice3A[0] : i32 from vector<1xi32>
    %slice3A_10 = vector.extract_strided_slice %get3A_9 {offsets = [0], sizes = [1], strides = [1]} : vector<16xi32> to vector<1xi32>
    %squeeze3A_11 = vector.extract %slice3A_10[0] : i32 from vector<1xi32>
    %shift_right_arithmetic3A = arith.constant 7 : i32
    %shift_right_arithmetic3A_12 = arith.shrsi %squeeze3A, %shift_right_arithmetic3A : i32
    %mul3A_13 = arith.constant 128 : i32
    %mul3A_14 = arith.muli %shift_right_arithmetic3A_12, %mul3A_13 : i32
    %multiple_of3A_15 = tpu.assume_multiple %mul3A_14, 128 : i32
    %shift_right_arithmetic3A_16 = arith.constant 7 : i32
    %shift_right_arithmetic3A_17 = arith.shrsi %squeeze3A_11, %shift_right_arithmetic3A_16 : i32
    %mul3A_18 = arith.constant 128 : i32
    %mul3A_19 = arith.muli %shift_right_arithmetic3A_17, %mul3A_18 : i32
    %multiple_of3A_20 = tpu.assume_multiple %mul3A_19, 128 : i32
    %dma_start3A = arith.constant 0 : i32
    %dma_start3A_21 = arith.constant 0 : i32
    %dma_start3A_22 = tpu.memref_slice %arg14[%dma_start3A, %dma_start3A_21] : memref<16x1024xf32, #tpu.memory_space<vmem>> -> memref<16x128xf32, #tpu.memory_space<vmem>>
    %dma_start3A_23 = arith.constant 0 : i32
    %dma_start3A_24 = tpu.memref_slice %arg4[%dma_start3A_23, %multiple_of3A_15] : memref<16x1000000xf32, #tpu.memory_space<hbm>> -> memref<16x128xf32, #tpu.memory_space<hbm>>
    %dma_start3A_25 = arith.constant 0 : i32
    %dma_start3A_26 = arith.constant 0 : i32
    %dma_start3A_27 = tpu.memref_slice %arg14[%dma_start3A_25, %dma_start3A_26] : memref<16x1024xf32, #tpu.memory_space<vmem>> -> memref<16x128xf32, #tpu.memory_space<vmem>>
    %dma_start3A_28 = arith.constant 0 : i32
    %dma_start3A_29 = tpu.memref_slice %arg4[%dma_start3A_28, %multiple_of3A_15] : memref<16x1000000xf32, #tpu.memory_space<hbm>> -> memref<16x128xf32, #tpu.memory_space<hbm>>
    tpu.enqueue_dma source(%dma_start3A_29 : memref<16x128xf32, #tpu.memory_space<hbm>>) target(%dma_start3A_27 : memref<16x128xf32, #tpu.memory_space<vmem>>) target_semaphore(%arg26 : memref<!tpu.dma_semaphore, #tpu.memory_space<semaphore_mem>>)
    %dma_start3A_30 = arith.constant 0 : i32
    %dma_start3A_31 = arith.constant 0 : i32
    %dma_start3A_32 = tpu.memref_slice %arg15[%dma_start3A_30, %dma_start3A_31] : memref<16x1024xf32, #tpu.memory_space<vmem>> -> memref<16x128xf32, #tpu.memory_space<vmem>>
    %dma_start3A_33 = arith.constant 0 : i32
    %dma_start3A_34 = tpu.memref_slice %arg5[%dma_start3A_33, %multiple_of3A_20] : memref<16x1000000xf32, #tpu.memory_space<hbm>> -> memref<16x128xf32, #tpu.memory_space<hbm>>
    %dma_start3A_35 = arith.constant 0 : i32
    %dma_start3A_36 = arith.constant 0 : i32
    %dma_start3A_37 = tpu.memref_slice %arg15[%dma_start3A_35, %dma_start3A_36] : memref<16x1024xf32, #tpu.memory_space<vmem>> -> memref<16x128xf32, #tpu.memory_space<vmem>>
    %dma_start3A_38 = arith.constant 0 : i32
    %dma_start3A_39 = tpu.memref_slice %arg5[%dma_start3A_38, %multiple_of3A_20] : memref<16x1000000xf32, #tpu.memory_space<hbm>> -> memref<16x128xf32, #tpu.memory_space<hbm>>
    tpu.enqueue_dma source(%dma_start3A_39 : memref<16x128xf32, #tpu.memory_space<hbm>>) target(%dma_start3A_37 : memref<16x128xf32, #tpu.memory_space<vmem>>) target_semaphore(%arg26 : memref<!tpu.dma_semaphore, #tpu.memory_space<semaphore_mem>>)
    %dma_start3A_40 = arith.constant 0 : i32
    %dma_start3A_41 = arith.constant 0 : i32
    %dma_start3A_42 = tpu.memref_slice %arg16[%dma_start3A_40, %dma_start3A_41] : memref<8x1024xf32, #tpu.memory_space<vmem>> -> memref<8x128xf32, #tpu.memory_space<vmem>>
    %dma_start3A_43 = arith.constant 0 : i32
    %dma_start3A_44 = tpu.memref_slice %arg6[%dma_start3A_43, %multiple_of3A_15] : memref<8x1000000xf32, #tpu.memory_space<hbm>> -> memref<8x128xf32, #tpu.memory_space<hbm>>
    %dma_start3A_45 = arith.constant 0 : i32
    %dma_start3A_46 = arith.constant 0 : i32
    %dma_start3A_47 = tpu.memref_slice %arg16[%dma_start3A_45, %dma_start3A_46] : memref<8x1024xf32, #tpu.memory_space<vmem>> -> memref<8x128xf32, #tpu.memory_space<vmem>>
    %dma_start3A_48 = arith.constant 0 : i32
    %dma_start3A_49 = tpu.memref_slice %arg6[%dma_start3A_48, %multiple_of3A_15] : memref<8x1000000xf32, #tpu.memory_space<hbm>> -> memref<8x128xf32, #tpu.memory_space<hbm>>
    tpu.enqueue_dma source(%dma_start3A_49 : memref<8x128xf32, #tpu.memory_space<hbm>>) target(%dma_start3A_47 : memref<8x128xf32, #tpu.memory_space<vmem>>) target_semaphore(%arg26 : memref<!tpu.dma_semaphore, #tpu.memory_space<semaphore_mem>>)
    %dma_start3A_50 = arith.constant 0 : i32
    %dma_start3A_51 = arith.constant 0 : i32
    %dma_start3A_52 = tpu.memref_slice %arg17[%dma_start3A_50, %dma_start3A_51] : memref<8x1024xf32, #tpu.memory_space<vmem>> -> memref<8x128xf32, #tpu.memory_space<vmem>>
    %dma_start3A_53 = arith.constant 0 : i32
    %dma_start3A_54 = tpu.memref_slice %arg7[%dma_start3A_53, %multiple_of3A_20] : memref<8x1000000xf32, #tpu.memory_space<hbm>> -> memref<8x128xf32, #tpu.memory_space<hbm>>
    %dma_start3A_55 = arith.constant 0 : i32
    %dma_start3A_56 = arith.constant 0 : i32
    %dma_start3A_57 = tpu.memref_slice %arg17[%dma_start3A_55, %dma_start3A_56] : memref<8x1024xf32, #tpu.memory_space<vmem>> -> memref<8x128xf32, #tpu.memory_space<vmem>>
    %dma_start3A_58 = arith.constant 0 : i32
    %dma_start3A_59 = tpu.memref_slice %arg7[%dma_start3A_58, %multiple_of3A_20] : memref<8x1000000xf32, #tpu.memory_space<hbm>> -> memref<8x128xf32, #tpu.memory_space<hbm>>
    tpu.enqueue_dma source(%dma_start3A_59 : memref<8x128xf32, #tpu.memory_space<hbm>>) target(%dma_start3A_57 : memref<8x128xf32, #tpu.memory_space<vmem>>) target_semaphore(%arg26 : memref<!tpu.dma_semaphore, #tpu.memory_space<semaphore_mem>>)
    %slice3A_60 = vector.extract_strided_slice %get3A_7 {offsets = [1], sizes = [1], strides = [1]} : vector<16xi32> to vector<1xi32>
    %squeeze3A_61 = vector.extract %slice3A_60[0] : i32 from vector<1xi32>
    %slice3A_62 = vector.extract_strided_slice %get3A_9 {offsets = [1], sizes = [1], strides = [1]} : vector<16xi32> to vector<1xi32>
    %squeeze3A_63 = vector.extract %slice3A_62[0] : i32 from vector<1xi32>
    %shift_right_arithmetic3A_64 = arith.constant 7 : i32
    %shift_right_arithmetic3A_65 = arith.shrsi %squeeze3A_61, %shift_right_arithmetic3A_64 : i32
    %mul3A_66 = arith.constant 128 : i32
    %mul3A_67 = arith.muli %shift_right_arithmetic3A_65, %mul3A_66 : i32
    %multiple_of3A_68 = tpu.assume_multiple %mul3A_67, 128 : i32
    %shift_right_arithmetic3A_69 = arith.constant 7 : i32
    %shift_right_arithmetic3A_70 = arith.shrsi %squeeze3A_63, %shift_right_arithmetic3A_69 : i32
    %mul3A_71 = arith.constant 128 : i32
    %mul3A_72 = arith.muli %shift_right_arithmetic3A_70, %mul3A_71 : i32
    %multiple_of3A_73 = tpu.assume_multiple %mul3A_72, 128 : i32
    %dma_start3A_74 = arith.constant 0 : i32
    %dma_start3A_75 = arith.constant 128 : i32
    %dma_start3A_76 = tpu.memref_slice %arg14[%dma_start3A_74, %dma_start3A_75] : memref<16x1024xf32, #tpu.memory_space<vmem>> -> memref<16x128xf32, #tpu.memory_space<vmem>>
    %dma_start3A_77 = arith.constant 0 : i32
    %dma_start3A_78 = tpu.memref_slice %arg4[%dma_start3A_77, %multiple_of3A_68] : memref<16x1000000xf32, #tpu.memory_space<hbm>> -> memref<16x128xf32, #tpu.memory_space<hbm>>
    %dma_start3A_79 = arith.constant 0 : i32
    %dma_start3A_80 = arith.constant 128 : i32
    %dma_start3A_81 = tpu.memref_slice %arg14[%dma_start3A_79, %dma_start3A_80] : memref<16x1024xf32, #tpu.memory_space<vmem>> -> memref<16x128xf32, #tpu.memory_space<vmem>>
    %dma_start3A_82 = arith.constant 0 : i32
    %dma_start3A_83 = tpu.memref_slice %arg4[%dma_start3A_82, %multiple_of3A_68] : memref<16x1000000xf32, #tpu.memory_space<hbm>> -> memref<16x128xf32, #tpu.memory_space<hbm>>
    tpu.enqueue_dma source(%dma_start3A_83 : memref<16x128xf32, #tpu.memory_space<hbm>>) target(%dma_start3A_81 : memref<16x128xf32, #tpu.memory_space<vmem>>) target_semaphore(%arg26 : memref<!tpu.dma_semaphore, #tpu.memory_space<semaphore_mem>>)
    %dma_start3A_84 = arith.constant 0 : i32
    %dma_start3A_85 = arith.constant 128 : i32
    %dma_start3A_86 = tpu.memref_slice %arg15[%dma_start3A_84, %dma_start3A_85] : memref<16x1024xf32, #tpu.memory_space<vmem>> -> memref<16x128xf32, #tpu.memory_space<vmem>>
    %dma_start3A_87 = arith.constant 0 : i32
    %dma_start3A_88 = tpu.memref_slice %arg5[%dma_start3A_87, %multiple_of3A_73] : memref<16x1000000xf32, #tpu.memory_space<hbm>> -> memref<16x128xf32, #tpu.memory_space<hbm>>
    %dma_start3A_89 = arith.constant 0 : i32
    %dma_start3A_90 = arith.constant 128 : i32
    %dma_start3A_91 = tpu.memref_slice %arg15[%dma_start3A_89, %dma_start3A_90] : memref<16x1024xf32, #tpu.memory_space<vmem>> -> memref<16x128xf32, #tpu.memory_space<vmem>>
    %dma_start3A_92 = arith.constant 0 : i32
    %dma_start3A_93 = tpu.memref_slice %arg5[%dma_start3A_92, %multiple_of3A_73] : memref<16x1000000xf32, #tpu.memory_space<hbm>> -> memref<16x128xf32, #tpu.memory_space<hbm>>
    tpu.enqueue_dma source(%dma_start3A_93 : memref<16x128xf32, #tpu.memory_space<hbm>>) target(%dma_start3A_91 : memref<16x128xf32, #tpu.memory_space<vmem>>) target_semaphore(%arg26 : memref<!tpu.dma_semaphore, #tpu.memory_space<semaphore_mem>>)
    %dma_start3A_94 = arith.constant 0 : i32
    %dma_start3A_95 = arith.constant 128 : i32
    %dma_start3A_96 = tpu.memref_slice %arg16[%dma_start3A_94, %dma_start3A_95] : memref<8x1024xf32, #tpu.memory_space<vmem>> -> memref<8x128xf32, #tpu.memory_space<vmem>>
    %dma_start3A_97 = arith.constant 0 : i32
    %dma_start3A_98 = tpu.memref_slice %arg6[%dma_start3A_97, %multiple_of3A_68] : memref<8x1000000xf32, #tpu.memory_space<hbm>> -> memref<8x128xf32, #tpu.memory_space<hbm>>
    %dma_start3A_99 = arith.constant 0 : i32
    %dma_start3A_100 = arith.constant 128 : i32
    %dma_start3A_101 = tpu.memref_slice %arg16[%dma_start3A_99, %dma_start3A_100] : memref<8x1024xf32, #tpu.memory_space<vmem>> -> memref<8x128xf32, #tpu.memory_space<vmem>>
    %dma_start3A_102 = arith.constant 0 : i32
    %dma_start3A_103 = tpu.memref_slice %arg6[%dma_start3A_102, %multiple_of3A_68] : memref<8x1000000xf32, #tpu.memory_space<hbm>> -> memref<8x128xf32, #tpu.memory_space<hbm>>
    tpu.enqueue_dma source(%dma_start3A_103 : memref<8x128xf32, #tpu.memory_space<hbm>>) target(%dma_start3A_101 : memref<8x128xf32, #tpu.memory_space<vmem>>) target_semaphore(%arg26 : memref<!tpu.dma_semaphore, #tpu.memory_space<semaphore_mem>>)
    %dma_start3A_104 = arith.constant 0 : i32
    %dma_start3A_105 = arith.constant 128 : i32
    %dma_start3A_106 = tpu.memref_slice %arg17[%dma_start3A_104, %dma_start3A_105] : memref<8x1024xf32, #tpu.memory_space<vmem>> -> memref<8x128xf32, #tpu.memory_space<vmem>>
    %dma_start3A_107 = arith.constant 0 : i32
    %dma_start3A_108 = tpu.memref_slice %arg7[%dma_start3A_107, %multiple_of3A_73] : memref<8x1000000xf32, #tpu.memory_space<hbm>> -> memref<8x128xf32, #tpu.memory_space<hbm>>
    %dma_start3A_109 = arith.constant 0 : i32
    %dma_start3A_110 = arith.constant 128 : i32
    %dma_start3A_111 = tpu.memref_slice %arg17[%dma_start3A_109, %dma_start3A_110] : memref<8x1024xf32, #tpu.memory_space<vmem>> -> memref<8x128xf32, #tpu.memory_space<vmem>>
    %dma_start3A_112 = arith.constant 0 : i32
    %dma_start3A_113 = tpu.memref_slice %arg7[%dma_start3A_112, %multiple_of3A_73] : memref<8x1000000xf32, #tpu.memory_space<hbm>> -> memref<8x128xf32, #tpu.memory_space<hbm>>
    tpu.enqueue_dma source(%dma_start3A_113 : memref<8x128xf32, #tpu.memory_space<hbm>>) target(%dma_start3A_111 : memref<8x128xf32, #tpu.memory_space<vmem>>) target_semaphore(%arg26 : memref<!tpu.dma_semaphore, #tpu.memory_space<semaphore_mem>>)
    %slice3A_114 = vector.extract_strided_slice %get3A_7 {offsets = [2], sizes = [1], strides = [1]} : vector<16xi32> to vector<1xi32>
    %squeeze3A_115 = vector.extract %slice3A_114[0] : i32 from vector<1xi32>
    %slice3A_116 = vector.extract_strided_slice %get3A_9 {offsets = [2], sizes = [1], strides = [1]} : vector<16xi32> to vector<1xi32>
    %squeeze3A_117 = vector.extract %slice3A_116[0] : i32 from vector<1xi32>
    %shift_right_arithmetic3A_118 = arith.constant 7 : i32
    %shift_right_arithmetic3A_119 = arith.shrsi %squeeze3A_115, %shift_right_arithmetic3A_118 : i32
    %mul3A_120 = arith.constant 128 : i32
    %mul3A_121 = arith.muli %shift_right_arithmetic3A_119, %mul3A_120 : i32
    %multiple_of3A_122 = tpu.assume_multiple %mul3A_121, 128 : i32
    %shift_right_arithmetic3A_123 = arith.constant 7 : i32
    %shift_right_arithmetic3A_124 = arith.shrsi %squeeze3A_117, %shift_right_arithmetic3A_123 : i32
    %mul3A_125 = arith.constant 128 : i32
    %mul3A_126 = arith.muli %shift_right_arithmetic3A_124, %mul3A_125 : i32
    %multiple_of3A_127 = tpu.assume_multiple %mul3A_126, 128 : i32
    %dma_start3A_128 = arith.constant 0 : i32
    %dma_start3A_129 = arith.constant 256 : i32
    %dma_start3A_130 = tpu.memref_slice %arg14[%dma_start3A_128, %dma_start3A_129] : memref<16x1024xf32, #tpu.memory_space<vmem>> -> memref<16x128xf32, #tpu.memory_space<vmem>>
    %dma_start3A_131 = arith.constant 0 : i32
    %dma_start3A_132 = tpu.memref_slice %arg4[%dma_start3A_131, %multiple_of3A_122] : memref<16x1000000xf32, #tpu.memory_space<hbm>> -> memref<16x128xf32, #tpu.memory_space<hbm>>
    %dma_start3A_133 = arith.constant 0 : i32
    %dma_start3A_134 = arith.constant 256 : i32
    %dma_start3A_135 = tpu.memref_slice %arg14[%dma_start3A_133, %dma_start3A_134] : memref<16x1024xf32, #tpu.memory_space<vmem>> -> memref<16x128xf32, #tpu.memory_space<vmem>>
    %dma_start3A_136 = arith.constant 0 : i32
    %dma_start3A_137 = tpu.memref_slice %arg4[%dma_start3A_136, %multiple_of3A_122] : memref<16x1000000xf32, #tpu.memory_space<hbm>> -> memref<16x128xf32, #tpu.memory_space<hbm>>
    tpu.enqueue_dma source(%dma_start3A_137 : memref<16x128xf32, #tpu.memory_space<hbm>>) target(%dma_start3A_135 : memref<16x128xf32, #tpu.memory_space<vmem>>) target_semaphore(%arg26 : memref<!tpu.dma_semaphore, #tpu.memory_space<semaphore_mem>>)
    %dma_start3A_138 = arith.constant 0 : i32
    %dma_start3A_139 = arith.constant 256 : i32
    %dma_start3A_140 = tpu.memref_slice %arg15[%dma_start3A_138, %dma_start3A_139] : memref<16x1024xf32, #tpu.memory_space<vmem>> -> memref<16x128xf32, #tpu.memory_space<vmem>>
    %dma_start3A_141 = arith.constant 0 : i32
    %dma_start3A_142 = tpu.memref_slice %arg5[%dma_start3A_141, %multiple_of3A_127] : memref<16x1000000xf32, #tpu.memory_space<hbm>> -> memref<16x128xf32, #tpu.memory_space<hbm>>
    %dma_start3A_143 = arith.constant 0 : i32
    %dma_start3A_144 = arith.constant 256 : i32
    %dma_start3A_145 = tpu.memref_slice %arg15[%dma_start3A_143, %dma_start3A_144] : memref<16x1024xf32, #tpu.memory_space<vmem>> -> memref<16x128xf32, #tpu.memory_space<vmem>>
    %dma_start3A_146 = arith.constant 0 : i32
    %dma_start3A_147 = tpu.memref_slice %arg5[%dma_start3A_146, %multiple_of3A_127] : memref<16x1000000xf32, #tpu.memory_space<hbm>> -> memref<16x128xf32, #tpu.memory_space<hbm>>
    tpu.enqueue_dma source(%dma_start3A_147 : memref<16x128xf32, #tpu.memory_space<hbm>>) target(%dma_start3A_145 : memref<16x128xf32, #tpu.memory_space<vmem>>) target_semaphore(%arg26 : memref<!tpu.dma_semaphore, #tpu.memory_space<semaphore_mem>>)
    %dma_start3A_148 = arith.constant 0 : i32
    %dma_start3A_149 = arith.constant 256 : i32
    %dma_start3A_150 = tpu.memref_slice %arg16[%dma_start3A_148, %dma_start3A_149] : memref<8x1024xf32, #tpu.memory_space<vmem>> -> memref<8x128xf32, #tpu.memory_space<vmem>>
    %dma_start3A_151 = arith.constant 0 : i32
    %dma_start3A_152 = tpu.memref_slice %arg6[%dma_start3A_151, %multiple_of3A_122] : memref<8x1000000xf32, #tpu.memory_space<hbm>> -> memref<8x128xf32, #tpu.memory_space<hbm>>
    %dma_start3A_153 = arith.constant 0 : i32
    %dma_start3A_154 = arith.constant 256 : i32
    %dma_start3A_155 = tpu.memref_slice %arg16[%dma_start3A_153, %dma_start3A_154] : memref<8x1024xf32, #tpu.memory_space<vmem>> -> memref<8x128xf32, #tpu.memory_space<vmem>>
    %dma_start3A_156 = arith.constant 0 : i32
    %dma_start3A_157 = tpu.memref_slice %arg6[%dma_start3A_156, %multiple_of3A_122] : memref<8x1000000xf32, #tpu.memory_space<hbm>> -> memref<8x128xf32, #tpu.memory_space<hbm>>
    tpu.enqueue_dma source(%dma_start3A_157 : memref<8x128xf32, #tpu.memory_space<hbm>>) target(%dma_start3A_155 : memref<8x128xf32, #tpu.memory_space<vmem>>) target_semaphore(%arg26 : memref<!tpu.dma_semaphore, #tpu.memory_space<semaphore_mem>>)
    %dma_start3A_158 = arith.constant 0 : i32
    %dma_start3A_159 = arith.constant 256 : i32
    %dma_start3A_160 = tpu.memref_slice %arg17[%dma_start3A_158, %dma_start3A_159] : memref<8x1024xf32, #tpu.memory_space<vmem>> -> memref<8x128xf32, #tpu.memory_space<vmem>>
    %dma_start3A_161 = arith.constant 0 : i32
    %dma_start3A_162 = tpu.memref_slice %arg7[%dma_start3A_161, %multiple_of3A_127] : memref<8x1000000xf32, #tpu.memory_space<hbm>> -> memref<8x128xf32, #tpu.memory_space<hbm>>
    %dma_start3A_163 = arith.constant 0 : i32
    %dma_start3A_164 = arith.constant 256 : i32
    %dma_start3A_165 = tpu.memref_slice %arg17[%dma_start3A_163, %dma_start3A_164] : memref<8x1024xf32, #tpu.memory_space<vmem>> -> memref<8x128xf32, #tpu.memory_space<vmem>>
    %dma_start3A_166 = arith.constant 0 : i32
    %dma_start3A_167 = tpu.memref_slice %arg7[%dma_start3A_166, %multiple_of3A_127] : memref<8x1000000xf32, #tpu.memory_space<hbm>> -> memref<8x128xf32, #tpu.memory_space<hbm>>
    tpu.enqueue_dma source(%dma_start3A_167 : memref<8x128xf32, #tpu.memory_space<hbm>>) target(%dma_start3A_165 : memref<8x128xf32, #tpu.memory_space<vmem>>) target_semaphore(%arg26 : memref<!tpu.dma_semaphore, #tpu.memory_space<semaphore_mem>>)
    %slice3A_168 = vector.extract_strided_slice %get3A_7 {offsets = [3], sizes = [1], strides = [1]} : vector<16xi32> to vector<1xi32>
    %squeeze3A_169 = vector.extract %slice3A_168[0] : i32 from vector<1xi32>
    %slice3A_170 = vector.extract_strided_slice %get3A_9 {offsets = [3], sizes = [1], strides = [1]} : vector<16xi32> to vector<1xi32>
    %squeeze3A_171 = vector.extract %slice3A_170[0] : i32 from vector<1xi32>
    %shift_right_arithmetic3A_172 = arith.constant 7 : i32
    %shift_right_arithmetic3A_173 = arith.shrsi %squeeze3A_169, %shift_right_arithmetic3A_172 : i32
    %mul3A_174 = arith.constant 128 : i32
    %mul3A_175 = arith.muli %shift_right_arithmetic3A_173, %mul3A_174 : i32
    %multiple_of3A_176 = tpu.assume_multiple %mul3A_175, 128 : i32
    %shift_right_arithmetic3A_177 = arith.constant 7 : i32
    %shift_right_arithmetic3A_178 = arith.shrsi %squeeze3A_171, %shift_right_arithmetic3A_177 : i32
    %mul3A_179 = arith.constant 128 : i32
    %mul3A_180 = arith.muli %shift_right_arithmetic3A_178, %mul3A_179 : i32
    %multiple_of3A_181 = tpu.assume_multiple %mul3A_180, 128 : i32
    %dma_start3A_182 = arith.constant 0 : i32
    %dma_start3A_183 = arith.constant 384 : i32
    %dma_start3A_184 = tpu.memref_slice %arg14[%dma_start3A_182, %dma_start3A_183] : memref<16x1024xf32, #tpu.memory_space<vmem>> -> memref<16x128xf32, #tpu.memory_space<vmem>>
    %dma_start3A_185 = arith.constant 0 : i32
    %dma_start3A_186 = tpu.memref_slice %arg4[%dma_start3A_185, %multiple_of3A_176] : memref<16x1000000xf32, #tpu.memory_space<hbm>> -> memref<16x128xf32, #tpu.memory_space<hbm>>
    %dma_start3A_187 = arith.constant 0 : i32
    %dma_start3A_188 = arith.constant 384 : i32
    %dma_start3A_189 = tpu.memref_slice %arg14[%dma_start3A_187, %dma_start3A_188] : memref<16x1024xf32, #tpu.memory_space<vmem>> -> memref<16x128xf32, #tpu.memory_space<vmem>>
    %dma_start3A_190 = arith.constant 0 : i32
    %dma_start3A_191 = tpu.memref_slice %arg4[%dma_start3A_190, %multiple_of3A_176] : memref<16x1000000xf32, #tpu.memory_space<hbm>> -> memref<16x128xf32, #tpu.memory_space<hbm>>
    tpu.enqueue_dma source(%dma_start3A_191 : memref<16x128xf32, #tpu.memory_space<hbm>>) target(%dma_start3A_189 : memref<16x128xf32, #tpu.memory_space<vmem>>) target_semaphore(%arg26 : memref<!tpu.dma_semaphore, #tpu.memory_space<semaphore_mem>>)
    %dma_start3A_192 = arith.constant 0 : i32
    %dma_start3A_193 = arith.constant 384 : i32
    %dma_start3A_194 = tpu.memref_slice %arg15[%dma_start3A_192, %dma_start3A_193] : memref<16x1024xf32, #tpu.memory_space<vmem>> -> memref<16x128xf32, #tpu.memory_space<vmem>>
    %dma_start3A_195 = arith.constant 0 : i32
    %dma_start3A_196 = tpu.memref_slice %arg5[%dma_start3A_195, %multiple_of3A_181] : memref<16x1000000xf32, #tpu.memory_space<hbm>> -> memref<16x128xf32, #tpu.memory_space<hbm>>
    %dma_start3A_197 = arith.constant 0 : i32
    %dma_start3A_198 = arith.constant 384 : i32
    %dma_start3A_199 = tpu.memref_slice %arg15[%dma_start3A_197, %dma_start3A_198] : memref<16x1024xf32, #tpu.memory_space<vmem>> -> memref<16x128xf32, #tpu.memory_space<vmem>>
    %dma_start3A_200 = arith.constant 0 : i32
    %dma_start3A_201 = tpu.memref_slice %arg5[%dma_start3A_200, %multiple_of3A_181] : memref<16x1000000xf32, #tpu.memory_space<hbm>> -> memref<16x128xf32, #tpu.memory_space<hbm>>
    tpu.enqueue_dma source(%dma_start3A_201 : memref<16x128xf32, #tpu.memory_space<hbm>>) target(%dma_start3A_199 : memref<16x128xf32, #tpu.memory_space<vmem>>) target_semaphore(%arg26 : memref<!tpu.dma_semaphore, #tpu.memory_space<semaphore_mem>>)
    %dma_start3A_202 = arith.constant 0 : i32
    %dma_start3A_203 = arith.constant 384 : i32
    %dma_start3A_204 = tpu.memref_slice %arg16[%dma_start3A_202, %dma_start3A_203] : memref<8x1024xf32, #tpu.memory_space<vmem>> -> memref<8x128xf32, #tpu.memory_space<vmem>>
    %dma_start3A_205 = arith.constant 0 : i32
    %dma_start3A_206 = tpu.memref_slice %arg6[%dma_start3A_205, %multiple_of3A_176] : memref<8x1000000xf32, #tpu.memory_space<hbm>> -> memref<8x128xf32, #tpu.memory_space<hbm>>
    %dma_start3A_207 = arith.constant 0 : i32
    %dma_start3A_208 = arith.constant 384 : i32
    %dma_start3A_209 = tpu.memref_slice %arg16[%dma_start3A_207, %dma_start3A_208] : memref<8x1024xf32, #tpu.memory_space<vmem>> -> memref<8x128xf32, #tpu.memory_space<vmem>>
    %dma_start3A_210 = arith.constant 0 : i32
    %dma_start3A_211 = tpu.memref_slice %arg6[%dma_start3A_210, %multiple_of3A_176] : memref<8x1000000xf32, #tpu.memory_space<hbm>> -> memref<8x128xf32, #tpu.memory_space<hbm>>
    tpu.enqueue_dma source(%dma_start3A_211 : memref<8x128xf32, #tpu.memory_space<hbm>>) target(%dma_start3A_209 : memref<8x128xf32, #tpu.memory_space<vmem>>) target_semaphore(%arg26 : memref<!tpu.dma_semaphore, #tpu.memory_space<semaphore_mem>>)
    %dma_start3A_212 = arith.constant 0 : i32
    %dma_start3A_213 = arith.constant 384 : i32
    %dma_start3A_214 = tpu.memref_slice %arg17[%dma_start3A_212, %dma_start3A_213] : memref<8x1024xf32, #tpu.memory_space<vmem>> -> memref<8x128xf32, #tpu.memory_space<vmem>>
    %dma_start3A_215 = arith.constant 0 : i32
    %dma_start3A_216 = tpu.memref_slice %arg7[%dma_start3A_215, %multiple_of3A_181] : memref<8x1000000xf32, #tpu.memory_space<hbm>> -> memref<8x128xf32, #tpu.memory_space<hbm>>
    %dma_start3A_217 = arith.constant 0 : i32
    %dma_start3A_218 = arith.constant 384 : i32
    %dma_start3A_219 = tpu.memref_slice %arg17[%dma_start3A_217, %dma_start3A_218] : memref<8x1024xf32, #tpu.memory_space<vmem>> -> memref<8x128xf32, #tpu.memory_space<vmem>>
    %dma_start3A_220 = arith.constant 0 : i32
    %dma_start3A_221 = tpu.memref_slice %arg7[%dma_start3A_220, %multiple_of3A_181] : memref<8x1000000xf32, #tpu.memory_space<hbm>> -> memref<8x128xf32, #tpu.memory_space<hbm>>
    tpu.enqueue_dma source(%dma_start3A_221 : memref<8x128xf32, #tpu.memory_space<hbm>>) target(%dma_start3A_219 : memref<8x128xf32, #tpu.memory_space<vmem>>) target_semaphore(%arg26 : memref<!tpu.dma_semaphore, #tpu.memory_space<semaphore_mem>>)
    %slice3A_222 = vector.extract_strided_slice %get3A_7 {offsets = [4], sizes = [1], strides = [1]} : vector<16xi32> to vector<1xi32>
    %squeeze3A_223 = vector.extract %slice3A_222[0] : i32 from vector<1xi32>
    %slice3A_224 = vector.extract_strided_slice %get3A_9 {offsets = [4], sizes = [1], strides = [1]} : vector<16xi32> to vector<1xi32>
    %squeeze3A_225 = vector.extract %slice3A_224[0] : i32 from vector<1xi32>
    %shift_right_arithmetic3A_226 = arith.constant 7 : i32
    %shift_right_arithmetic3A_227 = arith.shrsi %squeeze3A_223, %shift_right_arithmetic3A_226 : i32
    %mul3A_228 = arith.constant 128 : i32
    %mul3A_229 = arith.muli %shift_right_arithmetic3A_227, %mul3A_228 : i32
    %multiple_of3A_230 = tpu.assume_multiple %mul3A_229, 128 : i32
    %shift_right_arithmetic3A_231 = arith.constant 7 : i32
    %shift_right_arithmetic3A_232 = arith.shrsi %squeeze3A_225, %shift_right_arithmetic3A_231 : i32
    %mul3A_233 = arith.constant 128 : i32
    %mul3A_234 = arith.muli %shift_right_arithmetic3A_232, %mul3A_233 : i32
    %multiple_of3A_235 = tpu.assume_multiple %mul3A_234, 128 : i32
    %dma_start3A_236 = arith.constant 0 : i32
    %dma_start3A_237 = arith.constant 512 : i32
    %dma_start3A_238 = tpu.memref_slice %arg14[%dma_start3A_236, %dma_start3A_237] : memref<16x1024xf32, #tpu.memory_space<vmem>> -> memref<16x128xf32, #tpu.memory_space<vmem>>
    %dma_start3A_239 = arith.constant 0 : i32
    %dma_start3A_240 = tpu.memref_slice %arg4[%dma_start3A_239, %multiple_of3A_230] : memref<16x1000000xf32, #tpu.memory_space<hbm>> -> memref<16x128xf32, #tpu.memory_space<hbm>>
    %dma_start3A_241 = arith.constant 0 : i32
    %dma_start3A_242 = arith.constant 512 : i32
    %dma_start3A_243 = tpu.memref_slice %arg14[%dma_start3A_241, %dma_start3A_242] : memref<16x1024xf32, #tpu.memory_space<vmem>> -> memref<16x128xf32, #tpu.memory_space<vmem>>
    %dma_start3A_244 = arith.constant 0 : i32
    %dma_start3A_245 = tpu.memref_slice %arg4[%dma_start3A_244, %multiple_of3A_230] : memref<16x1000000xf32, #tpu.memory_space<hbm>> -> memref<16x128xf32, #tpu.memory_space<hbm>>
    tpu.enqueue_dma source(%dma_start3A_245 : memref<16x128xf32, #tpu.memory_space<hbm>>) target(%dma_start3A_243 : memref<16x128xf32, #tpu.memory_space<vmem>>) target_semaphore(%arg26 : memref<!tpu.dma_semaphore, #tpu.memory_space<semaphore_mem>>)
    %dma_start3A_246 = arith.constant 0 : i32
    %dma_start3A_247 = arith.constant 512 : i32
    %dma_start3A_248 = tpu.memref_slice %arg15[%dma_start3A_246, %dma_start3A_247] : memref<16x1024xf32, #tpu.memory_space<vmem>> -> memref<16x128xf32, #tpu.memory_space<vmem>>
    %dma_start3A_249 = arith.constant 0 : i32
    %dma_start3A_250 = tpu.memref_slice %arg5[%dma_start3A_249, %multiple_of3A_235] : memref<16x1000000xf32, #tpu.memory_space<hbm>> -> memref<16x128xf32, #tpu.memory_space<hbm>>
    %dma_start3A_251 = arith.constant 0 : i32
    %dma_start3A_252 = arith.constant 512 : i32
    %dma_start3A_253 = tpu.memref_slice %arg15[%dma_start3A_251, %dma_start3A_252] : memref<16x1024xf32, #tpu.memory_space<vmem>> -> memref<16x128xf32, #tpu.memory_space<vmem>>
    %dma_start3A_254 = arith.constant 0 : i32
    %dma_start3A_255 = tpu.memref_slice %arg5[%dma_start3A_254, %multiple_of3A_235] : memref<16x1000000xf32, #tpu.memory_space<hbm>> -> memref<16x128xf32, #tpu.memory_space<hbm>>
    tpu.enqueue_dma source(%dma_start3A_255 : memref<16x128xf32, #tpu.memory_space<hbm>>) target(%dma_start3A_253 : memref<16x128xf32, #tpu.memory_space<vmem>>) target_semaphore(%arg26 : memref<!tpu.dma_semaphore, #tpu.memory_space<semaphore_mem>>)
    %dma_start3A_256 = arith.constant 0 : i32
    %dma_start3A_257 = arith.constant 512 : i32
    %dma_start3A_258 = tpu.memref_slice %arg16[%dma_start3A_256, %dma_start3A_257] : memref<8x1024xf32, #tpu.memory_space<vmem>> -> memref<8x128xf32, #tpu.memory_space<vmem>>
    %dma_start3A_259 = arith.constant 0 : i32
    %dma_start3A_260 = tpu.memref_slice %arg6[%dma_start3A_259, %multiple_of3A_230] : memref<8x1000000xf32, #tpu.memory_space<hbm>> -> memref<8x128xf32, #tpu.memory_space<hbm>>
    %dma_start3A_261 = arith.constant 0 : i32
    %dma_start3A_262 = arith.constant 512 : i32
    %dma_start3A_263 = tpu.memref_slice %arg16[%dma_start3A_261, %dma_start3A_262] : memref<8x1024xf32, #tpu.memory_space<vmem>> -> memref<8x128xf32, #tpu.memory_space<vmem>>
    %dma_start3A_264 = arith.constant 0 : i32
    %dma_start3A_265 = tpu.memref_slice %arg6[%dma_start3A_264, %multiple_of3A_230] : memref<8x1000000xf32, #tpu.memory_space<hbm>> -> memref<8x128xf32, #tpu.memory_space<hbm>>
    tpu.enqueue_dma source(%dma_start3A_265 : memref<8x128xf32, #tpu.memory_space<hbm>>) target(%dma_start3A_263 : memref<8x128xf32, #tpu.memory_space<vmem>>) target_semaphore(%arg26 : memref<!tpu.dma_semaphore, #tpu.memory_space<semaphore_mem>>)
    %dma_start3A_266 = arith.constant 0 : i32
    %dma_start3A_267 = arith.constant 512 : i32
    %dma_start3A_268 = tpu.memref_slice %arg17[%dma_start3A_266, %dma_start3A_267] : memref<8x1024xf32, #tpu.memory_space<vmem>> -> memref<8x128xf32, #tpu.memory_space<vmem>>
    %dma_start3A_269 = arith.constant 0 : i32
    %dma_start3A_270 = tpu.memref_slice %arg7[%dma_start3A_269, %multiple_of3A_235] : memref<8x1000000xf32, #tpu.memory_space<hbm>> -> memref<8x128xf32, #tpu.memory_space<hbm>>
    %dma_start3A_271 = arith.constant 0 : i32
    %dma_start3A_272 = arith.constant 512 : i32
    %dma_start3A_273 = tpu.memref_slice %arg17[%dma_start3A_271, %dma_start3A_272] : memref<8x1024xf32, #tpu.memory_space<vmem>> -> memref<8x128xf32, #tpu.memory_space<vmem>>
    %dma_start3A_274 = arith.constant 0 : i32
    %dma_start3A_275 = tpu.memref_slice %arg7[%dma_start3A_274, %multiple_of3A_235] : memref<8x1000000xf32, #tpu.memory_space<hbm>> -> memref<8x128xf32, #tpu.memory_space<hbm>>
    tpu.enqueue_dma source(%dma_start3A_275 : memref<8x128xf32, #tpu.memory_space<hbm>>) target(%dma_start3A_273 : memref<8x128xf32, #tpu.memory_space<vmem>>) target_semaphore(%arg26 : memref<!tpu.dma_semaphore, #tpu.memory_space<semaphore_mem>>)
    %slice3A_276 = vector.extract_strided_slice %get3A_7 {offsets = [5], sizes = [1], strides = [1]} : vector<16xi32> to vector<1xi32>
    %squeeze3A_277 = vector.extract %slice3A_276[0] : i32 from vector<1xi32>
    %slice3A_278 = vector.extract_strided_slice %get3A_9 {offsets = [5], sizes = [1], strides = [1]} : vector<16xi32> to vector<1xi32>
    %squeeze3A_279 = vector.extract %slice3A_278[0] : i32 from vector<1xi32>
    %shift_right_arithmetic3A_280 = arith.constant 7 : i32
    %shift_right_arithmetic3A_281 = arith.shrsi %squeeze3A_277, %shift_right_arithmetic3A_280 : i32
    %mul3A_282 = arith.constant 128 : i32
    %mul3A_283 = arith.muli %shift_right_arithmetic3A_281, %mul3A_282 : i32
    %multiple_of3A_284 = tpu.assume_multiple %mul3A_283, 128 : i32
    %shift_right_arithmetic3A_285 = arith.constant 7 : i32
    %shift_right_arithmetic3A_286 = arith.shrsi %squeeze3A_279, %shift_right_arithmetic3A_285 : i32
    %mul3A_287 = arith.constant 128 : i32
    %mul3A_288 = arith.muli %shift_right_arithmetic3A_286, %mul3A_287 : i32
    %multiple_of3A_289 = tpu.assume_multiple %mul3A_288, 128 : i32
    %dma_start3A_290 = arith.constant 0 : i32
    %dma_start3A_291 = arith.constant 640 : i32
    %dma_start3A_292 = tpu.memref_slice %arg14[%dma_start3A_290, %dma_start3A_291] : memref<16x1024xf32, #tpu.memory_space<vmem>> -> memref<16x128xf32, #tpu.memory_space<vmem>>
    %dma_start3A_293 = arith.constant 0 : i32
    %dma_start3A_294 = tpu.memref_slice %arg4[%dma_start3A_293, %multiple_of3A_284] : memref<16x1000000xf32, #tpu.memory_space<hbm>> -> memref<16x128xf32, #tpu.memory_space<hbm>>
    %dma_start3A_295 = arith.constant 0 : i32
    %dma_start3A_296 = arith.constant 640 : i32
    %dma_start3A_297 = tpu.memref_slice %arg14[%dma_start3A_295, %dma_start3A_296] : memref<16x1024xf32, #tpu.memory_space<vmem>> -> memref<16x128xf32, #tpu.memory_space<vmem>>
    %dma_start3A_298 = arith.constant 0 : i32
    %dma_start3A_299 = tpu.memref_slice %arg4[%dma_start3A_298, %multiple_of3A_284] : memref<16x1000000xf32, #tpu.memory_space<hbm>> -> memref<16x128xf32, #tpu.memory_space<hbm>>
    tpu.enqueue_dma source(%dma_start3A_299 : memref<16x128xf32, #tpu.memory_space<hbm>>) target(%dma_start3A_297 : memref<16x128xf32, #tpu.memory_space<vmem>>) target_semaphore(%arg26 : memref<!tpu.dma_semaphore, #tpu.memory_space<semaphore_mem>>)
    %dma_start3A_300 = arith.constant 0 : i32
    %dma_start3A_301 = arith.constant 640 : i32
    %dma_start3A_302 = tpu.memref_slice %arg15[%dma_start3A_300, %dma_start3A_301] : memref<16x1024xf32, #tpu.memory_space<vmem>> -> memref<16x128xf32, #tpu.memory_space<vmem>>
    %dma_start3A_303 = arith.constant 0 : i32
    %dma_start3A_304 = tpu.memref_slice %arg5[%dma_start3A_303, %multiple_of3A_289] : memref<16x1000000xf32, #tpu.memory_space<hbm>> -> memref<16x128xf32, #tpu.memory_space<hbm>>
    %dma_start3A_305 = arith.constant 0 : i32
    %dma_start3A_306 = arith.constant 640 : i32
    %dma_start3A_307 = tpu.memref_slice %arg15[%dma_start3A_305, %dma_start3A_306] : memref<16x1024xf32, #tpu.memory_space<vmem>> -> memref<16x128xf32, #tpu.memory_space<vmem>>
    %dma_start3A_308 = arith.constant 0 : i32
    %dma_start3A_309 = tpu.memref_slice %arg5[%dma_start3A_308, %multiple_of3A_289] : memref<16x1000000xf32, #tpu.memory_space<hbm>> -> memref<16x128xf32, #tpu.memory_space<hbm>>
    tpu.enqueue_dma source(%dma_start3A_309 : memref<16x128xf32, #tpu.memory_space<hbm>>) target(%dma_start3A_307 : memref<16x128xf32, #tpu.memory_space<vmem>>) target_semaphore(%arg26 : memref<!tpu.dma_semaphore, #tpu.memory_space<semaphore_mem>>)
    %dma_start3A_310 = arith.constant 0 : i32
    %dma_start3A_311 = arith.constant 640 : i32
    %dma_start3A_312 = tpu.memref_slice %arg16[%dma_start3A_310, %dma_start3A_311] : memref<8x1024xf32, #tpu.memory_space<vmem>> -> memref<8x128xf32, #tpu.memory_space<vmem>>
    %dma_start3A_313 = arith.constant 0 : i32
    %dma_start3A_314 = tpu.memref_slice %arg6[%dma_start3A_313, %multiple_of3A_284] : memref<8x1000000xf32, #tpu.memory_space<hbm>> -> memref<8x128xf32, #tpu.memory_space<hbm>>
    %dma_start3A_315 = arith.constant 0 : i32
    %dma_start3A_316 = arith.constant 640 : i32
    %dma_start3A_317 = tpu.memref_slice %arg16[%dma_start3A_315, %dma_start3A_316] : memref<8x1024xf32, #tpu.memory_space<vmem>> -> memref<8x128xf32, #tpu.memory_space<vmem>>
    %dma_start3A_318 = arith.constant 0 : i32
    %dma_start3A_319 = tpu.memref_slice %arg6[%dma_start3A_318, %multiple_of3A_284] : memref<8x1000000xf32, #tpu.memory_space<hbm>> -> memref<8x128xf32, #tpu.memory_space<hbm>>
    tpu.enqueue_dma source(%dma_start3A_319 : memref<8x128xf32, #tpu.memory_space<hbm>>) target(%dma_start3A_317 : memref<8x128xf32, #tpu.memory_space<vmem>>) target_semaphore(%arg26 : memref<!tpu.dma_semaphore, #tpu.memory_space<semaphore_mem>>)
    %dma_start3A_320 = arith.constant 0 : i32
    %dma_start3A_321 = arith.constant 640 : i32
    %dma_start3A_322 = tpu.memref_slice %arg17[%dma_start3A_320, %dma_start3A_321] : memref<8x1024xf32, #tpu.memory_space<vmem>> -> memref<8x128xf32, #tpu.memory_space<vmem>>
    %dma_start3A_323 = arith.constant 0 : i32
    %dma_start3A_324 = tpu.memref_slice %arg7[%dma_start3A_323, %multiple_of3A_289] : memref<8x1000000xf32, #tpu.memory_space<hbm>> -> memref<8x128xf32, #tpu.memory_space<hbm>>
    %dma_start3A_325 = arith.constant 0 : i32
    %dma_start3A_326 = arith.constant 640 : i32
    %dma_start3A_327 = tpu.memref_slice %arg17[%dma_start3A_325, %dma_start3A_326] : memref<8x1024xf32, #tpu.memory_space<vmem>> -> memref<8x128xf32, #tpu.memory_space<vmem>>
    %dma_start3A_328 = arith.constant 0 : i32
    %dma_start3A_329 = tpu.memref_slice %arg7[%dma_start3A_328, %multiple_of3A_289] : memref<8x1000000xf32, #tpu.memory_space<hbm>> -> memref<8x128xf32, #tpu.memory_space<hbm>>
    tpu.enqueue_dma source(%dma_start3A_329 : memref<8x128xf32, #tpu.memory_space<hbm>>) target(%dma_start3A_327 : memref<8x128xf32, #tpu.memory_space<vmem>>) target_semaphore(%arg26 : memref<!tpu.dma_semaphore, #tpu.memory_space<semaphore_mem>>)
    %slice3A_330 = vector.extract_strided_slice %get3A_7 {offsets = [6], sizes = [1], strides = [1]} : vector<16xi32> to vector<1xi32>
    %squeeze3A_331 = vector.extract %slice3A_330[0] : i32 from vector<1xi32>
    %slice3A_332 = vector.extract_strided_slice %get3A_9 {offsets = [6], sizes = [1], strides = [1]} : vector<16xi32> to vector<1xi32>
    %squeeze3A_333 = vector.extract %slice3A_332[0] : i32 from vector<1xi32>
    %shift_right_arithmetic3A_334 = arith.constant 7 : i32
    %shift_right_arithmetic3A_335 = arith.shrsi %squeeze3A_331, %shift_right_arithmetic3A_334 : i32
    %mul3A_336 = arith.constant 128 : i32
    %mul3A_337 = arith.muli %shift_right_arithmetic3A_335, %mul3A_336 : i32
    %multiple_of3A_338 = tpu.assume_multiple %mul3A_337, 128 : i32
    %shift_right_arithmetic3A_339 = arith.constant 7 : i32
    %shift_right_arithmetic3A_340 = arith.shrsi %squeeze3A_333, %shift_right_arithmetic3A_339 : i32
    %mul3A_341 = arith.constant 128 : i32
    %mul3A_342 = arith.muli %shift_right_arithmetic3A_340, %mul3A_341 : i32
    %multiple_of3A_343 = tpu.assume_multiple %mul3A_342, 128 : i32
    %dma_start3A_344 = arith.constant 0 : i32
    %dma_start3A_345 = arith.constant 768 : i32
    %dma_start3A_346 = tpu.memref_slice %arg14[%dma_start3A_344, %dma_start3A_345] : memref<16x1024xf32, #tpu.memory_space<vmem>> -> memref<16x128xf32, #tpu.memory_space<vmem>>
    %dma_start3A_347 = arith.constant 0 : i32
    %dma_start3A_348 = tpu.memref_slice %arg4[%dma_start3A_347, %multiple_of3A_338] : memref<16x1000000xf32, #tpu.memory_space<hbm>> -> memref<16x128xf32, #tpu.memory_space<hbm>>
    %dma_start3A_349 = arith.constant 0 : i32
    %dma_start3A_350 = arith.constant 768 : i32
    %dma_start3A_351 = tpu.memref_slice %arg14[%dma_start3A_349, %dma_start3A_350] : memref<16x1024xf32, #tpu.memory_space<vmem>> -> memref<16x128xf32, #tpu.memory_space<vmem>>
    %dma_start3A_352 = arith.constant 0 : i32
    %dma_start3A_353 = tpu.memref_slice %arg4[%dma_start3A_352, %multiple_of3A_338] : memref<16x1000000xf32, #tpu.memory_space<hbm>> -> memref<16x128xf32, #tpu.memory_space<hbm>>
    tpu.enqueue_dma source(%dma_start3A_353 : memref<16x128xf32, #tpu.memory_space<hbm>>) target(%dma_start3A_351 : memref<16x128xf32, #tpu.memory_space<vmem>>) target_semaphore(%arg26 : memref<!tpu.dma_semaphore, #tpu.memory_space<semaphore_mem>>)
    %dma_start3A_354 = arith.constant 0 : i32
    %dma_start3A_355 = arith.constant 768 : i32
    %dma_start3A_356 = tpu.memref_slice %arg15[%dma_start3A_354, %dma_start3A_355] : memref<16x1024xf32, #tpu.memory_space<vmem>> -> memref<16x128xf32, #tpu.memory_space<vmem>>
    %dma_start3A_357 = arith.constant 0 : i32
    %dma_start3A_358 = tpu.memref_slice %arg5[%dma_start3A_357, %multiple_of3A_343] : memref<16x1000000xf32, #tpu.memory_space<hbm>> -> memref<16x128xf32, #tpu.memory_space<hbm>>
    %dma_start3A_359 = arith.constant 0 : i32
    %dma_start3A_360 = arith.constant 768 : i32
    %dma_start3A_361 = tpu.memref_slice %arg15[%dma_start3A_359, %dma_start3A_360] : memref<16x1024xf32, #tpu.memory_space<vmem>> -> memref<16x128xf32, #tpu.memory_space<vmem>>
    %dma_start3A_362 = arith.constant 0 : i32
    %dma_start3A_363 = tpu.memref_slice %arg5[%dma_start3A_362, %multiple_of3A_343] : memref<16x1000000xf32, #tpu.memory_space<hbm>> -> memref<16x128xf32, #tpu.memory_space<hbm>>
    tpu.enqueue_dma source(%dma_start3A_363 : memref<16x128xf32, #tpu.memory_space<hbm>>) target(%dma_start3A_361 : memref<16x128xf32, #tpu.memory_space<vmem>>) target_semaphore(%arg26 : memref<!tpu.dma_semaphore, #tpu.memory_space<semaphore_mem>>)
    %dma_start3A_364 = arith.constant 0 : i32
    %dma_start3A_365 = arith.constant 768 : i32
    %dma_start3A_366 = tpu.memref_slice %arg16[%dma_start3A_364, %dma_start3A_365] : memref<8x1024xf32, #tpu.memory_space<vmem>> -> memref<8x128xf32, #tpu.memory_space<vmem>>
    %dma_start3A_367 = arith.constant 0 : i32
    %dma_start3A_368 = tpu.memref_slice %arg6[%dma_start3A_367, %multiple_of3A_338] : memref<8x1000000xf32, #tpu.memory_space<hbm>> -> memref<8x128xf32, #tpu.memory_space<hbm>>
    %dma_start3A_369 = arith.constant 0 : i32
    %dma_start3A_370 = arith.constant 768 : i32
    %dma_start3A_371 = tpu.memref_slice %arg16[%dma_start3A_369, %dma_start3A_370] : memref<8x1024xf32, #tpu.memory_space<vmem>> -> memref<8x128xf32, #tpu.memory_space<vmem>>
    %dma_start3A_372 = arith.constant 0 : i32
    %dma_start3A_373 = tpu.memref_slice %arg6[%dma_start3A_372, %multiple_of3A_338] : memref<8x1000000xf32, #tpu.memory_space<hbm>> -> memref<8x128xf32, #tpu.memory_space<hbm>>
    tpu.enqueue_dma source(%dma_start3A_373 : memref<8x128xf32, #tpu.memory_space<hbm>>) target(%dma_start3A_371 : memref<8x128xf32, #tpu.memory_space<vmem>>) target_semaphore(%arg26 : memref<!tpu.dma_semaphore, #tpu.memory_space<semaphore_mem>>)
    %dma_start3A_374 = arith.constant 0 : i32
    %dma_start3A_375 = arith.constant 768 : i32
    %dma_start3A_376 = tpu.memref_slice %arg17[%dma_start3A_374, %dma_start3A_375] : memref<8x1024xf32, #tpu.memory_space<vmem>> -> memref<8x128xf32, #tpu.memory_space<vmem>>
    %dma_start3A_377 = arith.constant 0 : i32
    %dma_start3A_378 = tpu.memref_slice %arg7[%dma_start3A_377, %multiple_of3A_343] : memref<8x1000000xf32, #tpu.memory_space<hbm>> -> memref<8x128xf32, #tpu.memory_space<hbm>>
    %dma_start3A_379 = arith.constant 0 : i32
    %dma_start3A_380 = arith.constant 768 : i32
    %dma_start3A_381 = tpu.memref_slice %arg17[%dma_start3A_379, %dma_start3A_380] : memref<8x1024xf32, #tpu.memory_space<vmem>> -> memref<8x128xf32, #tpu.memory_space<vmem>>
    %dma_start3A_382 = arith.constant 0 : i32
    %dma_start3A_383 = tpu.memref_slice %arg7[%dma_start3A_382, %multiple_of3A_343] : memref<8x1000000xf32, #tpu.memory_space<hbm>> -> memref<8x128xf32, #tpu.memory_space<hbm>>
    tpu.enqueue_dma source(%dma_start3A_383 : memref<8x128xf32, #tpu.memory_space<hbm>>) target(%dma_start3A_381 : memref<8x128xf32, #tpu.memory_space<vmem>>) target_semaphore(%arg26 : memref<!tpu.dma_semaphore, #tpu.memory_space<semaphore_mem>>)
    %slice3A_384 = vector.extract_strided_slice %get3A_7 {offsets = [7], sizes = [1], strides = [1]} : vector<16xi32> to vector<1xi32>
    %squeeze3A_385 = vector.extract %slice3A_384[0] : i32 from vector<1xi32>
    %slice3A_386 = vector.extract_strided_slice %get3A_9 {offsets = [7], sizes = [1], strides = [1]} : vector<16xi32> to vector<1xi32>
    %squeeze3A_387 = vector.extract %slice3A_386[0] : i32 from vector<1xi32>
    %shift_right_arithmetic3A_388 = arith.constant 7 : i32
    %shift_right_arithmetic3A_389 = arith.shrsi %squeeze3A_385, %shift_right_arithmetic3A_388 : i32
    %mul3A_390 = arith.constant 128 : i32
    %mul3A_391 = arith.muli %shift_right_arithmetic3A_389, %mul3A_390 : i32
    %multiple_of3A_392 = tpu.assume_multiple %mul3A_391, 128 : i32
    %shift_right_arithmetic3A_393 = arith.constant 7 : i32
    %shift_right_arithmetic3A_394 = arith.shrsi %squeeze3A_387, %shift_right_arithmetic3A_393 : i32
    %mul3A_395 = arith.constant 128 : i32
    %mul3A_396 = arith.muli %shift_right_arithmetic3A_394, %mul3A_395 : i32
    %multiple_of3A_397 = tpu.assume_multiple %mul3A_396, 128 : i32
    %dma_start3A_398 = arith.constant 0 : i32
    %dma_start3A_399 = arith.constant 896 : i32
    %dma_start3A_400 = tpu.memref_slice %arg14[%dma_start3A_398, %dma_start3A_399] : memref<16x1024xf32, #tpu.memory_space<vmem>> -> memref<16x128xf32, #tpu.memory_space<vmem>>
    %dma_start3A_401 = arith.constant 0 : i32
    %dma_start3A_402 = tpu.memref_slice %arg4[%dma_start3A_401, %multiple_of3A_392] : memref<16x1000000xf32, #tpu.memory_space<hbm>> -> memref<16x128xf32, #tpu.memory_space<hbm>>
    %dma_start3A_403 = arith.constant 0 : i32
    %dma_start3A_404 = arith.constant 896 : i32
    %dma_start3A_405 = tpu.memref_slice %arg14[%dma_start3A_403, %dma_start3A_404] : memref<16x1024xf32, #tpu.memory_space<vmem>> -> memref<16x128xf32, #tpu.memory_space<vmem>>
    %dma_start3A_406 = arith.constant 0 : i32
    %dma_start3A_407 = tpu.memref_slice %arg4[%dma_start3A_406, %multiple_of3A_392] : memref<16x1000000xf32, #tpu.memory_space<hbm>> -> memref<16x128xf32, #tpu.memory_space<hbm>>
    tpu.enqueue_dma source(%dma_start3A_407 : memref<16x128xf32, #tpu.memory_space<hbm>>) target(%dma_start3A_405 : memref<16x128xf32, #tpu.memory_space<vmem>>) target_semaphore(%arg26 : memref<!tpu.dma_semaphore, #tpu.memory_space<semaphore_mem>>)
    %dma_start3A_408 = arith.constant 0 : i32
    %dma_start3A_409 = arith.constant 896 : i32
    %dma_start3A_410 = tpu.memref_slice %arg15[%dma_start3A_408, %dma_start3A_409] : memref<16x1024xf32, #tpu.memory_space<vmem>> -> memref<16x128xf32, #tpu.memory_space<vmem>>
    %dma_start3A_411 = arith.constant 0 : i32
    %dma_start3A_412 = tpu.memref_slice %arg5[%dma_start3A_411, %multiple_of3A_397] : memref<16x1000000xf32, #tpu.memory_space<hbm>> -> memref<16x128xf32, #tpu.memory_space<hbm>>
    %dma_start3A_413 = arith.constant 0 : i32
    %dma_start3A_414 = arith.constant 896 : i32
    %dma_start3A_415 = tpu.memref_slice %arg15[%dma_start3A_413, %dma_start3A_414] : memref<16x1024xf32, #tpu.memory_space<vmem>> -> memref<16x128xf32, #tpu.memory_space<vmem>>
    %dma_start3A_416 = arith.constant 0 : i32
    %dma_start3A_417 = tpu.memref_slice %arg5[%dma_start3A_416, %multiple_of3A_397] : memref<16x1000000xf32, #tpu.memory_space<hbm>> -> memref<16x128xf32, #tpu.memory_space<hbm>>
    tpu.enqueue_dma source(%dma_start3A_417 : memref<16x128xf32, #tpu.memory_space<hbm>>) target(%dma_start3A_415 : memref<16x128xf32, #tpu.memory_space<vmem>>) target_semaphore(%arg26 : memref<!tpu.dma_semaphore, #tpu.memory_space<semaphore_mem>>)
    %dma_start3A_418 = arith.constant 0 : i32
    %dma_start3A_419 = arith.constant 896 : i32
    %dma_start3A_420 = tpu.memref_slice %arg16[%dma_start3A_418, %dma_start3A_419] : memref<8x1024xf32, #tpu.memory_space<vmem>> -> memref<8x128xf32, #tpu.memory_space<vmem>>
    %dma_start3A_421 = arith.constant 0 : i32
    %dma_start3A_422 = tpu.memref_slice %arg6[%dma_start3A_421, %multiple_of3A_392] : memref<8x1000000xf32, #tpu.memory_space<hbm>> -> memref<8x128xf32, #tpu.memory_space<hbm>>
    %dma_start3A_423 = arith.constant 0 : i32
    %dma_start3A_424 = arith.constant 896 : i32
    %dma_start3A_425 = tpu.memref_slice %arg16[%dma_start3A_423, %dma_start3A_424] : memref<8x1024xf32, #tpu.memory_space<vmem>> -> memref<8x128xf32, #tpu.memory_space<vmem>>
    %dma_start3A_426 = arith.constant 0 : i32
    %dma_start3A_427 = tpu.memref_slice %arg6[%dma_start3A_426, %multiple_of3A_392] : memref<8x1000000xf32, #tpu.memory_space<hbm>> -> memref<8x128xf32, #tpu.memory_space<hbm>>
    tpu.enqueue_dma source(%dma_start3A_427 : memref<8x128xf32, #tpu.memory_space<hbm>>) target(%dma_start3A_425 : memref<8x128xf32, #tpu.memory_space<vmem>>) target_semaphore(%arg26 : memref<!tpu.dma_semaphore, #tpu.memory_space<semaphore_mem>>)
    %dma_start3A_428 = arith.constant 0 : i32
    %dma_start3A_429 = arith.constant 896 : i32
    %dma_start3A_430 = tpu.memref_slice %arg17[%dma_start3A_428, %dma_start3A_429] : memref<8x1024xf32, #tpu.memory_space<vmem>> -> memref<8x128xf32, #tpu.memory_space<vmem>>
    %dma_start3A_431 = arith.constant 0 : i32
    %dma_start3A_432 = tpu.memref_slice %arg7[%dma_start3A_431, %multiple_of3A_397] : memref<8x1000000xf32, #tpu.memory_space<hbm>> -> memref<8x128xf32, #tpu.memory_space<hbm>>
    %dma_start3A_433 = arith.constant 0 : i32
    %dma_start3A_434 = arith.constant 896 : i32
    %dma_start3A_435 = tpu.memref_slice %arg17[%dma_start3A_433, %dma_start3A_434] : memref<8x1024xf32, #tpu.memory_space<vmem>> -> memref<8x128xf32, #tpu.memory_space<vmem>>
    %dma_start3A_436 = arith.constant 0 : i32
    %dma_start3A_437 = tpu.memref_slice %arg7[%dma_start3A_436, %multiple_of3A_397] : memref<8x1000000xf32, #tpu.memory_space<hbm>> -> memref<8x128xf32, #tpu.memory_space<hbm>>
    tpu.enqueue_dma source(%dma_start3A_437 : memref<8x128xf32, #tpu.memory_space<hbm>>) target(%dma_start3A_435 : memref<8x128xf32, #tpu.memory_space<vmem>>) target_semaphore(%arg26 : memref<!tpu.dma_semaphore, #tpu.memory_space<semaphore_mem>>)
    %scan3A = arith.constant 0 : i32
    %scan3A_438 = arith.constant 0 : i32
    %scan3A_439 = arith.constant 32 : i32
    %scan3A_440 = arith.addi %scan3A_438, %scan3A_439 : i32
    %scan3A_441 = arith.constant 1 : i32
    scf.for %scan3A_443 = %scan3A_438 to %scan3A_440 step %scan3A_441  : i32 {
      %mul3A_444 = arith.constant 2 : i32
      %mul3A_445 = arith.muli %mul3A_444, %scan3A_443 : i32
      %mul3A_446 = arith.constant 16 : i32
      %mul3A_447 = arith.muli %scan3A_443, %mul3A_446 : i32
      %get3A_448 = arith.index_cast %mul3A_447 : i32 to index
      %get3A_449 = tpu.vector_load %arg12[%get3A_448] {strides = array<i32>} : memref<512xi32, #tpu.memory_space<vmem>>, vector<16xi32>,
      %mul3A_450 = arith.constant 16 : i32
      %mul3A_451 = arith.muli %scan3A_443, %mul3A_450 : i32
      %get3A_452 = arith.index_cast %mul3A_451 : i32 to index
      %get3A_453 = tpu.vector_load %arg13[%get3A_452] {strides = array<i32>} : memref<512xi32, #tpu.memory_space<vmem>>, vector<16xi32>,
      %slice3A_454 = vector.extract_strided_slice %get3A_449 {offsets = [8], sizes = [1], strides = [1]} : vector<16xi32> to vector<1xi32>
      %squeeze3A_455 = vector.extract %slice3A_454[0] : i32 from vector<1xi32>
      %slice3A_456 = vector.extract_strided_slice %get3A_453 {offsets = [8], sizes = [1], strides = [1]} : vector<16xi32> to vector<1xi32>
      %squeeze3A_457 = vector.extract %slice3A_456[0] : i32 from vector<1xi32>
      %shift_right_arithmetic3A_458 = arith.constant 7 : i32
      %shift_right_arithmetic3A_459 = arith.shrsi %squeeze3A_455, %shift_right_arithmetic3A_458 : i32
      %mul3A_460 = arith.constant 128 : i32
      %mul3A_461 = arith.muli %shift_right_arithmetic3A_459, %mul3A_460 : i32
      %multiple_of3A_462 = tpu.assume_multiple %mul3A_461, 128 : i32
      %shift_right_arithmetic3A_463 = arith.constant 7 : i32
      %shift_right_arithmetic3A_464 = arith.shrsi %squeeze3A_457, %shift_right_arithmetic3A_463 : i32
      %mul3A_465 = arith.constant 128 : i32
      %mul3A_466 = arith.muli %shift_right_arithmetic3A_464, %mul3A_465 : i32
      %multiple_of3A_467 = tpu.assume_multiple %mul3A_466, 128 : i32
      %dma_start3A_468 = arith.constant 0 : i32
      %dma_start3A_469 = arith.constant 0 : i32
      %dma_start3A_470 = tpu.memref_slice %arg18[%dma_start3A_468, %dma_start3A_469] : memref<16x1024xf32, #tpu.memory_space<vmem>> -> memref<16x128xf32, #tpu.memory_space<vmem>>
      %dma_start3A_471 = arith.constant 0 : i32
      %dma_start3A_472 = tpu.memref_slice %arg4[%dma_start3A_471, %multiple_of3A_462] : memref<16x1000000xf32, #tpu.memory_space<hbm>> -> memref<16x128xf32, #tpu.memory_space<hbm>>
      %dma_start3A_473 = arith.constant 0 : i32
      %dma_start3A_474 = arith.constant 0 : i32
      %dma_start3A_475 = tpu.memref_slice %arg18[%dma_start3A_473, %dma_start3A_474] : memref<16x1024xf32, #tpu.memory_space<vmem>> -> memref<16x128xf32, #tpu.memory_space<vmem>>
      %dma_start3A_476 = arith.constant 0 : i32
      %dma_start3A_477 = tpu.memref_slice %arg4[%dma_start3A_476, %multiple_of3A_462] : memref<16x1000000xf32, #tpu.memory_space<hbm>> -> memref<16x128xf32, #tpu.memory_space<hbm>>
      tpu.enqueue_dma source(%dma_start3A_477 : memref<16x128xf32, #tpu.memory_space<hbm>>) target(%dma_start3A_475 : memref<16x128xf32, #tpu.memory_space<vmem>>) target_semaphore(%arg27 : memref<!tpu.dma_semaphore, #tpu.memory_space<semaphore_mem>>)
      %dma_start3A_478 = arith.constant 0 : i32
      %dma_start3A_479 = arith.constant 0 : i32
      %dma_start3A_480 = tpu.memref_slice %arg19[%dma_start3A_478, %dma_start3A_479] : memref<16x1024xf32, #tpu.memory_space<vmem>> -> memref<16x128xf32, #tpu.memory_space<vmem>>
      %dma_start3A_481 = arith.constant 0 : i32
      %dma_start3A_482 = tpu.memref_slice %arg5[%dma_start3A_481, %multiple_of3A_467] : memref<16x1000000xf32, #tpu.memory_space<hbm>> -> memref<16x128xf32, #tpu.memory_space<hbm>>
      %dma_start3A_483 = arith.constant 0 : i32
      %dma_start3A_484 = arith.constant 0 : i32
      %dma_start3A_485 = tpu.memref_slice %arg19[%dma_start3A_483, %dma_start3A_484] : memref<16x1024xf32, #tpu.memory_space<vmem>> -> memref<16x128xf32, #tpu.memory_space<vmem>>
      %dma_start3A_486 = arith.constant 0 : i32
      %dma_start3A_487 = tpu.memref_slice %arg5[%dma_start3A_486, %multiple_of3A_467] : memref<16x1000000xf32, #tpu.memory_space<hbm>> -> memref<16x128xf32, #tpu.memory_space<hbm>>
      tpu.enqueue_dma source(%dma_start3A_487 : memref<16x128xf32, #tpu.memory_space<hbm>>) target(%dma_start3A_485 : memref<16x128xf32, #tpu.memory_space<vmem>>) target_semaphore(%arg27 : memref<!tpu.dma_semaphore, #tpu.memory_space<semaphore_mem>>)
      %dma_start3A_488 = arith.constant 0 : i32
      %dma_start3A_489 = arith.constant 0 : i32
      %dma_start3A_490 = tpu.memref_slice %arg20[%dma_start3A_488, %dma_start3A_489] : memref<8x1024xf32, #tpu.memory_space<vmem>> -> memref<8x128xf32, #tpu.memory_space<vmem>>
      %dma_start3A_491 = arith.constant 0 : i32
      %dma_start3A_492 = tpu.memref_slice %arg6[%dma_start3A_491, %multiple_of3A_462] : memref<8x1000000xf32, #tpu.memory_space<hbm>> -> memref<8x128xf32, #tpu.memory_space<hbm>>
      %dma_start3A_493 = arith.constant 0 : i32
      %dma_start3A_494 = arith.constant 0 : i32
      %dma_start3A_495 = tpu.memref_slice %arg20[%dma_start3A_493, %dma_start3A_494] : memref<8x1024xf32, #tpu.memory_space<vmem>> -> memref<8x128xf32, #tpu.memory_space<vmem>>
      %dma_start3A_496 = arith.constant 0 : i32
      %dma_start3A_497 = tpu.memref_slice %arg6[%dma_start3A_496, %multiple_of3A_462] : memref<8x1000000xf32, #tpu.memory_space<hbm>> -> memref<8x128xf32, #tpu.memory_space<hbm>>
      tpu.enqueue_dma source(%dma_start3A_497 : memref<8x128xf32, #tpu.memory_space<hbm>>) target(%dma_start3A_495 : memref<8x128xf32, #tpu.memory_space<vmem>>) target_semaphore(%arg27 : memref<!tpu.dma_semaphore, #tpu.memory_space<semaphore_mem>>)
      %dma_start3A_498 = arith.constant 0 : i32
      %dma_start3A_499 = arith.constant 0 : i32
      %dma_start3A_500 = tpu.memref_slice %arg21[%dma_start3A_498, %dma_start3A_499] : memref<8x1024xf32, #tpu.memory_space<vmem>> -> memref<8x128xf32, #tpu.memory_space<vmem>>
      %dma_start3A_501 = arith.constant 0 : i32
      %dma_start3A_502 = tpu.memref_slice %arg7[%dma_start3A_501, %multiple_of3A_467] : memref<8x1000000xf32, #tpu.memory_space<hbm>> -> memref<8x128xf32, #tpu.memory_space<hbm>>
      %dma_start3A_503 = arith.constant 0 : i32
      %dma_start3A_504 = arith.constant 0 : i32
      %dma_start3A_505 = tpu.memref_slice %arg21[%dma_start3A_503, %dma_start3A_504] : memref<8x1024xf32, #tpu.memory_space<vmem>> -> memref<8x128xf32, #tpu.memory_space<vmem>>
      %dma_start3A_506 = arith.constant 0 : i32
      %dma_start3A_507 = tpu.memref_slice %arg7[%dma_start3A_506, %multiple_of3A_467] : memref<8x1000000xf32, #tpu.memory_space<hbm>> -> memref<8x128xf32, #tpu.memory_space<hbm>>
      tpu.enqueue_dma source(%dma_start3A_507 : memref<8x128xf32, #tpu.memory_space<hbm>>) target(%dma_start3A_505 : memref<8x128xf32, #tpu.memory_space<vmem>>) target_semaphore(%arg27 : memref<!tpu.dma_semaphore, #tpu.memory_space<semaphore_mem>>)
      %slice3A_508 = vector.extract_strided_slice %get3A_449 {offsets = [9], sizes = [1], strides = [1]} : vector<16xi32> to vector<1xi32>
      %squeeze3A_509 = vector.extract %slice3A_508[0] : i32 from vector<1xi32>
      %slice3A_510 = vector.extract_strided_slice %get3A_453 {offsets = [9], sizes = [1], strides = [1]} : vector<16xi32> to vector<1xi32>
      %squeeze3A_511 = vector.extract %slice3A_510[0] : i32 from vector<1xi32>
      %shift_right_arithmetic3A_512 = arith.constant 7 : i32
      %shift_right_arithmetic3A_513 = arith.shrsi %squeeze3A_509, %shift_right_arithmetic3A_512 : i32
      %mul3A_514 = arith.constant 128 : i32
      %mul3A_515 = arith.muli %shift_right_arithmetic3A_513, %mul3A_514 : i32
      %multiple_of3A_516 = tpu.assume_multiple %mul3A_515, 128 : i32
      %shift_right_arithmetic3A_517 = arith.constant 7 : i32
      %shift_right_arithmetic3A_518 = arith.shrsi %squeeze3A_511, %shift_right_arithmetic3A_517 : i32
      %mul3A_519 = arith.constant 128 : i32
      %mul3A_520 = arith.muli %shift_right_arithmetic3A_518, %mul3A_519 : i32
      %multiple_of3A_521 = tpu.assume_multiple %mul3A_520, 128 : i32
      %dma_start3A_522 = arith.constant 0 : i32
      %dma_start3A_523 = arith.constant 128 : i32
      %dma_start3A_524 = tpu.memref_slice %arg18[%dma_start3A_522, %dma_start3A_523] : memref<16x1024xf32, #tpu.memory_space<vmem>> -> memref<16x128xf32, #tpu.memory_space<vmem>>
      %dma_start3A_525 = arith.constant 0 : i32
      %dma_start3A_526 = tpu.memref_slice %arg4[%dma_start3A_525, %multiple_of3A_516] : memref<16x1000000xf32, #tpu.memory_space<hbm>> -> memref<16x128xf32, #tpu.memory_space<hbm>>
      %dma_start3A_527 = arith.constant 0 : i32
      %dma_start3A_528 = arith.constant 128 : i32
      %dma_start3A_529 = tpu.memref_slice %arg18[%dma_start3A_527, %dma_start3A_528] : memref<16x1024xf32, #tpu.memory_space<vmem>> -> memref<16x128xf32, #tpu.memory_space<vmem>>
      %dma_start3A_530 = arith.constant 0 : i32
      %dma_start3A_531 = tpu.memref_slice %arg4[%dma_start3A_530, %multiple_of3A_516] : memref<16x1000000xf32, #tpu.memory_space<hbm>> -> memref<16x128xf32, #tpu.memory_space<hbm>>
      tpu.enqueue_dma source(%dma_start3A_531 : memref<16x128xf32, #tpu.memory_space<hbm>>) target(%dma_start3A_529 : memref<16x128xf32, #tpu.memory_space<vmem>>) target_semaphore(%arg27 : memref<!tpu.dma_semaphore, #tpu.memory_space<semaphore_mem>>)
      %dma_start3A_532 = arith.constant 0 : i32
      %dma_start3A_533 = arith.constant 128 : i32
      %dma_start3A_534 = tpu.memref_slice %arg19[%dma_start3A_532, %dma_start3A_533] : memref<16x1024xf32, #tpu.memory_space<vmem>> -> memref<16x128xf32, #tpu.memory_space<vmem>>
      %dma_start3A_535 = arith.constant 0 : i32
      %dma_start3A_536 = tpu.memref_slice %arg5[%dma_start3A_535, %multiple_of3A_521] : memref<16x1000000xf32, #tpu.memory_space<hbm>> -> memref<16x128xf32, #tpu.memory_space<hbm>>
      %dma_start3A_537 = arith.constant 0 : i32
      %dma_start3A_538 = arith.constant 128 : i32
      %dma_start3A_539 = tpu.memref_slice %arg19[%dma_start3A_537, %dma_start3A_538] : memref<16x1024xf32, #tpu.memory_space<vmem>> -> memref<16x128xf32, #tpu.memory_space<vmem>>
      %dma_start3A_540 = arith.constant 0 : i32
      %dma_start3A_541 = tpu.memref_slice %arg5[%dma_start3A_540, %multiple_of3A_521] : memref<16x1000000xf32, #tpu.memory_space<hbm>> -> memref<16x128xf32, #tpu.memory_space<hbm>>
      tpu.enqueue_dma source(%dma_start3A_541 : memref<16x128xf32, #tpu.memory_space<hbm>>) target(%dma_start3A_539 : memref<16x128xf32, #tpu.memory_space<vmem>>) target_semaphore(%arg27 : memref<!tpu.dma_semaphore, #tpu.memory_space<semaphore_mem>>)
      %dma_start3A_542 = arith.constant 0 : i32
      %dma_start3A_543 = arith.constant 128 : i32
      %dma_start3A_544 = tpu.memref_slice %arg20[%dma_start3A_542, %dma_start3A_543] : memref<8x1024xf32, #tpu.memory_space<vmem>> -> memref<8x128xf32, #tpu.memory_space<vmem>>
      %dma_start3A_545 = arith.constant 0 : i32
      %dma_start3A_546 = tpu.memref_slice %arg6[%dma_start3A_545, %multiple_of3A_516] : memref<8x1000000xf32, #tpu.memory_space<hbm>> -> memref<8x128xf32, #tpu.memory_space<hbm>>
      %dma_start3A_547 = arith.constant 0 : i32
      %dma_start3A_548 = arith.constant 128 : i32
      %dma_start3A_549 = tpu.memref_slice %arg20[%dma_start3A_547, %dma_start3A_548] : memref<8x1024xf32, #tpu.memory_space<vmem>> -> memref<8x128xf32, #tpu.memory_space<vmem>>
      %dma_start3A_550 = arith.constant 0 : i32
      %dma_start3A_551 = tpu.memref_slice %arg6[%dma_start3A_550, %multiple_of3A_516] : memref<8x1000000xf32, #tpu.memory_space<hbm>> -> memref<8x128xf32, #tpu.memory_space<hbm>>
      tpu.enqueue_dma source(%dma_start3A_551 : memref<8x128xf32, #tpu.memory_space<hbm>>) target(%dma_start3A_549 : memref<8x128xf32, #tpu.memory_space<vmem>>) target_semaphore(%arg27 : memref<!tpu.dma_semaphore, #tpu.memory_space<semaphore_mem>>)
      %dma_start3A_552 = arith.constant 0 : i32
      %dma_start3A_553 = arith.constant 128 : i32
      %dma_start3A_554 = tpu.memref_slice %arg21[%dma_start3A_552, %dma_start3A_553] : memref<8x1024xf32, #tpu.memory_space<vmem>> -> memref<8x128xf32, #tpu.memory_space<vmem>>
      %dma_start3A_555 = arith.constant 0 : i32
      %dma_start3A_556 = tpu.memref_slice %arg7[%dma_start3A_555, %multiple_of3A_521] : memref<8x1000000xf32, #tpu.memory_space<hbm>> -> memref<8x128xf32, #tpu.memory_space<hbm>>
      %dma_start3A_557 = arith.constant 0 : i32
      %dma_start3A_558 = arith.constant 128 : i32
      %dma_start3A_559 = tpu.memref_slice %arg21[%dma_start3A_557, %dma_start3A_558] : memref<8x1024xf32, #tpu.memory_space<vmem>> -> memref<8x128xf32, #tpu.memory_space<vmem>>
      %dma_start3A_560 = arith.constant 0 : i32
      %dma_start3A_561 = tpu.memref_slice %arg7[%dma_start3A_560, %multiple_of3A_521] : memref<8x1000000xf32, #tpu.memory_space<hbm>> -> memref<8x128xf32, #tpu.memory_space<hbm>>
      tpu.enqueue_dma source(%dma_start3A_561 : memref<8x128xf32, #tpu.memory_space<hbm>>) target(%dma_start3A_559 : memref<8x128xf32, #tpu.memory_space<vmem>>) target_semaphore(%arg27 : memref<!tpu.dma_semaphore, #tpu.memory_space<semaphore_mem>>)
      %slice3A_562 = vector.extract_strided_slice %get3A_449 {offsets = [10], sizes = [1], strides = [1]} : vector<16xi32> to vector<1xi32>
      %squeeze3A_563 = vector.extract %slice3A_562[0] : i32 from vector<1xi32>
      %slice3A_564 = vector.extract_strided_slice %get3A_453 {offsets = [10], sizes = [1], strides = [1]} : vector<16xi32> to vector<1xi32>
      %squeeze3A_565 = vector.extract %slice3A_564[0] : i32 from vector<1xi32>
      %shift_right_arithmetic3A_566 = arith.constant 7 : i32
      %shift_right_arithmetic3A_567 = arith.shrsi %squeeze3A_563, %shift_right_arithmetic3A_566 : i32
      %mul3A_568 = arith.constant 128 : i32
      %mul3A_569 = arith.muli %shift_right_arithmetic3A_567, %mul3A_568 : i32
      %multiple_of3A_570 = tpu.assume_multiple %mul3A_569, 128 : i32
      %shift_right_arithmetic3A_571 = arith.constant 7 : i32
      %shift_right_arithmetic3A_572 = arith.shrsi %squeeze3A_565, %shift_right_arithmetic3A_571 : i32
      %mul3A_573 = arith.constant 128 : i32
      %mul3A_574 = arith.muli %shift_right_arithmetic3A_572, %mul3A_573 : i32
      %multiple_of3A_575 = tpu.assume_multiple %mul3A_574, 128 : i32
      %dma_start3A_576 = arith.constant 0 : i32
      %dma_start3A_577 = arith.constant 256 : i32
      %dma_start3A_578 = tpu.memref_slice %arg18[%dma_start3A_576, %dma_start3A_577] : memref<16x1024xf32, #tpu.memory_space<vmem>> -> memref<16x128xf32, #tpu.memory_space<vmem>>
      %dma_start3A_579 = arith.constant 0 : i32
      %dma_start3A_580 = tpu.memref_slice %arg4[%dma_start3A_579, %multiple_of3A_570] : memref<16x1000000xf32, #tpu.memory_space<hbm>> -> memref<16x128xf32, #tpu.memory_space<hbm>>
      %dma_start3A_581 = arith.constant 0 : i32
      %dma_start3A_582 = arith.constant 256 : i32
      %dma_start3A_583 = tpu.memref_slice %arg18[%dma_start3A_581, %dma_start3A_582] : memref<16x1024xf32, #tpu.memory_space<vmem>> -> memref<16x128xf32, #tpu.memory_space<vmem>>
      %dma_start3A_584 = arith.constant 0 : i32
      %dma_start3A_585 = tpu.memref_slice %arg4[%dma_start3A_584, %multiple_of3A_570] : memref<16x1000000xf32, #tpu.memory_space<hbm>> -> memref<16x128xf32, #tpu.memory_space<hbm>>
      tpu.enqueue_dma source(%dma_start3A_585 : memref<16x128xf32, #tpu.memory_space<hbm>>) target(%dma_start3A_583 : memref<16x128xf32, #tpu.memory_space<vmem>>) target_semaphore(%arg27 : memref<!tpu.dma_semaphore, #tpu.memory_space<semaphore_mem>>)
      %dma_start3A_586 = arith.constant 0 : i32
      %dma_start3A_587 = arith.constant 256 : i32
      %dma_start3A_588 = tpu.memref_slice %arg19[%dma_start3A_586, %dma_start3A_587] : memref<16x1024xf32, #tpu.memory_space<vmem>> -> memref<16x128xf32, #tpu.memory_space<vmem>>
      %dma_start3A_589 = arith.constant 0 : i32
      %dma_start3A_590 = tpu.memref_slice %arg5[%dma_start3A_589, %multiple_of3A_575] : memref<16x1000000xf32, #tpu.memory_space<hbm>> -> memref<16x128xf32, #tpu.memory_space<hbm>>
      %dma_start3A_591 = arith.constant 0 : i32
      %dma_start3A_592 = arith.constant 256 : i32
      %dma_start3A_593 = tpu.memref_slice %arg19[%dma_start3A_591, %dma_start3A_592] : memref<16x1024xf32, #tpu.memory_space<vmem>> -> memref<16x128xf32, #tpu.memory_space<vmem>>
      %dma_start3A_594 = arith.constant 0 : i32
      %dma_start3A_595 = tpu.memref_slice %arg5[%dma_start3A_594, %multiple_of3A_575] : memref<16x1000000xf32, #tpu.memory_space<hbm>> -> memref<16x128xf32, #tpu.memory_space<hbm>>
      tpu.enqueue_dma source(%dma_start3A_595 : memref<16x128xf32, #tpu.memory_space<hbm>>) target(%dma_start3A_593 : memref<16x128xf32, #tpu.memory_space<vmem>>) target_semaphore(%arg27 : memref<!tpu.dma_semaphore, #tpu.memory_space<semaphore_mem>>)
      %dma_start3A_596 = arith.constant 0 : i32
      %dma_start3A_597 = arith.constant 256 : i32
      %dma_start3A_598 = tpu.memref_slice %arg20[%dma_start3A_596, %dma_start3A_597] : memref<8x1024xf32, #tpu.memory_space<vmem>> -> memref<8x128xf32, #tpu.memory_space<vmem>>
      %dma_start3A_599 = arith.constant 0 : i32
      %dma_start3A_600 = tpu.memref_slice %arg6[%dma_start3A_599, %multiple_of3A_570] : memref<8x1000000xf32, #tpu.memory_space<hbm>> -> memref<8x128xf32, #tpu.memory_space<hbm>>
      %dma_start3A_601 = arith.constant 0 : i32
      %dma_start3A_602 = arith.constant 256 : i32
      %dma_start3A_603 = tpu.memref_slice %arg20[%dma_start3A_601, %dma_start3A_602] : memref<8x1024xf32, #tpu.memory_space<vmem>> -> memref<8x128xf32, #tpu.memory_space<vmem>>
      %dma_start3A_604 = arith.constant 0 : i32
      %dma_start3A_605 = tpu.memref_slice %arg6[%dma_start3A_604, %multiple_of3A_570] : memref<8x1000000xf32, #tpu.memory_space<hbm>> -> memref<8x128xf32, #tpu.memory_space<hbm>>
      tpu.enqueue_dma source(%dma_start3A_605 : memref<8x128xf32, #tpu.memory_space<hbm>>) target(%dma_start3A_603 : memref<8x128xf32, #tpu.memory_space<vmem>>) target_semaphore(%arg27 : memref<!tpu.dma_semaphore, #tpu.memory_space<semaphore_mem>>)
      %dma_start3A_606 = arith.constant 0 : i32
      %dma_start3A_607 = arith.constant 256 : i32
      %dma_start3A_608 = tpu.memref_slice %arg21[%dma_start3A_606, %dma_start3A_607] : memref<8x1024xf32, #tpu.memory_space<vmem>> -> memref<8x128xf32, #tpu.memory_space<vmem>>
      %dma_start3A_609 = arith.constant 0 : i32
      %dma_start3A_610 = tpu.memref_slice %arg7[%dma_start3A_609, %multiple_of3A_575] : memref<8x1000000xf32, #tpu.memory_space<hbm>> -> memref<8x128xf32, #tpu.memory_space<hbm>>
      %dma_start3A_611 = arith.constant 0 : i32
      %dma_start3A_612 = arith.constant 256 : i32
      %dma_start3A_613 = tpu.memref_slice %arg21[%dma_start3A_611, %dma_start3A_612] : memref<8x1024xf32, #tpu.memory_space<vmem>> -> memref<8x128xf32, #tpu.memory_space<vmem>>
      %dma_start3A_614 = arith.constant 0 : i32
      %dma_start3A_615 = tpu.memref_slice %arg7[%dma_start3A_614, %multiple_of3A_575] : memref<8x1000000xf32, #tpu.memory_space<hbm>> -> memref<8x128xf32, #tpu.memory_space<hbm>>
      tpu.enqueue_dma source(%dma_start3A_615 : memref<8x128xf32, #tpu.memory_space<hbm>>) target(%dma_start3A_613 : memref<8x128xf32, #tpu.memory_space<vmem>>) target_semaphore(%arg27 : memref<!tpu.dma_semaphore, #tpu.memory_space<semaphore_mem>>)
      %slice3A_616 = vector.extract_strided_slice %get3A_449 {offsets = [11], sizes = [1], strides = [1]} : vector<16xi32> to vector<1xi32>
      %squeeze3A_617 = vector.extract %slice3A_616[0] : i32 from vector<1xi32>
      %slice3A_618 = vector.extract_strided_slice %get3A_453 {offsets = [11], sizes = [1], strides = [1]} : vector<16xi32> to vector<1xi32>
      %squeeze3A_619 = vector.extract %slice3A_618[0] : i32 from vector<1xi32>
      %shift_right_arithmetic3A_620 = arith.constant 7 : i32
      %shift_right_arithmetic3A_621 = arith.shrsi %squeeze3A_617, %shift_right_arithmetic3A_620 : i32
      %mul3A_622 = arith.constant 128 : i32
      %mul3A_623 = arith.muli %shift_right_arithmetic3A_621, %mul3A_622 : i32
      %multiple_of3A_624 = tpu.assume_multiple %mul3A_623, 128 : i32
      %shift_right_arithmetic3A_625 = arith.constant 7 : i32
      %shift_right_arithmetic3A_626 = arith.shrsi %squeeze3A_619, %shift_right_arithmetic3A_625 : i32
      %mul3A_627 = arith.constant 128 : i32
      %mul3A_628 = arith.muli %shift_right_arithmetic3A_626, %mul3A_627 : i32
      %multiple_of3A_629 = tpu.assume_multiple %mul3A_628, 128 : i32
      %dma_start3A_630 = arith.constant 0 : i32
      %dma_start3A_631 = arith.constant 384 : i32
      %dma_start3A_632 = tpu.memref_slice %arg18[%dma_start3A_630, %dma_start3A_631] : memref<16x1024xf32, #tpu.memory_space<vmem>> -> memref<16x128xf32, #tpu.memory_space<vmem>>
      %dma_start3A_633 = arith.constant 0 : i32
      %dma_start3A_634 = tpu.memref_slice %arg4[%dma_start3A_633, %multiple_of3A_624] : memref<16x1000000xf32, #tpu.memory_space<hbm>> -> memref<16x128xf32, #tpu.memory_space<hbm>>
      %dma_start3A_635 = arith.constant 0 : i32
      %dma_start3A_636 = arith.constant 384 : i32
      %dma_start3A_637 = tpu.memref_slice %arg18[%dma_start3A_635, %dma_start3A_636] : memref<16x1024xf32, #tpu.memory_space<vmem>> -> memref<16x128xf32, #tpu.memory_space<vmem>>
      %dma_start3A_638 = arith.constant 0 : i32
      %dma_start3A_639 = tpu.memref_slice %arg4[%dma_start3A_638, %multiple_of3A_624] : memref<16x1000000xf32, #tpu.memory_space<hbm>> -> memref<16x128xf32, #tpu.memory_space<hbm>>
      tpu.enqueue_dma source(%dma_start3A_639 : memref<16x128xf32, #tpu.memory_space<hbm>>) target(%dma_start3A_637 : memref<16x128xf32, #tpu.memory_space<vmem>>) target_semaphore(%arg27 : memref<!tpu.dma_semaphore, #tpu.memory_space<semaphore_mem>>)
      %dma_start3A_640 = arith.constant 0 : i32
      %dma_start3A_641 = arith.constant 384 : i32
      %dma_start3A_642 = tpu.memref_slice %arg19[%dma_start3A_640, %dma_start3A_641] : memref<16x1024xf32, #tpu.memory_space<vmem>> -> memref<16x128xf32, #tpu.memory_space<vmem>>
      %dma_start3A_643 = arith.constant 0 : i32
      %dma_start3A_644 = tpu.memref_slice %arg5[%dma_start3A_643, %multiple_of3A_629] : memref<16x1000000xf32, #tpu.memory_space<hbm>> -> memref<16x128xf32, #tpu.memory_space<hbm>>
      %dma_start3A_645 = arith.constant 0 : i32
      %dma_start3A_646 = arith.constant 384 : i32
      %dma_start3A_647 = tpu.memref_slice %arg19[%dma_start3A_645, %dma_start3A_646] : memref<16x1024xf32, #tpu.memory_space<vmem>> -> memref<16x128xf32, #tpu.memory_space<vmem>>
      %dma_start3A_648 = arith.constant 0 : i32
      %dma_start3A_649 = tpu.memref_slice %arg5[%dma_start3A_648, %multiple_of3A_629] : memref<16x1000000xf32, #tpu.memory_space<hbm>> -> memref<16x128xf32, #tpu.memory_space<hbm>>
      tpu.enqueue_dma source(%dma_start3A_649 : memref<16x128xf32, #tpu.memory_space<hbm>>) target(%dma_start3A_647 : memref<16x128xf32, #tpu.memory_space<vmem>>) target_semaphore(%arg27 : memref<!tpu.dma_semaphore, #tpu.memory_space<semaphore_mem>>)
      %dma_start3A_650 = arith.constant 0 : i32
      %dma_start3A_651 = arith.constant 384 : i32
      %dma_start3A_652 = tpu.memref_slice %arg20[%dma_start3A_650, %dma_start3A_651] : memref<8x1024xf32, #tpu.memory_space<vmem>> -> memref<8x128xf32, #tpu.memory_space<vmem>>
      %dma_start3A_653 = arith.constant 0 : i32
      %dma_start3A_654 = tpu.memref_slice %arg6[%dma_start3A_653, %multiple_of3A_624] : memref<8x1000000xf32, #tpu.memory_space<hbm>> -> memref<8x128xf32, #tpu.memory_space<hbm>>
      %dma_start3A_655 = arith.constant 0 : i32
      %dma_start3A_656 = arith.constant 384 : i32
      %dma_start3A_657 = tpu.memref_slice %arg20[%dma_start3A_655, %dma_start3A_656] : memref<8x1024xf32, #tpu.memory_space<vmem>> -> memref<8x128xf32, #tpu.memory_space<vmem>>
      %dma_start3A_658 = arith.constant 0 : i32
      %dma_start3A_659 = tpu.memref_slice %arg6[%dma_start3A_658, %multiple_of3A_624] : memref<8x1000000xf32, #tpu.memory_space<hbm>> -> memref<8x128xf32, #tpu.memory_space<hbm>>
      tpu.enqueue_dma source(%dma_start3A_659 : memref<8x128xf32, #tpu.memory_space<hbm>>) target(%dma_start3A_657 : memref<8x128xf32, #tpu.memory_space<vmem>>) target_semaphore(%arg27 : memref<!tpu.dma_semaphore, #tpu.memory_space<semaphore_mem>>)
      %dma_start3A_660 = arith.constant 0 : i32
      %dma_start3A_661 = arith.constant 384 : i32
      %dma_start3A_662 = tpu.memref_slice %arg21[%dma_start3A_660, %dma_start3A_661] : memref<8x1024xf32, #tpu.memory_space<vmem>> -> memref<8x128xf32, #tpu.memory_space<vmem>>
      %dma_start3A_663 = arith.constant 0 : i32
      %dma_start3A_664 = tpu.memref_slice %arg7[%dma_start3A_663, %multiple_of3A_629] : memref<8x1000000xf32, #tpu.memory_space<hbm>> -> memref<8x128xf32, #tpu.memory_space<hbm>>
      %dma_start3A_665 = arith.constant 0 : i32
      %dma_start3A_666 = arith.constant 384 : i32
      %dma_start3A_667 = tpu.memref_slice %arg21[%dma_start3A_665, %dma_start3A_666] : memref<8x1024xf32, #tpu.memory_space<vmem>> -> memref<8x128xf32, #tpu.memory_space<vmem>>
      %dma_start3A_668 = arith.constant 0 : i32
      %dma_start3A_669 = tpu.memref_slice %arg7[%dma_start3A_668, %multiple_of3A_629] : memref<8x1000000xf32, #tpu.memory_space<hbm>> -> memref<8x128xf32, #tpu.memory_space<hbm>>
      tpu.enqueue_dma source(%dma_start3A_669 : memref<8x128xf32, #tpu.memory_space<hbm>>) target(%dma_start3A_667 : memref<8x128xf32, #tpu.memory_space<vmem>>) target_semaphore(%arg27 : memref<!tpu.dma_semaphore, #tpu.memory_space<semaphore_mem>>)
      %slice3A_670 = vector.extract_strided_slice %get3A_449 {offsets = [12], sizes = [1], strides = [1]} : vector<16xi32> to vector<1xi32>
      %squeeze3A_671 = vector.extract %slice3A_670[0] : i32 from vector<1xi32>
      %slice3A_672 = vector.extract_strided_slice %get3A_453 {offsets = [12], sizes = [1], strides = [1]} : vector<16xi32> to vector<1xi32>
      %squeeze3A_673 = vector.extract %slice3A_672[0] : i32 from vector<1xi32>
      %shift_right_arithmetic3A_674 = arith.constant 7 : i32
      %shift_right_arithmetic3A_675 = arith.shrsi %squeeze3A_671, %shift_right_arithmetic3A_674 : i32
      %mul3A_676 = arith.constant 128 : i32
      %mul3A_677 = arith.muli %shift_right_arithmetic3A_675, %mul3A_676 : i32
      %multiple_of3A_678 = tpu.assume_multiple %mul3A_677, 128 : i32
      %shift_right_arithmetic3A_679 = arith.constant 7 : i32
      %shift_right_arithmetic3A_680 = arith.shrsi %squeeze3A_673, %shift_right_arithmetic3A_679 : i32
      %mul3A_681 = arith.constant 128 : i32
      %mul3A_682 = arith.muli %shift_right_arithmetic3A_680, %mul3A_681 : i32
      %multiple_of3A_683 = tpu.assume_multiple %mul3A_682, 128 : i32
      %dma_start3A_684 = arith.constant 0 : i32
      %dma_start3A_685 = arith.constant 512 : i32
      %dma_start3A_686 = tpu.memref_slice %arg18[%dma_start3A_684, %dma_start3A_685] : memref<16x1024xf32, #tpu.memory_space<vmem>> -> memref<16x128xf32, #tpu.memory_space<vmem>>
      %dma_start3A_687 = arith.constant 0 : i32
      %dma_start3A_688 = tpu.memref_slice %arg4[%dma_start3A_687, %multiple_of3A_678] : memref<16x1000000xf32, #tpu.memory_space<hbm>> -> memref<16x128xf32, #tpu.memory_space<hbm>>
      %dma_start3A_689 = arith.constant 0 : i32
      %dma_start3A_690 = arith.constant 512 : i32
      %dma_start3A_691 = tpu.memref_slice %arg18[%dma_start3A_689, %dma_start3A_690] : memref<16x1024xf32, #tpu.memory_space<vmem>> -> memref<16x128xf32, #tpu.memory_space<vmem>>
      %dma_start3A_692 = arith.constant 0 : i32
      %dma_start3A_693 = tpu.memref_slice %arg4[%dma_start3A_692, %multiple_of3A_678] : memref<16x1000000xf32, #tpu.memory_space<hbm>> -> memref<16x128xf32, #tpu.memory_space<hbm>>
      tpu.enqueue_dma source(%dma_start3A_693 : memref<16x128xf32, #tpu.memory_space<hbm>>) target(%dma_start3A_691 : memref<16x128xf32, #tpu.memory_space<vmem>>) target_semaphore(%arg27 : memref<!tpu.dma_semaphore, #tpu.memory_space<semaphore_mem>>)
      %dma_start3A_694 = arith.constant 0 : i32
      %dma_start3A_695 = arith.constant 512 : i32
      %dma_start3A_696 = tpu.memref_slice %arg19[%dma_start3A_694, %dma_start3A_695] : memref<16x1024xf32, #tpu.memory_space<vmem>> -> memref<16x128xf32, #tpu.memory_space<vmem>>
      %dma_start3A_697 = arith.constant 0 : i32
      %dma_start3A_698 = tpu.memref_slice %arg5[%dma_start3A_697, %multiple_of3A_683] : memref<16x1000000xf32, #tpu.memory_space<hbm>> -> memref<16x128xf32, #tpu.memory_space<hbm>>
      %dma_start3A_699 = arith.constant 0 : i32
      %dma_start3A_700 = arith.constant 512 : i32
      %dma_start3A_701 = tpu.memref_slice %arg19[%dma_start3A_699, %dma_start3A_700] : memref<16x1024xf32, #tpu.memory_space<vmem>> -> memref<16x128xf32, #tpu.memory_space<vmem>>
      %dma_start3A_702 = arith.constant 0 : i32
      %dma_start3A_703 = tpu.memref_slice %arg5[%dma_start3A_702, %multiple_of3A_683] : memref<16x1000000xf32, #tpu.memory_space<hbm>> -> memref<16x128xf32, #tpu.memory_space<hbm>>
      tpu.enqueue_dma source(%dma_start3A_703 : memref<16x128xf32, #tpu.memory_space<hbm>>) target(%dma_start3A_701 : memref<16x128xf32, #tpu.memory_space<vmem>>) target_semaphore(%arg27 : memref<!tpu.dma_semaphore, #tpu.memory_space<semaphore_mem>>)
      %dma_start3A_704 = arith.constant 0 : i32
      %dma_start3A_705 = arith.constant 512 : i32
      %dma_start3A_706 = tpu.memref_slice %arg20[%dma_start3A_704, %dma_start3A_705] : memref<8x1024xf32, #tpu.memory_space<vmem>> -> memref<8x128xf32, #tpu.memory_space<vmem>>
      %dma_start3A_707 = arith.constant 0 : i32
      %dma_start3A_708 = tpu.memref_slice %arg6[%dma_start3A_707, %multiple_of3A_678] : memref<8x1000000xf32, #tpu.memory_space<hbm>> -> memref<8x128xf32, #tpu.memory_space<hbm>>
      %dma_start3A_709 = arith.constant 0 : i32
      %dma_start3A_710 = arith.constant 512 : i32
      %dma_start3A_711 = tpu.memref_slice %arg20[%dma_start3A_709, %dma_start3A_710] : memref<8x1024xf32, #tpu.memory_space<vmem>> -> memref<8x128xf32, #tpu.memory_space<vmem>>
      %dma_start3A_712 = arith.constant 0 : i32
      %dma_start3A_713 = tpu.memref_slice %arg6[%dma_start3A_712, %multiple_of3A_678] : memref<8x1000000xf32, #tpu.memory_space<hbm>> -> memref<8x128xf32, #tpu.memory_space<hbm>>
      tpu.enqueue_dma source(%dma_start3A_713 : memref<8x128xf32, #tpu.memory_space<hbm>>) target(%dma_start3A_711 : memref<8x128xf32, #tpu.memory_space<vmem>>) target_semaphore(%arg27 : memref<!tpu.dma_semaphore, #tpu.memory_space<semaphore_mem>>)
      %dma_start3A_714 = arith.constant 0 : i32
      %dma_start3A_715 = arith.constant 512 : i32
      %dma_start3A_716 = tpu.memref_slice %arg21[%dma_start3A_714, %dma_start3A_715] : memref<8x1024xf32, #tpu.memory_space<vmem>> -> memref<8x128xf32, #tpu.memory_space<vmem>>
      %dma_start3A_717 = arith.constant 0 : i32
      %dma_start3A_718 = tpu.memref_slice %arg7[%dma_start3A_717, %multiple_of3A_683] : memref<8x1000000xf32, #tpu.memory_space<hbm>> -> memref<8x128xf32, #tpu.memory_space<hbm>>
      %dma_start3A_719 = arith.constant 0 : i32
      %dma_start3A_720 = arith.constant 512 : i32
      %dma_start3A_721 = tpu.memref_slice %arg21[%dma_start3A_719, %dma_start3A_720] : memref<8x1024xf32, #tpu.memory_space<vmem>> -> memref<8x128xf32, #tpu.memory_space<vmem>>
      %dma_start3A_722 = arith.constant 0 : i32
      %dma_start3A_723 = tpu.memref_slice %arg7[%dma_start3A_722, %multiple_of3A_683] : memref<8x1000000xf32, #tpu.memory_space<hbm>> -> memref<8x128xf32, #tpu.memory_space<hbm>>
      tpu.enqueue_dma source(%dma_start3A_723 : memref<8x128xf32, #tpu.memory_space<hbm>>) target(%dma_start3A_721 : memref<8x128xf32, #tpu.memory_space<vmem>>) target_semaphore(%arg27 : memref<!tpu.dma_semaphore, #tpu.memory_space<semaphore_mem>>)
      %slice3A_724 = vector.extract_strided_slice %get3A_449 {offsets = [13], sizes = [1], strides = [1]} : vector<16xi32> to vector<1xi32>
      %squeeze3A_725 = vector.extract %slice3A_724[0] : i32 from vector<1xi32>
      %slice3A_726 = vector.extract_strided_slice %get3A_453 {offsets = [13], sizes = [1], strides = [1]} : vector<16xi32> to vector<1xi32>
      %squeeze3A_727 = vector.extract %slice3A_726[0] : i32 from vector<1xi32>
      %shift_right_arithmetic3A_728 = arith.constant 7 : i32
      %shift_right_arithmetic3A_729 = arith.shrsi %squeeze3A_725, %shift_right_arithmetic3A_728 : i32
      %mul3A_730 = arith.constant 128 : i32
      %mul3A_731 = arith.muli %shift_right_arithmetic3A_729, %mul3A_730 : i32
      %multiple_of3A_732 = tpu.assume_multiple %mul3A_731, 128 : i32
      %shift_right_arithmetic3A_733 = arith.constant 7 : i32
      %shift_right_arithmetic3A_734 = arith.shrsi %squeeze3A_727, %shift_right_arithmetic3A_733 : i32
      %mul3A_735 = arith.constant 128 : i32
      %mul3A_736 = arith.muli %shift_right_arithmetic3A_734, %mul3A_735 : i32
      %multiple_of3A_737 = tpu.assume_multiple %mul3A_736, 128 : i32
      %dma_start3A_738 = arith.constant 0 : i32
      %dma_start3A_739 = arith.constant 640 : i32
      %dma_start3A_740 = tpu.memref_slice %arg18[%dma_start3A_738, %dma_start3A_739] : memref<16x1024xf32, #tpu.memory_space<vmem>> -> memref<16x128xf32, #tpu.memory_space<vmem>>
      %dma_start3A_741 = arith.constant 0 : i32
      %dma_start3A_742 = tpu.memref_slice %arg4[%dma_start3A_741, %multiple_of3A_732] : memref<16x1000000xf32, #tpu.memory_space<hbm>> -> memref<16x128xf32, #tpu.memory_space<hbm>>
      %dma_start3A_743 = arith.constant 0 : i32
      %dma_start3A_744 = arith.constant 640 : i32
      %dma_start3A_745 = tpu.memref_slice %arg18[%dma_start3A_743, %dma_start3A_744] : memref<16x1024xf32, #tpu.memory_space<vmem>> -> memref<16x128xf32, #tpu.memory_space<vmem>>
      %dma_start3A_746 = arith.constant 0 : i32
      %dma_start3A_747 = tpu.memref_slice %arg4[%dma_start3A_746, %multiple_of3A_732] : memref<16x1000000xf32, #tpu.memory_space<hbm>> -> memref<16x128xf32, #tpu.memory_space<hbm>>
      tpu.enqueue_dma source(%dma_start3A_747 : memref<16x128xf32, #tpu.memory_space<hbm>>) target(%dma_start3A_745 : memref<16x128xf32, #tpu.memory_space<vmem>>) target_semaphore(%arg27 : memref<!tpu.dma_semaphore, #tpu.memory_space<semaphore_mem>>)
      %dma_start3A_748 = arith.constant 0 : i32
      %dma_start3A_749 = arith.constant 640 : i32
      %dma_start3A_750 = tpu.memref_slice %arg19[%dma_start3A_748, %dma_start3A_749] : memref<16x1024xf32, #tpu.memory_space<vmem>> -> memref<16x128xf32, #tpu.memory_space<vmem>>
      %dma_start3A_751 = arith.constant 0 : i32
      %dma_start3A_752 = tpu.memref_slice %arg5[%dma_start3A_751, %multiple_of3A_737] : memref<16x1000000xf32, #tpu.memory_space<hbm>> -> memref<16x128xf32, #tpu.memory_space<hbm>>
      %dma_start3A_753 = arith.constant 0 : i32
      %dma_start3A_754 = arith.constant 640 : i32
      %dma_start3A_755 = tpu.memref_slice %arg19[%dma_start3A_753, %dma_start3A_754] : memref<16x1024xf32, #tpu.memory_space<vmem>> -> memref<16x128xf32, #tpu.memory_space<vmem>>
      %dma_start3A_756 = arith.constant 0 : i32
      %dma_start3A_757 = tpu.memref_slice %arg5[%dma_start3A_756, %multiple_of3A_737] : memref<16x1000000xf32, #tpu.memory_space<hbm>> -> memref<16x128xf32, #tpu.memory_space<hbm>>
      tpu.enqueue_dma source(%dma_start3A_757 : memref<16x128xf32, #tpu.memory_space<hbm>>) target(%dma_start3A_755 : memref<16x128xf32, #tpu.memory_space<vmem>>) target_semaphore(%arg27 : memref<!tpu.dma_semaphore, #tpu.memory_space<semaphore_mem>>)
      %dma_start3A_758 = arith.constant 0 : i32
      %dma_start3A_759 = arith.constant 640 : i32
      %dma_start3A_760 = tpu.memref_slice %arg20[%dma_start3A_758, %dma_start3A_759] : memref<8x1024xf32, #tpu.memory_space<vmem>> -> memref<8x128xf32, #tpu.memory_space<vmem>>
      %dma_start3A_761 = arith.constant 0 : i32
      %dma_start3A_762 = tpu.memref_slice %arg6[%dma_start3A_761, %multiple_of3A_732] : memref<8x1000000xf32, #tpu.memory_space<hbm>> -> memref<8x128xf32, #tpu.memory_space<hbm>>
      %dma_start3A_763 = arith.constant 0 : i32
      %dma_start3A_764 = arith.constant 640 : i32
      %dma_start3A_765 = tpu.memref_slice %arg20[%dma_start3A_763, %dma_start3A_764] : memref<8x1024xf32, #tpu.memory_space<vmem>> -> memref<8x128xf32, #tpu.memory_space<vmem>>
      %dma_start3A_766 = arith.constant 0 : i32
      %dma_start3A_767 = tpu.memref_slice %arg6[%dma_start3A_766, %multiple_of3A_732] : memref<8x1000000xf32, #tpu.memory_space<hbm>> -> memref<8x128xf32, #tpu.memory_space<hbm>>
      tpu.enqueue_dma source(%dma_start3A_767 : memref<8x128xf32, #tpu.memory_space<hbm>>) target(%dma_start3A_765 : memref<8x128xf32, #tpu.memory_space<vmem>>) target_semaphore(%arg27 : memref<!tpu.dma_semaphore, #tpu.memory_space<semaphore_mem>>)
      %dma_start3A_768 = arith.constant 0 : i32
      %dma_start3A_769 = arith.constant 640 : i32
      %dma_start3A_770 = tpu.memref_slice %arg21[%dma_start3A_768, %dma_start3A_769] : memref<8x1024xf32, #tpu.memory_space<vmem>> -> memref<8x128xf32, #tpu.memory_space<vmem>>
      %dma_start3A_771 = arith.constant 0 : i32
      %dma_start3A_772 = tpu.memref_slice %arg7[%dma_start3A_771, %multiple_of3A_737] : memref<8x1000000xf32, #tpu.memory_space<hbm>> -> memref<8x128xf32, #tpu.memory_space<hbm>>
      %dma_start3A_773 = arith.constant 0 : i32
      %dma_start3A_774 = arith.constant 640 : i32
      %dma_start3A_775 = tpu.memref_slice %arg21[%dma_start3A_773, %dma_start3A_774] : memref<8x1024xf32, #tpu.memory_space<vmem>> -> memref<8x128xf32, #tpu.memory_space<vmem>>
      %dma_start3A_776 = arith.constant 0 : i32
      %dma_start3A_777 = tpu.memref_slice %arg7[%dma_start3A_776, %multiple_of3A_737] : memref<8x1000000xf32, #tpu.memory_space<hbm>> -> memref<8x128xf32, #tpu.memory_space<hbm>>
      tpu.enqueue_dma source(%dma_start3A_777 : memref<8x128xf32, #tpu.memory_space<hbm>>) target(%dma_start3A_775 : memref<8x128xf32, #tpu.memory_space<vmem>>) target_semaphore(%arg27 : memref<!tpu.dma_semaphore, #tpu.memory_space<semaphore_mem>>)
      %slice3A_778 = vector.extract_strided_slice %get3A_449 {offsets = [14], sizes = [1], strides = [1]} : vector<16xi32> to vector<1xi32>
      %squeeze3A_779 = vector.extract %slice3A_778[0] : i32 from vector<1xi32>
      %slice3A_780 = vector.extract_strided_slice %get3A_453 {offsets = [14], sizes = [1], strides = [1]} : vector<16xi32> to vector<1xi32>
      %squeeze3A_781 = vector.extract %slice3A_780[0] : i32 from vector<1xi32>
      %shift_right_arithmetic3A_782 = arith.constant 7 : i32
      %shift_right_arithmetic3A_783 = arith.shrsi %squeeze3A_779, %shift_right_arithmetic3A_782 : i32
      %mul3A_784 = arith.constant 128 : i32
      %mul3A_785 = arith.muli %shift_right_arithmetic3A_783, %mul3A_784 : i32
      %multiple_of3A_786 = tpu.assume_multiple %mul3A_785, 128 : i32
      %shift_right_arithmetic3A_787 = arith.constant 7 : i32
      %shift_right_arithmetic3A_788 = arith.shrsi %squeeze3A_781, %shift_right_arithmetic3A_787 : i32
      %mul3A_789 = arith.constant 128 : i32
      %mul3A_790 = arith.muli %shift_right_arithmetic3A_788, %mul3A_789 : i32
      %multiple_of3A_791 = tpu.assume_multiple %mul3A_790, 128 : i32
      %dma_start3A_792 = arith.constant 0 : i32
      %dma_start3A_793 = arith.constant 768 : i32
      %dma_start3A_794 = tpu.memref_slice %arg18[%dma_start3A_792, %dma_start3A_793] : memref<16x1024xf32, #tpu.memory_space<vmem>> -> memref<16x128xf32, #tpu.memory_space<vmem>>
      %dma_start3A_795 = arith.constant 0 : i32
      %dma_start3A_796 = tpu.memref_slice %arg4[%dma_start3A_795, %multiple_of3A_786] : memref<16x1000000xf32, #tpu.memory_space<hbm>> -> memref<16x128xf32, #tpu.memory_space<hbm>>
      %dma_start3A_797 = arith.constant 0 : i32
      %dma_start3A_798 = arith.constant 768 : i32
      %dma_start3A_799 = tpu.memref_slice %arg18[%dma_start3A_797, %dma_start3A_798] : memref<16x1024xf32, #tpu.memory_space<vmem>> -> memref<16x128xf32, #tpu.memory_space<vmem>>
      %dma_start3A_800 = arith.constant 0 : i32
      %dma_start3A_801 = tpu.memref_slice %arg4[%dma_start3A_800, %multiple_of3A_786] : memref<16x1000000xf32, #tpu.memory_space<hbm>> -> memref<16x128xf32, #tpu.memory_space<hbm>>
      tpu.enqueue_dma source(%dma_start3A_801 : memref<16x128xf32, #tpu.memory_space<hbm>>) target(%dma_start3A_799 : memref<16x128xf32, #tpu.memory_space<vmem>>) target_semaphore(%arg27 : memref<!tpu.dma_semaphore, #tpu.memory_space<semaphore_mem>>)
      %dma_start3A_802 = arith.constant 0 : i32
      %dma_start3A_803 = arith.constant 768 : i32
      %dma_start3A_804 = tpu.memref_slice %arg19[%dma_start3A_802, %dma_start3A_803] : memref<16x1024xf32, #tpu.memory_space<vmem>> -> memref<16x128xf32, #tpu.memory_space<vmem>>
      %dma_start3A_805 = arith.constant 0 : i32
      %dma_start3A_806 = tpu.memref_slice %arg5[%dma_start3A_805, %multiple_of3A_791] : memref<16x1000000xf32, #tpu.memory_space<hbm>> -> memref<16x128xf32, #tpu.memory_space<hbm>>
      %dma_start3A_807 = arith.constant 0 : i32
      %dma_start3A_808 = arith.constant 768 : i32
      %dma_start3A_809 = tpu.memref_slice %arg19[%dma_start3A_807, %dma_start3A_808] : memref<16x1024xf32, #tpu.memory_space<vmem>> -> memref<16x128xf32, #tpu.memory_space<vmem>>
      %dma_start3A_810 = arith.constant 0 : i32
      %dma_start3A_811 = tpu.memref_slice %arg5[%dma_start3A_810, %multiple_of3A_791] : memref<16x1000000xf32, #tpu.memory_space<hbm>> -> memref<16x128xf32, #tpu.memory_space<hbm>>
      tpu.enqueue_dma source(%dma_start3A_811 : memref<16x128xf32, #tpu.memory_space<hbm>>) target(%dma_start3A_809 : memref<16x128xf32, #tpu.memory_space<vmem>>) target_semaphore(%arg27 : memref<!tpu.dma_semaphore, #tpu.memory_space<semaphore_mem>>)
      %dma_start3A_812 = arith.constant 0 : i32
      %dma_start3A_813 = arith.constant 768 : i32
      %dma_start3A_814 = tpu.memref_slice %arg20[%dma_start3A_812, %dma_start3A_813] : memref<8x1024xf32, #tpu.memory_space<vmem>> -> memref<8x128xf32, #tpu.memory_space<vmem>>
      %dma_start3A_815 = arith.constant 0 : i32
      %dma_start3A_816 = tpu.memref_slice %arg6[%dma_start3A_815, %multiple_of3A_786] : memref<8x1000000xf32, #tpu.memory_space<hbm>> -> memref<8x128xf32, #tpu.memory_space<hbm>>
      %dma_start3A_817 = arith.constant 0 : i32
      %dma_start3A_818 = arith.constant 768 : i32
      %dma_start3A_819 = tpu.memref_slice %arg20[%dma_start3A_817, %dma_start3A_818] : memref<8x1024xf32, #tpu.memory_space<vmem>> -> memref<8x128xf32, #tpu.memory_space<vmem>>
      %dma_start3A_820 = arith.constant 0 : i32
      %dma_start3A_821 = tpu.memref_slice %arg6[%dma_start3A_820, %multiple_of3A_786] : memref<8x1000000xf32, #tpu.memory_space<hbm>> -> memref<8x128xf32, #tpu.memory_space<hbm>>
      tpu.enqueue_dma source(%dma_start3A_821 : memref<8x128xf32, #tpu.memory_space<hbm>>) target(%dma_start3A_819 : memref<8x128xf32, #tpu.memory_space<vmem>>) target_semaphore(%arg27 : memref<!tpu.dma_semaphore, #tpu.memory_space<semaphore_mem>>)
      %dma_start3A_822 = arith.constant 0 : i32
      %dma_start3A_823 = arith.constant 768 : i32
      %dma_start3A_824 = tpu.memref_slice %arg21[%dma_start3A_822, %dma_start3A_823] : memref<8x1024xf32, #tpu.memory_space<vmem>> -> memref<8x128xf32, #tpu.memory_space<vmem>>
      %dma_start3A_825 = arith.constant 0 : i32
      %dma_start3A_826 = tpu.memref_slice %arg7[%dma_start3A_825, %multiple_of3A_791] : memref<8x1000000xf32, #tpu.memory_space<hbm>> -> memref<8x128xf32, #tpu.memory_space<hbm>>
      %dma_start3A_827 = arith.constant 0 : i32
      %dma_start3A_828 = arith.constant 768 : i32
      %dma_start3A_829 = tpu.memref_slice %arg21[%dma_start3A_827, %dma_start3A_828] : memref<8x1024xf32, #tpu.memory_space<vmem>> -> memref<8x128xf32, #tpu.memory_space<vmem>>
      %dma_start3A_830 = arith.constant 0 : i32
      %dma_start3A_831 = tpu.memref_slice %arg7[%dma_start3A_830, %multiple_of3A_791] : memref<8x1000000xf32, #tpu.memory_space<hbm>> -> memref<8x128xf32, #tpu.memory_space<hbm>>
      tpu.enqueue_dma source(%dma_start3A_831 : memref<8x128xf32, #tpu.memory_space<hbm>>) target(%dma_start3A_829 : memref<8x128xf32, #tpu.memory_space<vmem>>) target_semaphore(%arg27 : memref<!tpu.dma_semaphore, #tpu.memory_space<semaphore_mem>>)
      %slice3A_832 = vector.extract_strided_slice %get3A_449 {offsets = [15], sizes = [1], strides = [1]} : vector<16xi32> to vector<1xi32>
      %squeeze3A_833 = vector.extract %slice3A_832[0] : i32 from vector<1xi32>
      %slice3A_834 = vector.extract_strided_slice %get3A_453 {offsets = [15], sizes = [1], strides = [1]} : vector<16xi32> to vector<1xi32>
      %squeeze3A_835 = vector.extract %slice3A_834[0] : i32 from vector<1xi32>
      %shift_right_arithmetic3A_836 = arith.constant 7 : i32
      %shift_right_arithmetic3A_837 = arith.shrsi %squeeze3A_833, %shift_right_arithmetic3A_836 : i32
      %mul3A_838 = arith.constant 128 : i32
      %mul3A_839 = arith.muli %shift_right_arithmetic3A_837, %mul3A_838 : i32
      %multiple_of3A_840 = tpu.assume_multiple %mul3A_839, 128 : i32
      %shift_right_arithmetic3A_841 = arith.constant 7 : i32
      %shift_right_arithmetic3A_842 = arith.shrsi %squeeze3A_835, %shift_right_arithmetic3A_841 : i32
      %mul3A_843 = arith.constant 128 : i32
      %mul3A_844 = arith.muli %shift_right_arithmetic3A_842, %mul3A_843 : i32
      %multiple_of3A_845 = tpu.assume_multiple %mul3A_844, 128 : i32
      %dma_start3A_846 = arith.constant 0 : i32
      %dma_start3A_847 = arith.constant 896 : i32
      %dma_start3A_848 = tpu.memref_slice %arg18[%dma_start3A_846, %dma_start3A_847] : memref<16x1024xf32, #tpu.memory_space<vmem>> -> memref<16x128xf32, #tpu.memory_space<vmem>>
      %dma_start3A_849 = arith.constant 0 : i32
      %dma_start3A_850 = tpu.memref_slice %arg4[%dma_start3A_849, %multiple_of3A_840] : memref<16x1000000xf32, #tpu.memory_space<hbm>> -> memref<16x128xf32, #tpu.memory_space<hbm>>
      %dma_start3A_851 = arith.constant 0 : i32
      %dma_start3A_852 = arith.constant 896 : i32
      %dma_start3A_853 = tpu.memref_slice %arg18[%dma_start3A_851, %dma_start3A_852] : memref<16x1024xf32, #tpu.memory_space<vmem>> -> memref<16x128xf32, #tpu.memory_space<vmem>>
      %dma_start3A_854 = arith.constant 0 : i32
      %dma_start3A_855 = tpu.memref_slice %arg4[%dma_start3A_854, %multiple_of3A_840] : memref<16x1000000xf32, #tpu.memory_space<hbm>> -> memref<16x128xf32, #tpu.memory_space<hbm>>
      tpu.enqueue_dma source(%dma_start3A_855 : memref<16x128xf32, #tpu.memory_space<hbm>>) target(%dma_start3A_853 : memref<16x128xf32, #tpu.memory_space<vmem>>) target_semaphore(%arg27 : memref<!tpu.dma_semaphore, #tpu.memory_space<semaphore_mem>>)
      %dma_start3A_856 = arith.constant 0 : i32
      %dma_start3A_857 = arith.constant 896 : i32
      %dma_start3A_858 = tpu.memref_slice %arg19[%dma_start3A_856, %dma_start3A_857] : memref<16x1024xf32, #tpu.memory_space<vmem>> -> memref<16x128xf32, #tpu.memory_space<vmem>>
      %dma_start3A_859 = arith.constant 0 : i32
      %dma_start3A_860 = tpu.memref_slice %arg5[%dma_start3A_859, %multiple_of3A_845] : memref<16x1000000xf32, #tpu.memory_space<hbm>> -> memref<16x128xf32, #tpu.memory_space<hbm>>
      %dma_start3A_861 = arith.constant 0 : i32
      %dma_start3A_862 = arith.constant 896 : i32
      %dma_start3A_863 = tpu.memref_slice %arg19[%dma_start3A_861, %dma_start3A_862] : memref<16x1024xf32, #tpu.memory_space<vmem>> -> memref<16x128xf32, #tpu.memory_space<vmem>>
      %dma_start3A_864 = arith.constant 0 : i32
      %dma_start3A_865 = tpu.memref_slice %arg5[%dma_start3A_864, %multiple_of3A_845] : memref<16x1000000xf32, #tpu.memory_space<hbm>> -> memref<16x128xf32, #tpu.memory_space<hbm>>
      tpu.enqueue_dma source(%dma_start3A_865 : memref<16x128xf32, #tpu.memory_space<hbm>>) target(%dma_start3A_863 : memref<16x128xf32, #tpu.memory_space<vmem>>) target_semaphore(%arg27 : memref<!tpu.dma_semaphore, #tpu.memory_space<semaphore_mem>>)
      %dma_start3A_866 = arith.constant 0 : i32
      %dma_start3A_867 = arith.constant 896 : i32
      %dma_start3A_868 = tpu.memref_slice %arg20[%dma_start3A_866, %dma_start3A_867] : memref<8x1024xf32, #tpu.memory_space<vmem>> -> memref<8x128xf32, #tpu.memory_space<vmem>>
      %dma_start3A_869 = arith.constant 0 : i32
      %dma_start3A_870 = tpu.memref_slice %arg6[%dma_start3A_869, %multiple_of3A_840] : memref<8x1000000xf32, #tpu.memory_space<hbm>> -> memref<8x128xf32, #tpu.memory_space<hbm>>
      %dma_start3A_871 = arith.constant 0 : i32
      %dma_start3A_872 = arith.constant 896 : i32
      %dma_start3A_873 = tpu.memref_slice %arg20[%dma_start3A_871, %dma_start3A_872] : memref<8x1024xf32, #tpu.memory_space<vmem>> -> memref<8x128xf32, #tpu.memory_space<vmem>>
      %dma_start3A_874 = arith.constant 0 : i32
      %dma_start3A_875 = tpu.memref_slice %arg6[%dma_start3A_874, %multiple_of3A_840] : memref<8x1000000xf32, #tpu.memory_space<hbm>> -> memref<8x128xf32, #tpu.memory_space<hbm>>
      tpu.enqueue_dma source(%dma_start3A_875 : memref<8x128xf32, #tpu.memory_space<hbm>>) target(%dma_start3A_873 : memref<8x128xf32, #tpu.memory_space<vmem>>) target_semaphore(%arg27 : memref<!tpu.dma_semaphore, #tpu.memory_space<semaphore_mem>>)
      %dma_start3A_876 = arith.constant 0 : i32
      %dma_start3A_877 = arith.constant 896 : i32
      %dma_start3A_878 = tpu.memref_slice %arg21[%dma_start3A_876, %dma_start3A_877] : memref<8x1024xf32, #tpu.memory_space<vmem>> -> memref<8x128xf32, #tpu.memory_space<vmem>>
      %dma_start3A_879 = arith.constant 0 : i32
      %dma_start3A_880 = tpu.memref_slice %arg7[%dma_start3A_879, %multiple_of3A_845] : memref<8x1000000xf32, #tpu.memory_space<hbm>> -> memref<8x128xf32, #tpu.memory_space<hbm>>
      %dma_start3A_881 = arith.constant 0 : i32
      %dma_start3A_882 = arith.constant 896 : i32
      %dma_start3A_883 = tpu.memref_slice %arg21[%dma_start3A_881, %dma_start3A_882] : memref<8x1024xf32, #tpu.memory_space<vmem>> -> memref<8x128xf32, #tpu.memory_space<vmem>>
      %dma_start3A_884 = arith.constant 0 : i32
      %dma_start3A_885 = tpu.memref_slice %arg7[%dma_start3A_884, %multiple_of3A_845] : memref<8x1000000xf32, #tpu.memory_space<hbm>> -> memref<8x128xf32, #tpu.memory_space<hbm>>
      tpu.enqueue_dma source(%dma_start3A_885 : memref<8x128xf32, #tpu.memory_space<hbm>>) target(%dma_start3A_883 : memref<8x128xf32, #tpu.memory_space<vmem>>) target_semaphore(%arg27 : memref<!tpu.dma_semaphore, #tpu.memory_space<semaphore_mem>>)
      %dma_wait3A = arith.constant 0 : i32
      %dma_wait3A_886 = arith.constant 0 : i32
      %dma_wait3A_887 = tpu.memref_slice %arg8[%dma_wait3A, %dma_wait3A_886] : memref<16x16384xf32, #tpu.memory_space<hbm>> -> memref<16x1024xf32, #tpu.memory_space<hbm>>
      %dma_wait3A_888 = arith.constant 0 : i32
      %dma_wait3A_889 = arith.constant 0 : i32
      %dma_wait3A_890 = tpu.memref_slice %arg8[%dma_wait3A_888, %dma_wait3A_889] : memref<16x16384xf32, #tpu.memory_space<hbm>> -> memref<16x1024xf32, #tpu.memory_space<hbm>>
      tpu.wait_dma2 semaphore(%arg26 : memref<!tpu.dma_semaphore, #tpu.memory_space<semaphore_mem>>) src(%dma_wait3A_890 : memref<16x1024xf32, #tpu.memory_space<hbm>>) dst(%arg14 : memref<16x1024xf32, #tpu.memory_space<vmem>>)
      %dma_wait3A_891 = arith.constant 0 : i32
      %dma_wait3A_892 = arith.constant 0 : i32
      %dma_wait3A_893 = tpu.memref_slice %arg9[%dma_wait3A_891, %dma_wait3A_892] : memref<16x16384xf32, #tpu.memory_space<hbm>> -> memref<16x1024xf32, #tpu.memory_space<hbm>>
      %dma_wait3A_894 = arith.constant 0 : i32
      %dma_wait3A_895 = arith.constant 0 : i32
      %dma_wait3A_896 = tpu.memref_slice %arg9[%dma_wait3A_894, %dma_wait3A_895] : memref<16x16384xf32, #tpu.memory_space<hbm>> -> memref<16x1024xf32, #tpu.memory_space<hbm>>
      tpu.wait_dma2 semaphore(%arg26 : memref<!tpu.dma_semaphore, #tpu.memory_space<semaphore_mem>>) src(%dma_wait3A_896 : memref<16x1024xf32, #tpu.memory_space<hbm>>) dst(%arg15 : memref<16x1024xf32, #tpu.memory_space<vmem>>)
      %dma_wait3A_897 = arith.constant 0 : i32
      %dma_wait3A_898 = arith.constant 0 : i32
      %dma_wait3A_899 = tpu.memref_slice %arg10[%dma_wait3A_897, %dma_wait3A_898] : memref<8x16384xf32, #tpu.memory_space<hbm>> -> memref<8x1024xf32, #tpu.memory_space<hbm>>
      %dma_wait3A_900 = arith.constant 0 : i32
      %dma_wait3A_901 = arith.constant 0 : i32
      %dma_wait3A_902 = tpu.memref_slice %arg10[%dma_wait3A_900, %dma_wait3A_901] : memref<8x16384xf32, #tpu.memory_space<hbm>> -> memref<8x1024xf32, #tpu.memory_space<hbm>>
      tpu.wait_dma2 semaphore(%arg26 : memref<!tpu.dma_semaphore, #tpu.memory_space<semaphore_mem>>) src(%dma_wait3A_902 : memref<8x1024xf32, #tpu.memory_space<hbm>>) dst(%arg16 : memref<8x1024xf32, #tpu.memory_space<vmem>>)
      %dma_wait3A_903 = arith.constant 0 : i32
      %dma_wait3A_904 = arith.constant 0 : i32
      %dma_wait3A_905 = tpu.memref_slice %arg11[%dma_wait3A_903, %dma_wait3A_904] : memref<8x16384xf32, #tpu.memory_space<hbm>> -> memref<8x1024xf32, #tpu.memory_space<hbm>>
      %dma_wait3A_906 = arith.constant 0 : i32
      %dma_wait3A_907 = arith.constant 0 : i32
      %dma_wait3A_908 = tpu.memref_slice %arg11[%dma_wait3A_906, %dma_wait3A_907] : memref<8x16384xf32, #tpu.memory_space<hbm>> -> memref<8x1024xf32, #tpu.memory_space<hbm>>
      tpu.wait_dma2 semaphore(%arg26 : memref<!tpu.dma_semaphore, #tpu.memory_space<semaphore_mem>>) src(%dma_wait3A_908 : memref<8x1024xf32, #tpu.memory_space<hbm>>) dst(%arg17 : memref<8x1024xf32, #tpu.memory_space<vmem>>)
      %mul3A_909 = arith.constant 8 : i32
      %mul3A_910 = arith.muli %mul3A_445, %mul3A_909 : i32
      %add3A_911 = arith.constant 0 : i32
      %add3A_912 = arith.addi %mul3A_910, %add3A_911 : i32
      %slice3A_913 = vector.extract_strided_slice %get3A_449 {offsets = [0], sizes = [1], strides = [1]} : vector<16xi32> to vector<1xi32>
      %squeeze3A_914 = vector.extract %slice3A_913[0] : i32 from vector<1xi32>
      %slice3A_915 = vector.extract_strided_slice %get3A_453 {offsets = [0], sizes = [1], strides = [1]} : vector<16xi32> to vector<1xi32>
      %squeeze3A_916 = vector.extract %slice3A_915[0] : i32 from vector<1xi32>
      %and3A_917 = arith.constant 127 : i32
      %and3A_918 = arith.andi %squeeze3A_914, %and3A_917 : i32
      %add3A_919 = arith.constant 0 : i32
      %add3A_920 = arith.addi %add3A_919, %and3A_918 : i32
      %broadcast_in_dim3A = vector.broadcast %add3A_920 : i32 to vector<16xi32>
      %and3A_921 = arith.constant 127 : i32
      %and3A_922 = arith.andi %squeeze3A_916, %and3A_921 : i32
      %add3A_923 = arith.constant 0 : i32
      %add3A_924 = arith.addi %add3A_923, %and3A_922 : i32
      %broadcast_in_dim3A_925 = vector.broadcast %add3A_924 : i32 to vector<16xi32>
      %broadcast_in_dim3A_926 = vector.broadcast %add3A_912 : i32 to vector<16xi32>
      %gather3A = tpu.vector_load_idx %arg14[%iota3A, %broadcast_in_dim3A] : memref<16x1024xf32, #tpu.memory_space<vmem>>[vector<16xi32>, vector<16xi32>], vector<16xf32>,
      tpu.vector_store_idx %arg22[%iota3A, %broadcast_in_dim3A_926], %gather3A : memref<16x512xf32, #tpu.memory_space<vmem>>[vector<16xi32>, vector<16xi32>], vector<16xf32>,
      %gather3A_927 = tpu.vector_load_idx %arg15[%iota3A, %broadcast_in_dim3A_925] : memref<16x1024xf32, #tpu.memory_space<vmem>>[vector<16xi32>, vector<16xi32>], vector<16xf32>,
      tpu.vector_store_idx %arg23[%iota3A, %broadcast_in_dim3A_926], %gather3A_927 : memref<16x512xf32, #tpu.memory_space<vmem>>[vector<16xi32>, vector<16xi32>], vector<16xf32>,
      %gather3A_928 = tpu.vector_load_idx %arg16[%and3A_4, %broadcast_in_dim3A] masked %lt3A_6 : memref<8x1024xf32, #tpu.memory_space<vmem>>[vector<16xi32>, vector<16xi32>], vector<16xf32>, vector<16xi1>
      tpu.vector_store_idx %arg24[%and3A_4, %broadcast_in_dim3A_926], %gather3A_928 masked %lt3A_6 : memref<8x512xf32, #tpu.memory_space<vmem>>[vector<16xi32>, vector<16xi32>], vector<16xf32>, vector<16xi1>
      %gather3A_929 = tpu.vector_load_idx %arg17[%and3A_4, %broadcast_in_dim3A_925] masked %lt3A_6 : memref<8x1024xf32, #tpu.memory_space<vmem>>[vector<16xi32>, vector<16xi32>], vector<16xf32>, vector<16xi1>
      tpu.vector_store_idx %arg25[%and3A_4, %broadcast_in_dim3A_926], %gather3A_929 masked %lt3A_6 : memref<8x512xf32, #tpu.memory_space<vmem>>[vector<16xi32>, vector<16xi32>], vector<16xf32>, vector<16xi1>
      %mul3A_930 = arith.constant 8 : i32
      %mul3A_931 = arith.muli %mul3A_445, %mul3A_930 : i32
      %add3A_932 = arith.constant 1 : i32
      %add3A_933 = arith.addi %mul3A_931, %add3A_932 : i32
      %slice3A_934 = vector.extract_strided_slice %get3A_449 {offsets = [1], sizes = [1], strides = [1]} : vector<16xi32> to vector<1xi32>
      %squeeze3A_935 = vector.extract %slice3A_934[0] : i32 from vector<1xi32>
      %slice3A_936 = vector.extract_strided_slice %get3A_453 {offsets = [1], sizes = [1], strides = [1]} : vector<16xi32> to vector<1xi32>
      %squeeze3A_937 = vector.extract %slice3A_936[0] : i32 from vector<1xi32>
      %and3A_938 = arith.constant 127 : i32
      %and3A_939 = arith.andi %squeeze3A_935, %and3A_938 : i32
      %add3A_940 = arith.constant 128 : i32
      %add3A_941 = arith.addi %add3A_940, %and3A_939 : i32
      %broadcast_in_dim3A_942 = vector.broadcast %add3A_941 : i32 to vector<16xi32>
      %and3A_943 = arith.constant 127 : i32
      %and3A_944 = arith.andi %squeeze3A_937, %and3A_943 : i32
      %add3A_945 = arith.constant 128 : i32
      %add3A_946 = arith.addi %add3A_945, %and3A_944 : i32
      %broadcast_in_dim3A_947 = vector.broadcast %add3A_946 : i32 to vector<16xi32>
      %broadcast_in_dim3A_948 = vector.broadcast %add3A_933 : i32 to vector<16xi32>
      %gather3A_949 = tpu.vector_load_idx %arg14[%iota3A, %broadcast_in_dim3A_942] : memref<16x1024xf32, #tpu.memory_space<vmem>>[vector<16xi32>, vector<16xi32>], vector<16xf32>,
      tpu.vector_store_idx %arg22[%iota3A, %broadcast_in_dim3A_948], %gather3A_949 : memref<16x512xf32, #tpu.memory_space<vmem>>[vector<16xi32>, vector<16xi32>], vector<16xf32>,
      %gather3A_950 = tpu.vector_load_idx %arg15[%iota3A, %broadcast_in_dim3A_947] : memref<16x1024xf32, #tpu.memory_space<vmem>>[vector<16xi32>, vector<16xi32>], vector<16xf32>,
      tpu.vector_store_idx %arg23[%iota3A, %broadcast_in_dim3A_948], %gather3A_950 : memref<16x512xf32, #tpu.memory_space<vmem>>[vector<16xi32>, vector<16xi32>], vector<16xf32>,
      %gather3A_951 = tpu.vector_load_idx %arg16[%and3A_4, %broadcast_in_dim3A_942] masked %lt3A_6 : memref<8x1024xf32, #tpu.memory_space<vmem>>[vector<16xi32>, vector<16xi32>], vector<16xf32>, vector<16xi1>
      tpu.vector_store_idx %arg24[%and3A_4, %broadcast_in_dim3A_948], %gather3A_951 masked %lt3A_6 : memref<8x512xf32, #tpu.memory_space<vmem>>[vector<16xi32>, vector<16xi32>], vector<16xf32>, vector<16xi1>
      %gather3A_952 = tpu.vector_load_idx %arg17[%and3A_4, %broadcast_in_dim3A_947] masked %lt3A_6 : memref<8x1024xf32, #tpu.memory_space<vmem>>[vector<16xi32>, vector<16xi32>], vector<16xf32>, vector<16xi1>
      tpu.vector_store_idx %arg25[%and3A_4, %broadcast_in_dim3A_948], %gather3A_952 masked %lt3A_6 : memref<8x512xf32, #tpu.memory_space<vmem>>[vector<16xi32>, vector<16xi32>], vector<16xf32>, vector<16xi1>
      %mul3A_953 = arith.constant 8 : i32
      %mul3A_954 = arith.muli %mul3A_445, %mul3A_953 : i32
      %add3A_955 = arith.constant 2 : i32
      %add3A_956 = arith.addi %mul3A_954, %add3A_955 : i32
      %slice3A_957 = vector.extract_strided_slice %get3A_449 {offsets = [2], sizes = [1], strides = [1]} : vector<16xi32> to vector<1xi32>
      %squeeze3A_958 = vector.extract %slice3A_957[0] : i32 from vector<1xi32>
      %slice3A_959 = vector.extract_strided_slice %get3A_453 {offsets = [2], sizes = [1], strides = [1]} : vector<16xi32> to vector<1xi32>
      %squeeze3A_960 = vector.extract %slice3A_959[0] : i32 from vector<1xi32>
      %and3A_961 = arith.constant 127 : i32
      %and3A_962 = arith.andi %squeeze3A_958, %and3A_961 : i32
      %add3A_963 = arith.constant 256 : i32
      %add3A_964 = arith.addi %add3A_963, %and3A_962 : i32
      %broadcast_in_dim3A_965 = vector.broadcast %add3A_964 : i32 to vector<16xi32>
      %and3A_966 = arith.constant 127 : i32
      %and3A_967 = arith.andi %squeeze3A_960, %and3A_966 : i32
      %add3A_968 = arith.constant 256 : i32
      %add3A_969 = arith.addi %add3A_968, %and3A_967 : i32
      %broadcast_in_dim3A_970 = vector.broadcast %add3A_969 : i32 to vector<16xi32>
      %broadcast_in_dim3A_971 = vector.broadcast %add3A_956 : i32 to vector<16xi32>
      %gather3A_972 = tpu.vector_load_idx %arg14[%iota3A, %broadcast_in_dim3A_965] : memref<16x1024xf32, #tpu.memory_space<vmem>>[vector<16xi32>, vector<16xi32>], vector<16xf32>,
      tpu.vector_store_idx %arg22[%iota3A, %broadcast_in_dim3A_971], %gather3A_972 : memref<16x512xf32, #tpu.memory_space<vmem>>[vector<16xi32>, vector<16xi32>], vector<16xf32>,
      %gather3A_973 = tpu.vector_load_idx %arg15[%iota3A, %broadcast_in_dim3A_970] : memref<16x1024xf32, #tpu.memory_space<vmem>>[vector<16xi32>, vector<16xi32>], vector<16xf32>,
      tpu.vector_store_idx %arg23[%iota3A, %broadcast_in_dim3A_971], %gather3A_973 : memref<16x512xf32, #tpu.memory_space<vmem>>[vector<16xi32>, vector<16xi32>], vector<16xf32>,
      %gather3A_974 = tpu.vector_load_idx %arg16[%and3A_4, %broadcast_in_dim3A_965] masked %lt3A_6 : memref<8x1024xf32, #tpu.memory_space<vmem>>[vector<16xi32>, vector<16xi32>], vector<16xf32>, vector<16xi1>
      tpu.vector_store_idx %arg24[%and3A_4, %broadcast_in_dim3A_971], %gather3A_974 masked %lt3A_6 : memref<8x512xf32, #tpu.memory_space<vmem>>[vector<16xi32>, vector<16xi32>], vector<16xf32>, vector<16xi1>
      %gather3A_975 = tpu.vector_load_idx %arg17[%and3A_4, %broadcast_in_dim3A_970] masked %lt3A_6 : memref<8x1024xf32, #tpu.memory_space<vmem>>[vector<16xi32>, vector<16xi32>], vector<16xf32>, vector<16xi1>
      tpu.vector_store_idx %arg25[%and3A_4, %broadcast_in_dim3A_971], %gather3A_975 masked %lt3A_6 : memref<8x512xf32, #tpu.memory_space<vmem>>[vector<16xi32>, vector<16xi32>], vector<16xf32>, vector<16xi1>
      %mul3A_976 = arith.constant 8 : i32
      %mul3A_977 = arith.muli %mul3A_445, %mul3A_976 : i32
      %add3A_978 = arith.constant 3 : i32
      %add3A_979 = arith.addi %mul3A_977, %add3A_978 : i32
      %slice3A_980 = vector.extract_strided_slice %get3A_449 {offsets = [3], sizes = [1], strides = [1]} : vector<16xi32> to vector<1xi32>
      %squeeze3A_981 = vector.extract %slice3A_980[0] : i32 from vector<1xi32>
      %slice3A_982 = vector.extract_strided_slice %get3A_453 {offsets = [3], sizes = [1], strides = [1]} : vector<16xi32> to vector<1xi32>
      %squeeze3A_983 = vector.extract %slice3A_982[0] : i32 from vector<1xi32>
      %and3A_984 = arith.constant 127 : i32
      %and3A_985 = arith.andi %squeeze3A_981, %and3A_984 : i32
      %add3A_986 = arith.constant 384 : i32
      %add3A_987 = arith.addi %add3A_986, %and3A_985 : i32
      %broadcast_in_dim3A_988 = vector.broadcast %add3A_987 : i32 to vector<16xi32>
      %and3A_989 = arith.constant 127 : i32
      %and3A_990 = arith.andi %squeeze3A_983, %and3A_989 : i32
      %add3A_991 = arith.constant 384 : i32
      %add3A_992 = arith.addi %add3A_991, %and3A_990 : i32
      %broadcast_in_dim3A_993 = vector.broadcast %add3A_992 : i32 to vector<16xi32>
      %broadcast_in_dim3A_994 = vector.broadcast %add3A_979 : i32 to vector<16xi32>
      %gather3A_995 = tpu.vector_load_idx %arg14[%iota3A, %broadcast_in_dim3A_988] : memref<16x1024xf32, #tpu.memory_space<vmem>>[vector<16xi32>, vector<16xi32>], vector<16xf32>,
      tpu.vector_store_idx %arg22[%iota3A, %broadcast_in_dim3A_994], %gather3A_995 : memref<16x512xf32, #tpu.memory_space<vmem>>[vector<16xi32>, vector<16xi32>], vector<16xf32>,
      %gather3A_996 = tpu.vector_load_idx %arg15[%iota3A, %broadcast_in_dim3A_993] : memref<16x1024xf32, #tpu.memory_space<vmem>>[vector<16xi32>, vector<16xi32>], vector<16xf32>,
      tpu.vector_store_idx %arg23[%iota3A, %broadcast_in_dim3A_994], %gather3A_996 : memref<16x512xf32, #tpu.memory_space<vmem>>[vector<16xi32>, vector<16xi32>], vector<16xf32>,
      %gather3A_997 = tpu.vector_load_idx %arg16[%and3A_4, %broadcast_in_dim3A_988] masked %lt3A_6 : memref<8x1024xf32, #tpu.memory_space<vmem>>[vector<16xi32>, vector<16xi32>], vector<16xf32>, vector<16xi1>
      tpu.vector_store_idx %arg24[%and3A_4, %broadcast_in_dim3A_994], %gather3A_997 masked %lt3A_6 : memref<8x512xf32, #tpu.memory_space<vmem>>[vector<16xi32>, vector<16xi32>], vector<16xf32>, vector<16xi1>
      %gather3A_998 = tpu.vector_load_idx %arg17[%and3A_4, %broadcast_in_dim3A_993] masked %lt3A_6 : memref<8x1024xf32, #tpu.memory_space<vmem>>[vector<16xi32>, vector<16xi32>], vector<16xf32>, vector<16xi1>
      tpu.vector_store_idx %arg25[%and3A_4, %broadcast_in_dim3A_994], %gather3A_998 masked %lt3A_6 : memref<8x512xf32, #tpu.memory_space<vmem>>[vector<16xi32>, vector<16xi32>], vector<16xf32>, vector<16xi1>
      %mul3A_999 = arith.constant 8 : i32
      %mul3A_1000 = arith.muli %mul3A_445, %mul3A_999 : i32
      %add3A_1001 = arith.constant 4 : i32
      %add3A_1002 = arith.addi %mul3A_1000, %add3A_1001 : i32
      %slice3A_1003 = vector.extract_strided_slice %get3A_449 {offsets = [4], sizes = [1], strides = [1]} : vector<16xi32> to vector<1xi32>
      %squeeze3A_1004 = vector.extract %slice3A_1003[0] : i32 from vector<1xi32>
      %slice3A_1005 = vector.extract_strided_slice %get3A_453 {offsets = [4], sizes = [1], strides = [1]} : vector<16xi32> to vector<1xi32>
      %squeeze3A_1006 = vector.extract %slice3A_1005[0] : i32 from vector<1xi32>
      %and3A_1007 = arith.constant 127 : i32
      %and3A_1008 = arith.andi %squeeze3A_1004, %and3A_1007 : i32
      %add3A_1009 = arith.constant 512 : i32
      %add3A_1010 = arith.addi %add3A_1009, %and3A_1008 : i32
      %broadcast_in_dim3A_1011 = vector.broadcast %add3A_1010 : i32 to vector<16xi32>
      %and3A_1012 = arith.constant 127 : i32
      %and3A_1013 = arith.andi %squeeze3A_1006, %and3A_1012 : i32
      %add3A_1014 = arith.constant 512 : i32
      %add3A_1015 = arith.addi %add3A_1014, %and3A_1013 : i32
      %broadcast_in_dim3A_1016 = vector.broadcast %add3A_1015 : i32 to vector<16xi32>
      %broadcast_in_dim3A_1017 = vector.broadcast %add3A_1002 : i32 to vector<16xi32>
      %gather3A_1018 = tpu.vector_load_idx %arg14[%iota3A, %broadcast_in_dim3A_1011] : memref<16x1024xf32, #tpu.memory_space<vmem>>[vector<16xi32>, vector<16xi32>], vector<16xf32>,
      tpu.vector_store_idx %arg22[%iota3A, %broadcast_in_dim3A_1017], %gather3A_1018 : memref<16x512xf32, #tpu.memory_space<vmem>>[vector<16xi32>, vector<16xi32>], vector<16xf32>,
      %gather3A_1019 = tpu.vector_load_idx %arg15[%iota3A, %broadcast_in_dim3A_1016] : memref<16x1024xf32, #tpu.memory_space<vmem>>[vector<16xi32>, vector<16xi32>], vector<16xf32>,
      tpu.vector_store_idx %arg23[%iota3A, %broadcast_in_dim3A_1017], %gather3A_1019 : memref<16x512xf32, #tpu.memory_space<vmem>>[vector<16xi32>, vector<16xi32>], vector<16xf32>,
      %gather3A_1020 = tpu.vector_load_idx %arg16[%and3A_4, %broadcast_in_dim3A_1011] masked %lt3A_6 : memref<8x1024xf32, #tpu.memory_space<vmem>>[vector<16xi32>, vector<16xi32>], vector<16xf32>, vector<16xi1>
      tpu.vector_store_idx %arg24[%and3A_4, %broadcast_in_dim3A_1017], %gather3A_1020 masked %lt3A_6 : memref<8x512xf32, #tpu.memory_space<vmem>>[vector<16xi32>, vector<16xi32>], vector<16xf32>, vector<16xi1>
      %gather3A_1021 = tpu.vector_load_idx %arg17[%and3A_4, %broadcast_in_dim3A_1016] masked %lt3A_6 : memref<8x1024xf32, #tpu.memory_space<vmem>>[vector<16xi32>, vector<16xi32>], vector<16xf32>, vector<16xi1>
      tpu.vector_store_idx %arg25[%and3A_4, %broadcast_in_dim3A_1017], %gather3A_1021 masked %lt3A_6 : memref<8x512xf32, #tpu.memory_space<vmem>>[vector<16xi32>, vector<16xi32>], vector<16xf32>, vector<16xi1>
      %mul3A_1022 = arith.constant 8 : i32
      %mul3A_1023 = arith.muli %mul3A_445, %mul3A_1022 : i32
      %add3A_1024 = arith.constant 5 : i32
      %add3A_1025 = arith.addi %mul3A_1023, %add3A_1024 : i32
      %slice3A_1026 = vector.extract_strided_slice %get3A_449 {offsets = [5], sizes = [1], strides = [1]} : vector<16xi32> to vector<1xi32>
      %squeeze3A_1027 = vector.extract %slice3A_1026[0] : i32 from vector<1xi32>
      %slice3A_1028 = vector.extract_strided_slice %get3A_453 {offsets = [5], sizes = [1], strides = [1]} : vector<16xi32> to vector<1xi32>
      %squeeze3A_1029 = vector.extract %slice3A_1028[0] : i32 from vector<1xi32>
      %and3A_1030 = arith.constant 127 : i32
      %and3A_1031 = arith.andi %squeeze3A_1027, %and3A_1030 : i32
      %add3A_1032 = arith.constant 640 : i32
      %add3A_1033 = arith.addi %add3A_1032, %and3A_1031 : i32
      %broadcast_in_dim3A_1034 = vector.broadcast %add3A_1033 : i32 to vector<16xi32>
      %and3A_1035 = arith.constant 127 : i32
      %and3A_1036 = arith.andi %squeeze3A_1029, %and3A_1035 : i32
      %add3A_1037 = arith.constant 640 : i32
      %add3A_1038 = arith.addi %add3A_1037, %and3A_1036 : i32
      %broadcast_in_dim3A_1039 = vector.broadcast %add3A_1038 : i32 to vector<16xi32>
      %broadcast_in_dim3A_1040 = vector.broadcast %add3A_1025 : i32 to vector<16xi32>
      %gather3A_1041 = tpu.vector_load_idx %arg14[%iota3A, %broadcast_in_dim3A_1034] : memref<16x1024xf32, #tpu.memory_space<vmem>>[vector<16xi32>, vector<16xi32>], vector<16xf32>,
      tpu.vector_store_idx %arg22[%iota3A, %broadcast_in_dim3A_1040], %gather3A_1041 : memref<16x512xf32, #tpu.memory_space<vmem>>[vector<16xi32>, vector<16xi32>], vector<16xf32>,
      %gather3A_1042 = tpu.vector_load_idx %arg15[%iota3A, %broadcast_in_dim3A_1039] : memref<16x1024xf32, #tpu.memory_space<vmem>>[vector<16xi32>, vector<16xi32>], vector<16xf32>,
      tpu.vector_store_idx %arg23[%iota3A, %broadcast_in_dim3A_1040], %gather3A_1042 : memref<16x512xf32, #tpu.memory_space<vmem>>[vector<16xi32>, vector<16xi32>], vector<16xf32>,
      %gather3A_1043 = tpu.vector_load_idx %arg16[%and3A_4, %broadcast_in_dim3A_1034] masked %lt3A_6 : memref<8x1024xf32, #tpu.memory_space<vmem>>[vector<16xi32>, vector<16xi32>], vector<16xf32>, vector<16xi1>
      tpu.vector_store_idx %arg24[%and3A_4, %broadcast_in_dim3A_1040], %gather3A_1043 masked %lt3A_6 : memref<8x512xf32, #tpu.memory_space<vmem>>[vector<16xi32>, vector<16xi32>], vector<16xf32>, vector<16xi1>
      %gather3A_1044 = tpu.vector_load_idx %arg17[%and3A_4, %broadcast_in_dim3A_1039] masked %lt3A_6 : memref<8x1024xf32, #tpu.memory_space<vmem>>[vector<16xi32>, vector<16xi32>], vector<16xf32>, vector<16xi1>
      tpu.vector_store_idx %arg25[%and3A_4, %broadcast_in_dim3A_1040], %gather3A_1044 masked %lt3A_6 : memref<8x512xf32, #tpu.memory_space<vmem>>[vector<16xi32>, vector<16xi32>], vector<16xf32>, vector<16xi1>
      %mul3A_1045 = arith.constant 8 : i32
      %mul3A_1046 = arith.muli %mul3A_445, %mul3A_1045 : i32
      %add3A_1047 = arith.constant 6 : i32
      %add3A_1048 = arith.addi %mul3A_1046, %add3A_1047 : i32
      %slice3A_1049 = vector.extract_strided_slice %get3A_449 {offsets = [6], sizes = [1], strides = [1]} : vector<16xi32> to vector<1xi32>
      %squeeze3A_1050 = vector.extract %slice3A_1049[0] : i32 from vector<1xi32>
      %slice3A_1051 = vector.extract_strided_slice %get3A_453 {offsets = [6], sizes = [1], strides = [1]} : vector<16xi32> to vector<1xi32>
      %squeeze3A_1052 = vector.extract %slice3A_1051[0] : i32 from vector<1xi32>
      %and3A_1053 = arith.constant 127 : i32
      %and3A_1054 = arith.andi %squeeze3A_1050, %and3A_1053 : i32
      %add3A_1055 = arith.constant 768 : i32
      %add3A_1056 = arith.addi %add3A_1055, %and3A_1054 : i32
      %broadcast_in_dim3A_1057 = vector.broadcast %add3A_1056 : i32 to vector<16xi32>
      %and3A_1058 = arith.constant 127 : i32
      %and3A_1059 = arith.andi %squeeze3A_1052, %and3A_1058 : i32
      %add3A_1060 = arith.constant 768 : i32
      %add3A_1061 = arith.addi %add3A_1060, %and3A_1059 : i32
      %broadcast_in_dim3A_1062 = vector.broadcast %add3A_1061 : i32 to vector<16xi32>
      %broadcast_in_dim3A_1063 = vector.broadcast %add3A_1048 : i32 to vector<16xi32>
      %gather3A_1064 = tpu.vector_load_idx %arg14[%iota3A, %broadcast_in_dim3A_1057] : memref<16x1024xf32, #tpu.memory_space<vmem>>[vector<16xi32>, vector<16xi32>], vector<16xf32>,
      tpu.vector_store_idx %arg22[%iota3A, %broadcast_in_dim3A_1063], %gather3A_1064 : memref<16x512xf32, #tpu.memory_space<vmem>>[vector<16xi32>, vector<16xi32>], vector<16xf32>,
      %gather3A_1065 = tpu.vector_load_idx %arg15[%iota3A, %broadcast_in_dim3A_1062] : memref<16x1024xf32, #tpu.memory_space<vmem>>[vector<16xi32>, vector<16xi32>], vector<16xf32>,
      tpu.vector_store_idx %arg23[%iota3A, %broadcast_in_dim3A_1063], %gather3A_1065 : memref<16x512xf32, #tpu.memory_space<vmem>>[vector<16xi32>, vector<16xi32>], vector<16xf32>,
      %gather3A_1066 = tpu.vector_load_idx %arg16[%and3A_4, %broadcast_in_dim3A_1057] masked %lt3A_6 : memref<8x1024xf32, #tpu.memory_space<vmem>>[vector<16xi32>, vector<16xi32>], vector<16xf32>, vector<16xi1>
      tpu.vector_store_idx %arg24[%and3A_4, %broadcast_in_dim3A_1063], %gather3A_1066 masked %lt3A_6 : memref<8x512xf32, #tpu.memory_space<vmem>>[vector<16xi32>, vector<16xi32>], vector<16xf32>, vector<16xi1>
      %gather3A_1067 = tpu.vector_load_idx %arg17[%and3A_4, %broadcast_in_dim3A_1062] masked %lt3A_6 : memref<8x1024xf32, #tpu.memory_space<vmem>>[vector<16xi32>, vector<16xi32>], vector<16xf32>, vector<16xi1>
      tpu.vector_store_idx %arg25[%and3A_4, %broadcast_in_dim3A_1063], %gather3A_1067 masked %lt3A_6 : memref<8x512xf32, #tpu.memory_space<vmem>>[vector<16xi32>, vector<16xi32>], vector<16xf32>, vector<16xi1>
      %mul3A_1068 = arith.constant 8 : i32
      %mul3A_1069 = arith.muli %mul3A_445, %mul3A_1068 : i32
      %add3A_1070 = arith.constant 7 : i32
      %add3A_1071 = arith.addi %mul3A_1069, %add3A_1070 : i32
      %slice3A_1072 = vector.extract_strided_slice %get3A_449 {offsets = [7], sizes = [1], strides = [1]} : vector<16xi32> to vector<1xi32>
      %squeeze3A_1073 = vector.extract %slice3A_1072[0] : i32 from vector<1xi32>
      %slice3A_1074 = vector.extract_strided_slice %get3A_453 {offsets = [7], sizes = [1], strides = [1]} : vector<16xi32> to vector<1xi32>
      %squeeze3A_1075 = vector.extract %slice3A_1074[0] : i32 from vector<1xi32>
      %and3A_1076 = arith.constant 127 : i32
      %and3A_1077 = arith.andi %squeeze3A_1073, %and3A_1076 : i32
      %add3A_1078 = arith.constant 896 : i32
      %add3A_1079 = arith.addi %add3A_1078, %and3A_1077 : i32
      %broadcast_in_dim3A_1080 = vector.broadcast %add3A_1079 : i32 to vector<16xi32>
      %and3A_1081 = arith.constant 127 : i32
      %and3A_1082 = arith.andi %squeeze3A_1075, %and3A_1081 : i32
      %add3A_1083 = arith.constant 896 : i32
      %add3A_1084 = arith.addi %add3A_1083, %and3A_1082 : i32
      %broadcast_in_dim3A_1085 = vector.broadcast %add3A_1084 : i32 to vector<16xi32>
      %broadcast_in_dim3A_1086 = vector.broadcast %add3A_1071 : i32 to vector<16xi32>
      %gather3A_1087 = tpu.vector_load_idx %arg14[%iota3A, %broadcast_in_dim3A_1080] : memref<16x1024xf32, #tpu.memory_space<vmem>>[vector<16xi32>, vector<16xi32>], vector<16xf32>,
      tpu.vector_store_idx %arg22[%iota3A, %broadcast_in_dim3A_1086], %gather3A_1087 : memref<16x512xf32, #tpu.memory_space<vmem>>[vector<16xi32>, vector<16xi32>], vector<16xf32>,
      %gather3A_1088 = tpu.vector_load_idx %arg15[%iota3A, %broadcast_in_dim3A_1085] : memref<16x1024xf32, #tpu.memory_space<vmem>>[vector<16xi32>, vector<16xi32>], vector<16xf32>,
      tpu.vector_store_idx %arg23[%iota3A, %broadcast_in_dim3A_1086], %gather3A_1088 : memref<16x512xf32, #tpu.memory_space<vmem>>[vector<16xi32>, vector<16xi32>], vector<16xf32>,
      %gather3A_1089 = tpu.vector_load_idx %arg16[%and3A_4, %broadcast_in_dim3A_1080] masked %lt3A_6 : memref<8x1024xf32, #tpu.memory_space<vmem>>[vector<16xi32>, vector<16xi32>], vector<16xf32>, vector<16xi1>
      tpu.vector_store_idx %arg24[%and3A_4, %broadcast_in_dim3A_1086], %gather3A_1089 masked %lt3A_6 : memref<8x512xf32, #tpu.memory_space<vmem>>[vector<16xi32>, vector<16xi32>], vector<16xf32>, vector<16xi1>
      %gather3A_1090 = tpu.vector_load_idx %arg17[%and3A_4, %broadcast_in_dim3A_1085] masked %lt3A_6 : memref<8x1024xf32, #tpu.memory_space<vmem>>[vector<16xi32>, vector<16xi32>], vector<16xf32>, vector<16xi1>
      tpu.vector_store_idx %arg25[%and3A_4, %broadcast_in_dim3A_1086], %gather3A_1090 masked %lt3A_6 : memref<8x512xf32, #tpu.memory_space<vmem>>[vector<16xi32>, vector<16xi32>], vector<16xf32>, vector<16xi1>
      %lt3A_1091 = arith.constant 31 : i32
      %lt3A_1092 = arith.cmpi slt, %scan3A_443, %lt3A_1091 : i32
      %convert_element_type3A = arith.extui %lt3A_1092 : i1 to i32
      %cond3A = arith.constant 0 : i32
      %cond3A_1093 = arith.cmpi ne, %convert_element_type3A, %cond3A : i32
      scf.if %cond3A_1093 {
        %mul3A_1304 = arith.constant 16 : i32
        %mul3A_1305 = arith.muli %scan3A_443, %mul3A_1304 : i32
        %add3A_1306 = arith.constant 16 : i32
        %add3A_1307 = arith.addi %mul3A_1305, %add3A_1306 : i32
        %get3A_1308 = arith.index_cast %add3A_1307 : i32 to index
        %get3A_1309 = tpu.vector_load %arg12[%get3A_1308] {strides = array<i32>} : memref<512xi32, #tpu.memory_space<vmem>>, vector<16xi32>,
        %mul3A_1310 = arith.constant 16 : i32
        %mul3A_1311 = arith.muli %scan3A_443, %mul3A_1310 : i32
        %add3A_1312 = arith.constant 16 : i32
        %add3A_1313 = arith.addi %mul3A_1311, %add3A_1312 : i32
        %get3A_1314 = arith.index_cast %add3A_1313 : i32 to index
        %get3A_1315 = tpu.vector_load %arg13[%get3A_1314] {strides = array<i32>} : memref<512xi32, #tpu.memory_space<vmem>>, vector<16xi32>,
        %slice3A_1316 = vector.extract_strided_slice %get3A_1309 {offsets = [0], sizes = [1], strides = [1]} : vector<16xi32> to vector<1xi32>
        %squeeze3A_1317 = vector.extract %slice3A_1316[0] : i32 from vector<1xi32>
        %slice3A_1318 = vector.extract_strided_slice %get3A_1315 {offsets = [0], sizes = [1], strides = [1]} : vector<16xi32> to vector<1xi32>
        %squeeze3A_1319 = vector.extract %slice3A_1318[0] : i32 from vector<1xi32>
        %shift_right_arithmetic3A_1320 = arith.constant 7 : i32
        %shift_right_arithmetic3A_1321 = arith.shrsi %squeeze3A_1317, %shift_right_arithmetic3A_1320 : i32
        %mul3A_1322 = arith.constant 128 : i32
        %mul3A_1323 = arith.muli %shift_right_arithmetic3A_1321, %mul3A_1322 : i32
        %multiple_of3A_1324 = tpu.assume_multiple %mul3A_1323, 128 : i32
        %shift_right_arithmetic3A_1325 = arith.constant 7 : i32
        %shift_right_arithmetic3A_1326 = arith.shrsi %squeeze3A_1319, %shift_right_arithmetic3A_1325 : i32
        %mul3A_1327 = arith.constant 128 : i32
        %mul3A_1328 = arith.muli %shift_right_arithmetic3A_1326, %mul3A_1327 : i32
        %multiple_of3A_1329 = tpu.assume_multiple %mul3A_1328, 128 : i32
        %dma_start3A_1330 = arith.constant 0 : i32
        %dma_start3A_1331 = arith.constant 0 : i32
        %dma_start3A_1332 = tpu.memref_slice %arg14[%dma_start3A_1330, %dma_start3A_1331] : memref<16x1024xf32, #tpu.memory_space<vmem>> -> memref<16x128xf32, #tpu.memory_space<vmem>>
        %dma_start3A_1333 = arith.constant 0 : i32
        %dma_start3A_1334 = tpu.memref_slice %arg4[%dma_start3A_1333, %multiple_of3A_1324] : memref<16x1000000xf32, #tpu.memory_space<hbm>> -> memref<16x128xf32, #tpu.memory_space<hbm>>
        %dma_start3A_1335 = arith.constant 0 : i32
        %dma_start3A_1336 = arith.constant 0 : i32
        %dma_start3A_1337 = tpu.memref_slice %arg14[%dma_start3A_1335, %dma_start3A_1336] : memref<16x1024xf32, #tpu.memory_space<vmem>> -> memref<16x128xf32, #tpu.memory_space<vmem>>
        %dma_start3A_1338 = arith.constant 0 : i32
        %dma_start3A_1339 = tpu.memref_slice %arg4[%dma_start3A_1338, %multiple_of3A_1324] : memref<16x1000000xf32, #tpu.memory_space<hbm>> -> memref<16x128xf32, #tpu.memory_space<hbm>>
        tpu.enqueue_dma source(%dma_start3A_1339 : memref<16x128xf32, #tpu.memory_space<hbm>>) target(%dma_start3A_1337 : memref<16x128xf32, #tpu.memory_space<vmem>>) target_semaphore(%arg26 : memref<!tpu.dma_semaphore, #tpu.memory_space<semaphore_mem>>)
        %dma_start3A_1340 = arith.constant 0 : i32
        %dma_start3A_1341 = arith.constant 0 : i32
        %dma_start3A_1342 = tpu.memref_slice %arg15[%dma_start3A_1340, %dma_start3A_1341] : memref<16x1024xf32, #tpu.memory_space<vmem>> -> memref<16x128xf32, #tpu.memory_space<vmem>>
        %dma_start3A_1343 = arith.constant 0 : i32
        %dma_start3A_1344 = tpu.memref_slice %arg5[%dma_start3A_1343, %multiple_of3A_1329] : memref<16x1000000xf32, #tpu.memory_space<hbm>> -> memref<16x128xf32, #tpu.memory_space<hbm>>
        %dma_start3A_1345 = arith.constant 0 : i32
        %dma_start3A_1346 = arith.constant 0 : i32
        %dma_start3A_1347 = tpu.memref_slice %arg15[%dma_start3A_1345, %dma_start3A_1346] : memref<16x1024xf32, #tpu.memory_space<vmem>> -> memref<16x128xf32, #tpu.memory_space<vmem>>
        %dma_start3A_1348 = arith.constant 0 : i32
        %dma_start3A_1349 = tpu.memref_slice %arg5[%dma_start3A_1348, %multiple_of3A_1329] : memref<16x1000000xf32, #tpu.memory_space<hbm>> -> memref<16x128xf32, #tpu.memory_space<hbm>>
        tpu.enqueue_dma source(%dma_start3A_1349 : memref<16x128xf32, #tpu.memory_space<hbm>>) target(%dma_start3A_1347 : memref<16x128xf32, #tpu.memory_space<vmem>>) target_semaphore(%arg26 : memref<!tpu.dma_semaphore, #tpu.memory_space<semaphore_mem>>)
        %dma_start3A_1350 = arith.constant 0 : i32
        %dma_start3A_1351 = arith.constant 0 : i32
        %dma_start3A_1352 = tpu.memref_slice %arg16[%dma_start3A_1350, %dma_start3A_1351] : memref<8x1024xf32, #tpu.memory_space<vmem>> -> memref<8x128xf32, #tpu.memory_space<vmem>>
        %dma_start3A_1353 = arith.constant 0 : i32
        %dma_start3A_1354 = tpu.memref_slice %arg6[%dma_start3A_1353, %multiple_of3A_1324] : memref<8x1000000xf32, #tpu.memory_space<hbm>> -> memref<8x128xf32, #tpu.memory_space<hbm>>
        %dma_start3A_1355 = arith.constant 0 : i32
        %dma_start3A_1356 = arith.constant 0 : i32
        %dma_start3A_1357 = tpu.memref_slice %arg16[%dma_start3A_1355, %dma_start3A_1356] : memref<8x1024xf32, #tpu.memory_space<vmem>> -> memref<8x128xf32, #tpu.memory_space<vmem>>
        %dma_start3A_1358 = arith.constant 0 : i32
        %dma_start3A_1359 = tpu.memref_slice %arg6[%dma_start3A_1358, %multiple_of3A_1324] : memref<8x1000000xf32, #tpu.memory_space<hbm>> -> memref<8x128xf32, #tpu.memory_space<hbm>>
        tpu.enqueue_dma source(%dma_start3A_1359 : memref<8x128xf32, #tpu.memory_space<hbm>>) target(%dma_start3A_1357 : memref<8x128xf32, #tpu.memory_space<vmem>>) target_semaphore(%arg26 : memref<!tpu.dma_semaphore, #tpu.memory_space<semaphore_mem>>)
        %dma_start3A_1360 = arith.constant 0 : i32
        %dma_start3A_1361 = arith.constant 0 : i32
        %dma_start3A_1362 = tpu.memref_slice %arg17[%dma_start3A_1360, %dma_start3A_1361] : memref<8x1024xf32, #tpu.memory_space<vmem>> -> memref<8x128xf32, #tpu.memory_space<vmem>>
        %dma_start3A_1363 = arith.constant 0 : i32
        %dma_start3A_1364 = tpu.memref_slice %arg7[%dma_start3A_1363, %multiple_of3A_1329] : memref<8x1000000xf32, #tpu.memory_space<hbm>> -> memref<8x128xf32, #tpu.memory_space<hbm>>
        %dma_start3A_1365 = arith.constant 0 : i32
        %dma_start3A_1366 = arith.constant 0 : i32
        %dma_start3A_1367 = tpu.memref_slice %arg17[%dma_start3A_1365, %dma_start3A_1366] : memref<8x1024xf32, #tpu.memory_space<vmem>> -> memref<8x128xf32, #tpu.memory_space<vmem>>
        %dma_start3A_1368 = arith.constant 0 : i32
        %dma_start3A_1369 = tpu.memref_slice %arg7[%dma_start3A_1368, %multiple_of3A_1329] : memref<8x1000000xf32, #tpu.memory_space<hbm>> -> memref<8x128xf32, #tpu.memory_space<hbm>>
        tpu.enqueue_dma source(%dma_start3A_1369 : memref<8x128xf32, #tpu.memory_space<hbm>>) target(%dma_start3A_1367 : memref<8x128xf32, #tpu.memory_space<vmem>>) target_semaphore(%arg26 : memref<!tpu.dma_semaphore, #tpu.memory_space<semaphore_mem>>)
        %slice3A_1370 = vector.extract_strided_slice %get3A_1309 {offsets = [1], sizes = [1], strides = [1]} : vector<16xi32> to vector<1xi32>
        %squeeze3A_1371 = vector.extract %slice3A_1370[0] : i32 from vector<1xi32>
        %slice3A_1372 = vector.extract_strided_slice %get3A_1315 {offsets = [1], sizes = [1], strides = [1]} : vector<16xi32> to vector<1xi32>
        %squeeze3A_1373 = vector.extract %slice3A_1372[0] : i32 from vector<1xi32>
        %shift_right_arithmetic3A_1374 = arith.constant 7 : i32
        %shift_right_arithmetic3A_1375 = arith.shrsi %squeeze3A_1371, %shift_right_arithmetic3A_1374 : i32
        %mul3A_1376 = arith.constant 128 : i32
        %mul3A_1377 = arith.muli %shift_right_arithmetic3A_1375, %mul3A_1376 : i32
        %multiple_of3A_1378 = tpu.assume_multiple %mul3A_1377, 128 : i32
        %shift_right_arithmetic3A_1379 = arith.constant 7 : i32
        %shift_right_arithmetic3A_1380 = arith.shrsi %squeeze3A_1373, %shift_right_arithmetic3A_1379 : i32
        %mul3A_1381 = arith.constant 128 : i32
        %mul3A_1382 = arith.muli %shift_right_arithmetic3A_1380, %mul3A_1381 : i32
        %multiple_of3A_1383 = tpu.assume_multiple %mul3A_1382, 128 : i32
        %dma_start3A_1384 = arith.constant 0 : i32
        %dma_start3A_1385 = arith.constant 128 : i32
        %dma_start3A_1386 = tpu.memref_slice %arg14[%dma_start3A_1384, %dma_start3A_1385] : memref<16x1024xf32, #tpu.memory_space<vmem>> -> memref<16x128xf32, #tpu.memory_space<vmem>>
        %dma_start3A_1387 = arith.constant 0 : i32
        %dma_start3A_1388 = tpu.memref_slice %arg4[%dma_start3A_1387, %multiple_of3A_1378] : memref<16x1000000xf32, #tpu.memory_space<hbm>> -> memref<16x128xf32, #tpu.memory_space<hbm>>
        %dma_start3A_1389 = arith.constant 0 : i32
        %dma_start3A_1390 = arith.constant 128 : i32
        %dma_start3A_1391 = tpu.memref_slice %arg14[%dma_start3A_1389, %dma_start3A_1390] : memref<16x1024xf32, #tpu.memory_space<vmem>> -> memref<16x128xf32, #tpu.memory_space<vmem>>
        %dma_start3A_1392 = arith.constant 0 : i32
        %dma_start3A_1393 = tpu.memref_slice %arg4[%dma_start3A_1392, %multiple_of3A_1378] : memref<16x1000000xf32, #tpu.memory_space<hbm>> -> memref<16x128xf32, #tpu.memory_space<hbm>>
        tpu.enqueue_dma source(%dma_start3A_1393 : memref<16x128xf32, #tpu.memory_space<hbm>>) target(%dma_start3A_1391 : memref<16x128xf32, #tpu.memory_space<vmem>>) target_semaphore(%arg26 : memref<!tpu.dma_semaphore, #tpu.memory_space<semaphore_mem>>)
        %dma_start3A_1394 = arith.constant 0 : i32
        %dma_start3A_1395 = arith.constant 128 : i32
        %dma_start3A_1396 = tpu.memref_slice %arg15[%dma_start3A_1394, %dma_start3A_1395] : memref<16x1024xf32, #tpu.memory_space<vmem>> -> memref<16x128xf32, #tpu.memory_space<vmem>>
        %dma_start3A_1397 = arith.constant 0 : i32
        %dma_start3A_1398 = tpu.memref_slice %arg5[%dma_start3A_1397, %multiple_of3A_1383] : memref<16x1000000xf32, #tpu.memory_space<hbm>> -> memref<16x128xf32, #tpu.memory_space<hbm>>
        %dma_start3A_1399 = arith.constant 0 : i32
        %dma_start3A_1400 = arith.constant 128 : i32
        %dma_start3A_1401 = tpu.memref_slice %arg15[%dma_start3A_1399, %dma_start3A_1400] : memref<16x1024xf32, #tpu.memory_space<vmem>> -> memref<16x128xf32, #tpu.memory_space<vmem>>
        %dma_start3A_1402 = arith.constant 0 : i32
        %dma_start3A_1403 = tpu.memref_slice %arg5[%dma_start3A_1402, %multiple_of3A_1383] : memref<16x1000000xf32, #tpu.memory_space<hbm>> -> memref<16x128xf32, #tpu.memory_space<hbm>>
        tpu.enqueue_dma source(%dma_start3A_1403 : memref<16x128xf32, #tpu.memory_space<hbm>>) target(%dma_start3A_1401 : memref<16x128xf32, #tpu.memory_space<vmem>>) target_semaphore(%arg26 : memref<!tpu.dma_semaphore, #tpu.memory_space<semaphore_mem>>)
        %dma_start3A_1404 = arith.constant 0 : i32
        %dma_start3A_1405 = arith.constant 128 : i32
        %dma_start3A_1406 = tpu.memref_slice %arg16[%dma_start3A_1404, %dma_start3A_1405] : memref<8x1024xf32, #tpu.memory_space<vmem>> -> memref<8x128xf32, #tpu.memory_space<vmem>>
        %dma_start3A_1407 = arith.constant 0 : i32
        %dma_start3A_1408 = tpu.memref_slice %arg6[%dma_start3A_1407, %multiple_of3A_1378] : memref<8x1000000xf32, #tpu.memory_space<hbm>> -> memref<8x128xf32, #tpu.memory_space<hbm>>
        %dma_start3A_1409 = arith.constant 0 : i32
        %dma_start3A_1410 = arith.constant 128 : i32
        %dma_start3A_1411 = tpu.memref_slice %arg16[%dma_start3A_1409, %dma_start3A_1410] : memref<8x1024xf32, #tpu.memory_space<vmem>> -> memref<8x128xf32, #tpu.memory_space<vmem>>
        %dma_start3A_1412 = arith.constant 0 : i32
        %dma_start3A_1413 = tpu.memref_slice %arg6[%dma_start3A_1412, %multiple_of3A_1378] : memref<8x1000000xf32, #tpu.memory_space<hbm>> -> memref<8x128xf32, #tpu.memory_space<hbm>>
        tpu.enqueue_dma source(%dma_start3A_1413 : memref<8x128xf32, #tpu.memory_space<hbm>>) target(%dma_start3A_1411 : memref<8x128xf32, #tpu.memory_space<vmem>>) target_semaphore(%arg26 : memref<!tpu.dma_semaphore, #tpu.memory_space<semaphore_mem>>)
        %dma_start3A_1414 = arith.constant 0 : i32
        %dma_start3A_1415 = arith.constant 128 : i32
        %dma_start3A_1416 = tpu.memref_slice %arg17[%dma_start3A_1414, %dma_start3A_1415] : memref<8x1024xf32, #tpu.memory_space<vmem>> -> memref<8x128xf32, #tpu.memory_space<vmem>>
        %dma_start3A_1417 = arith.constant 0 : i32
        %dma_start3A_1418 = tpu.memref_slice %arg7[%dma_start3A_1417, %multiple_of3A_1383] : memref<8x1000000xf32, #tpu.memory_space<hbm>> -> memref<8x128xf32, #tpu.memory_space<hbm>>
        %dma_start3A_1419 = arith.constant 0 : i32
        %dma_start3A_1420 = arith.constant 128 : i32
        %dma_start3A_1421 = tpu.memref_slice %arg17[%dma_start3A_1419, %dma_start3A_1420] : memref<8x1024xf32, #tpu.memory_space<vmem>> -> memref<8x128xf32, #tpu.memory_space<vmem>>
        %dma_start3A_1422 = arith.constant 0 : i32
        %dma_start3A_1423 = tpu.memref_slice %arg7[%dma_start3A_1422, %multiple_of3A_1383] : memref<8x1000000xf32, #tpu.memory_space<hbm>> -> memref<8x128xf32, #tpu.memory_space<hbm>>
        tpu.enqueue_dma source(%dma_start3A_1423 : memref<8x128xf32, #tpu.memory_space<hbm>>) target(%dma_start3A_1421 : memref<8x128xf32, #tpu.memory_space<vmem>>) target_semaphore(%arg26 : memref<!tpu.dma_semaphore, #tpu.memory_space<semaphore_mem>>)
        %slice3A_1424 = vector.extract_strided_slice %get3A_1309 {offsets = [2], sizes = [1], strides = [1]} : vector<16xi32> to vector<1xi32>
        %squeeze3A_1425 = vector.extract %slice3A_1424[0] : i32 from vector<1xi32>
        %slice3A_1426 = vector.extract_strided_slice %get3A_1315 {offsets = [2], sizes = [1], strides = [1]} : vector<16xi32> to vector<1xi32>
        %squeeze3A_1427 = vector.extract %slice3A_1426[0] : i32 from vector<1xi32>
        %shift_right_arithmetic3A_1428 = arith.constant 7 : i32
        %shift_right_arithmetic3A_1429 = arith.shrsi %squeeze3A_1425, %shift_right_arithmetic3A_1428 : i32
        %mul3A_1430 = arith.constant 128 : i32
        %mul3A_1431 = arith.muli %shift_right_arithmetic3A_1429, %mul3A_1430 : i32
        %multiple_of3A_1432 = tpu.assume_multiple %mul3A_1431, 128 : i32
        %shift_right_arithmetic3A_1433 = arith.constant 7 : i32
        %shift_right_arithmetic3A_1434 = arith.shrsi %squeeze3A_1427, %shift_right_arithmetic3A_1433 : i32
        %mul3A_1435 = arith.constant 128 : i32
        %mul3A_1436 = arith.muli %shift_right_arithmetic3A_1434, %mul3A_1435 : i32
        %multiple_of3A_1437 = tpu.assume_multiple %mul3A_1436, 128 : i32
        %dma_start3A_1438 = arith.constant 0 : i32
        %dma_start3A_1439 = arith.constant 256 : i32
        %dma_start3A_1440 = tpu.memref_slice %arg14[%dma_start3A_1438, %dma_start3A_1439] : memref<16x1024xf32, #tpu.memory_space<vmem>> -> memref<16x128xf32, #tpu.memory_space<vmem>>
        %dma_start3A_1441 = arith.constant 0 : i32
        %dma_start3A_1442 = tpu.memref_slice %arg4[%dma_start3A_1441, %multiple_of3A_1432] : memref<16x1000000xf32, #tpu.memory_space<hbm>> -> memref<16x128xf32, #tpu.memory_space<hbm>>
        %dma_start3A_1443 = arith.constant 0 : i32
        %dma_start3A_1444 = arith.constant 256 : i32
        %dma_start3A_1445 = tpu.memref_slice %arg14[%dma_start3A_1443, %dma_start3A_1444] : memref<16x1024xf32, #tpu.memory_space<vmem>> -> memref<16x128xf32, #tpu.memory_space<vmem>>
        %dma_start3A_1446 = arith.constant 0 : i32
        %dma_start3A_1447 = tpu.memref_slice %arg4[%dma_start3A_1446, %multiple_of3A_1432] : memref<16x1000000xf32, #tpu.memory_space<hbm>> -> memref<16x128xf32, #tpu.memory_space<hbm>>
        tpu.enqueue_dma source(%dma_start3A_1447 : memref<16x128xf32, #tpu.memory_space<hbm>>) target(%dma_start3A_1445 : memref<16x128xf32, #tpu.memory_space<vmem>>) target_semaphore(%arg26 : memref<!tpu.dma_semaphore, #tpu.memory_space<semaphore_mem>>)
        %dma_start3A_1448 = arith.constant 0 : i32
        %dma_start3A_1449 = arith.constant 256 : i32
        %dma_start3A_1450 = tpu.memref_slice %arg15[%dma_start3A_1448, %dma_start3A_1449] : memref<16x1024xf32, #tpu.memory_space<vmem>> -> memref<16x128xf32, #tpu.memory_space<vmem>>
        %dma_start3A_1451 = arith.constant 0 : i32
        %dma_start3A_1452 = tpu.memref_slice %arg5[%dma_start3A_1451, %multiple_of3A_1437] : memref<16x1000000xf32, #tpu.memory_space<hbm>> -> memref<16x128xf32, #tpu.memory_space<hbm>>
        %dma_start3A_1453 = arith.constant 0 : i32
        %dma_start3A_1454 = arith.constant 256 : i32
        %dma_start3A_1455 = tpu.memref_slice %arg15[%dma_start3A_1453, %dma_start3A_1454] : memref<16x1024xf32, #tpu.memory_space<vmem>> -> memref<16x128xf32, #tpu.memory_space<vmem>>
        %dma_start3A_1456 = arith.constant 0 : i32
        %dma_start3A_1457 = tpu.memref_slice %arg5[%dma_start3A_1456, %multiple_of3A_1437] : memref<16x1000000xf32, #tpu.memory_space<hbm>> -> memref<16x128xf32, #tpu.memory_space<hbm>>
        tpu.enqueue_dma source(%dma_start3A_1457 : memref<16x128xf32, #tpu.memory_space<hbm>>) target(%dma_start3A_1455 : memref<16x128xf32, #tpu.memory_space<vmem>>) target_semaphore(%arg26 : memref<!tpu.dma_semaphore, #tpu.memory_space<semaphore_mem>>)
        %dma_start3A_1458 = arith.constant 0 : i32
        %dma_start3A_1459 = arith.constant 256 : i32
        %dma_start3A_1460 = tpu.memref_slice %arg16[%dma_start3A_1458, %dma_start3A_1459] : memref<8x1024xf32, #tpu.memory_space<vmem>> -> memref<8x128xf32, #tpu.memory_space<vmem>>
        %dma_start3A_1461 = arith.constant 0 : i32
        %dma_start3A_1462 = tpu.memref_slice %arg6[%dma_start3A_1461, %multiple_of3A_1432] : memref<8x1000000xf32, #tpu.memory_space<hbm>> -> memref<8x128xf32, #tpu.memory_space<hbm>>
        %dma_start3A_1463 = arith.constant 0 : i32
        %dma_start3A_1464 = arith.constant 256 : i32
        %dma_start3A_1465 = tpu.memref_slice %arg16[%dma_start3A_1463, %dma_start3A_1464] : memref<8x1024xf32, #tpu.memory_space<vmem>> -> memref<8x128xf32, #tpu.memory_space<vmem>>
        %dma_start3A_1466 = arith.constant 0 : i32
        %dma_start3A_1467 = tpu.memref_slice %arg6[%dma_start3A_1466, %multiple_of3A_1432] : memref<8x1000000xf32, #tpu.memory_space<hbm>> -> memref<8x128xf32, #tpu.memory_space<hbm>>
        tpu.enqueue_dma source(%dma_start3A_1467 : memref<8x128xf32, #tpu.memory_space<hbm>>) target(%dma_start3A_1465 : memref<8x128xf32, #tpu.memory_space<vmem>>) target_semaphore(%arg26 : memref<!tpu.dma_semaphore, #tpu.memory_space<semaphore_mem>>)
        %dma_start3A_1468 = arith.constant 0 : i32
        %dma_start3A_1469 = arith.constant 256 : i32
        %dma_start3A_1470 = tpu.memref_slice %arg17[%dma_start3A_1468, %dma_start3A_1469] : memref<8x1024xf32, #tpu.memory_space<vmem>> -> memref<8x128xf32, #tpu.memory_space<vmem>>
        %dma_start3A_1471 = arith.constant 0 : i32
        %dma_start3A_1472 = tpu.memref_slice %arg7[%dma_start3A_1471, %multiple_of3A_1437] : memref<8x1000000xf32, #tpu.memory_space<hbm>> -> memref<8x128xf32, #tpu.memory_space<hbm>>
        %dma_start3A_1473 = arith.constant 0 : i32
        %dma_start3A_1474 = arith.constant 256 : i32
        %dma_start3A_1475 = tpu.memref_slice %arg17[%dma_start3A_1473, %dma_start3A_1474] : memref<8x1024xf32, #tpu.memory_space<vmem>> -> memref<8x128xf32, #tpu.memory_space<vmem>>
        %dma_start3A_1476 = arith.constant 0 : i32
        %dma_start3A_1477 = tpu.memref_slice %arg7[%dma_start3A_1476, %multiple_of3A_1437] : memref<8x1000000xf32, #tpu.memory_space<hbm>> -> memref<8x128xf32, #tpu.memory_space<hbm>>
        tpu.enqueue_dma source(%dma_start3A_1477 : memref<8x128xf32, #tpu.memory_space<hbm>>) target(%dma_start3A_1475 : memref<8x128xf32, #tpu.memory_space<vmem>>) target_semaphore(%arg26 : memref<!tpu.dma_semaphore, #tpu.memory_space<semaphore_mem>>)
        %slice3A_1478 = vector.extract_strided_slice %get3A_1309 {offsets = [3], sizes = [1], strides = [1]} : vector<16xi32> to vector<1xi32>
        %squeeze3A_1479 = vector.extract %slice3A_1478[0] : i32 from vector<1xi32>
        %slice3A_1480 = vector.extract_strided_slice %get3A_1315 {offsets = [3], sizes = [1], strides = [1]} : vector<16xi32> to vector<1xi32>
        %squeeze3A_1481 = vector.extract %slice3A_1480[0] : i32 from vector<1xi32>
        %shift_right_arithmetic3A_1482 = arith.constant 7 : i32
        %shift_right_arithmetic3A_1483 = arith.shrsi %squeeze3A_1479, %shift_right_arithmetic3A_1482 : i32
        %mul3A_1484 = arith.constant 128 : i32
        %mul3A_1485 = arith.muli %shift_right_arithmetic3A_1483, %mul3A_1484 : i32
        %multiple_of3A_1486 = tpu.assume_multiple %mul3A_1485, 128 : i32
        %shift_right_arithmetic3A_1487 = arith.constant 7 : i32
        %shift_right_arithmetic3A_1488 = arith.shrsi %squeeze3A_1481, %shift_right_arithmetic3A_1487 : i32
        %mul3A_1489 = arith.constant 128 : i32
        %mul3A_1490 = arith.muli %shift_right_arithmetic3A_1488, %mul3A_1489 : i32
        %multiple_of3A_1491 = tpu.assume_multiple %mul3A_1490, 128 : i32
        %dma_start3A_1492 = arith.constant 0 : i32
        %dma_start3A_1493 = arith.constant 384 : i32
        %dma_start3A_1494 = tpu.memref_slice %arg14[%dma_start3A_1492, %dma_start3A_1493] : memref<16x1024xf32, #tpu.memory_space<vmem>> -> memref<16x128xf32, #tpu.memory_space<vmem>>
        %dma_start3A_1495 = arith.constant 0 : i32
        %dma_start3A_1496 = tpu.memref_slice %arg4[%dma_start3A_1495, %multiple_of3A_1486] : memref<16x1000000xf32, #tpu.memory_space<hbm>> -> memref<16x128xf32, #tpu.memory_space<hbm>>
        %dma_start3A_1497 = arith.constant 0 : i32
        %dma_start3A_1498 = arith.constant 384 : i32
        %dma_start3A_1499 = tpu.memref_slice %arg14[%dma_start3A_1497, %dma_start3A_1498] : memref<16x1024xf32, #tpu.memory_space<vmem>> -> memref<16x128xf32, #tpu.memory_space<vmem>>
        %dma_start3A_1500 = arith.constant 0 : i32
        %dma_start3A_1501 = tpu.memref_slice %arg4[%dma_start3A_1500, %multiple_of3A_1486] : memref<16x1000000xf32, #tpu.memory_space<hbm>> -> memref<16x128xf32, #tpu.memory_space<hbm>>
        tpu.enqueue_dma source(%dma_start3A_1501 : memref<16x128xf32, #tpu.memory_space<hbm>>) target(%dma_start3A_1499 : memref<16x128xf32, #tpu.memory_space<vmem>>) target_semaphore(%arg26 : memref<!tpu.dma_semaphore, #tpu.memory_space<semaphore_mem>>)
        %dma_start3A_1502 = arith.constant 0 : i32
        %dma_start3A_1503 = arith.constant 384 : i32
        %dma_start3A_1504 = tpu.memref_slice %arg15[%dma_start3A_1502, %dma_start3A_1503] : memref<16x1024xf32, #tpu.memory_space<vmem>> -> memref<16x128xf32, #tpu.memory_space<vmem>>
        %dma_start3A_1505 = arith.constant 0 : i32
        %dma_start3A_1506 = tpu.memref_slice %arg5[%dma_start3A_1505, %multiple_of3A_1491] : memref<16x1000000xf32, #tpu.memory_space<hbm>> -> memref<16x128xf32, #tpu.memory_space<hbm>>
        %dma_start3A_1507 = arith.constant 0 : i32
        %dma_start3A_1508 = arith.constant 384 : i32
        %dma_start3A_1509 = tpu.memref_slice %arg15[%dma_start3A_1507, %dma_start3A_1508] : memref<16x1024xf32, #tpu.memory_space<vmem>> -> memref<16x128xf32, #tpu.memory_space<vmem>>
        %dma_start3A_1510 = arith.constant 0 : i32
        %dma_start3A_1511 = tpu.memref_slice %arg5[%dma_start3A_1510, %multiple_of3A_1491] : memref<16x1000000xf32, #tpu.memory_space<hbm>> -> memref<16x128xf32, #tpu.memory_space<hbm>>
        tpu.enqueue_dma source(%dma_start3A_1511 : memref<16x128xf32, #tpu.memory_space<hbm>>) target(%dma_start3A_1509 : memref<16x128xf32, #tpu.memory_space<vmem>>) target_semaphore(%arg26 : memref<!tpu.dma_semaphore, #tpu.memory_space<semaphore_mem>>)
        %dma_start3A_1512 = arith.constant 0 : i32
        %dma_start3A_1513 = arith.constant 384 : i32
        %dma_start3A_1514 = tpu.memref_slice %arg16[%dma_start3A_1512, %dma_start3A_1513] : memref<8x1024xf32, #tpu.memory_space<vmem>> -> memref<8x128xf32, #tpu.memory_space<vmem>>
        %dma_start3A_1515 = arith.constant 0 : i32
        %dma_start3A_1516 = tpu.memref_slice %arg6[%dma_start3A_1515, %multiple_of3A_1486] : memref<8x1000000xf32, #tpu.memory_space<hbm>> -> memref<8x128xf32, #tpu.memory_space<hbm>>
        %dma_start3A_1517 = arith.constant 0 : i32
        %dma_start3A_1518 = arith.constant 384 : i32
        %dma_start3A_1519 = tpu.memref_slice %arg16[%dma_start3A_1517, %dma_start3A_1518] : memref<8x1024xf32, #tpu.memory_space<vmem>> -> memref<8x128xf32, #tpu.memory_space<vmem>>
        %dma_start3A_1520 = arith.constant 0 : i32
        %dma_start3A_1521 = tpu.memref_slice %arg6[%dma_start3A_1520, %multiple_of3A_1486] : memref<8x1000000xf32, #tpu.memory_space<hbm>> -> memref<8x128xf32, #tpu.memory_space<hbm>>
        tpu.enqueue_dma source(%dma_start3A_1521 : memref<8x128xf32, #tpu.memory_space<hbm>>) target(%dma_start3A_1519 : memref<8x128xf32, #tpu.memory_space<vmem>>) target_semaphore(%arg26 : memref<!tpu.dma_semaphore, #tpu.memory_space<semaphore_mem>>)
        %dma_start3A_1522 = arith.constant 0 : i32
        %dma_start3A_1523 = arith.constant 384 : i32
        %dma_start3A_1524 = tpu.memref_slice %arg17[%dma_start3A_1522, %dma_start3A_1523] : memref<8x1024xf32, #tpu.memory_space<vmem>> -> memref<8x128xf32, #tpu.memory_space<vmem>>
        %dma_start3A_1525 = arith.constant 0 : i32
        %dma_start3A_1526 = tpu.memref_slice %arg7[%dma_start3A_1525, %multiple_of3A_1491] : memref<8x1000000xf32, #tpu.memory_space<hbm>> -> memref<8x128xf32, #tpu.memory_space<hbm>>
        %dma_start3A_1527 = arith.constant 0 : i32
        %dma_start3A_1528 = arith.constant 384 : i32
        %dma_start3A_1529 = tpu.memref_slice %arg17[%dma_start3A_1527, %dma_start3A_1528] : memref<8x1024xf32, #tpu.memory_space<vmem>> -> memref<8x128xf32, #tpu.memory_space<vmem>>
        %dma_start3A_1530 = arith.constant 0 : i32
        %dma_start3A_1531 = tpu.memref_slice %arg7[%dma_start3A_1530, %multiple_of3A_1491] : memref<8x1000000xf32, #tpu.memory_space<hbm>> -> memref<8x128xf32, #tpu.memory_space<hbm>>
        tpu.enqueue_dma source(%dma_start3A_1531 : memref<8x128xf32, #tpu.memory_space<hbm>>) target(%dma_start3A_1529 : memref<8x128xf32, #tpu.memory_space<vmem>>) target_semaphore(%arg26 : memref<!tpu.dma_semaphore, #tpu.memory_space<semaphore_mem>>)
        %slice3A_1532 = vector.extract_strided_slice %get3A_1309 {offsets = [4], sizes = [1], strides = [1]} : vector<16xi32> to vector<1xi32>
        %squeeze3A_1533 = vector.extract %slice3A_1532[0] : i32 from vector<1xi32>
        %slice3A_1534 = vector.extract_strided_slice %get3A_1315 {offsets = [4], sizes = [1], strides = [1]} : vector<16xi32> to vector<1xi32>
        %squeeze3A_1535 = vector.extract %slice3A_1534[0] : i32 from vector<1xi32>
        %shift_right_arithmetic3A_1536 = arith.constant 7 : i32
        %shift_right_arithmetic3A_1537 = arith.shrsi %squeeze3A_1533, %shift_right_arithmetic3A_1536 : i32
        %mul3A_1538 = arith.constant 128 : i32
        %mul3A_1539 = arith.muli %shift_right_arithmetic3A_1537, %mul3A_1538 : i32
        %multiple_of3A_1540 = tpu.assume_multiple %mul3A_1539, 128 : i32
        %shift_right_arithmetic3A_1541 = arith.constant 7 : i32
        %shift_right_arithmetic3A_1542 = arith.shrsi %squeeze3A_1535, %shift_right_arithmetic3A_1541 : i32
        %mul3A_1543 = arith.constant 128 : i32
        %mul3A_1544 = arith.muli %shift_right_arithmetic3A_1542, %mul3A_1543 : i32
        %multiple_of3A_1545 = tpu.assume_multiple %mul3A_1544, 128 : i32
        %dma_start3A_1546 = arith.constant 0 : i32
        %dma_start3A_1547 = arith.constant 512 : i32
        %dma_start3A_1548 = tpu.memref_slice %arg14[%dma_start3A_1546, %dma_start3A_1547] : memref<16x1024xf32, #tpu.memory_space<vmem>> -> memref<16x128xf32, #tpu.memory_space<vmem>>
        %dma_start3A_1549 = arith.constant 0 : i32
        %dma_start3A_1550 = tpu.memref_slice %arg4[%dma_start3A_1549, %multiple_of3A_1540] : memref<16x1000000xf32, #tpu.memory_space<hbm>> -> memref<16x128xf32, #tpu.memory_space<hbm>>
        %dma_start3A_1551 = arith.constant 0 : i32
        %dma_start3A_1552 = arith.constant 512 : i32
        %dma_start3A_1553 = tpu.memref_slice %arg14[%dma_start3A_1551, %dma_start3A_1552] : memref<16x1024xf32, #tpu.memory_space<vmem>> -> memref<16x128xf32, #tpu.memory_space<vmem>>
        %dma_start3A_1554 = arith.constant 0 : i32
        %dma_start3A_1555 = tpu.memref_slice %arg4[%dma_start3A_1554, %multiple_of3A_1540] : memref<16x1000000xf32, #tpu.memory_space<hbm>> -> memref<16x128xf32, #tpu.memory_space<hbm>>
        tpu.enqueue_dma source(%dma_start3A_1555 : memref<16x128xf32, #tpu.memory_space<hbm>>) target(%dma_start3A_1553 : memref<16x128xf32, #tpu.memory_space<vmem>>) target_semaphore(%arg26 : memref<!tpu.dma_semaphore, #tpu.memory_space<semaphore_mem>>)
        %dma_start3A_1556 = arith.constant 0 : i32
        %dma_start3A_1557 = arith.constant 512 : i32
        %dma_start3A_1558 = tpu.memref_slice %arg15[%dma_start3A_1556, %dma_start3A_1557] : memref<16x1024xf32, #tpu.memory_space<vmem>> -> memref<16x128xf32, #tpu.memory_space<vmem>>
        %dma_start3A_1559 = arith.constant 0 : i32
        %dma_start3A_1560 = tpu.memref_slice %arg5[%dma_start3A_1559, %multiple_of3A_1545] : memref<16x1000000xf32, #tpu.memory_space<hbm>> -> memref<16x128xf32, #tpu.memory_space<hbm>>
        %dma_start3A_1561 = arith.constant 0 : i32
        %dma_start3A_1562 = arith.constant 512 : i32
        %dma_start3A_1563 = tpu.memref_slice %arg15[%dma_start3A_1561, %dma_start3A_1562] : memref<16x1024xf32, #tpu.memory_space<vmem>> -> memref<16x128xf32, #tpu.memory_space<vmem>>
        %dma_start3A_1564 = arith.constant 0 : i32
        %dma_start3A_1565 = tpu.memref_slice %arg5[%dma_start3A_1564, %multiple_of3A_1545] : memref<16x1000000xf32, #tpu.memory_space<hbm>> -> memref<16x128xf32, #tpu.memory_space<hbm>>
        tpu.enqueue_dma source(%dma_start3A_1565 : memref<16x128xf32, #tpu.memory_space<hbm>>) target(%dma_start3A_1563 : memref<16x128xf32, #tpu.memory_space<vmem>>) target_semaphore(%arg26 : memref<!tpu.dma_semaphore, #tpu.memory_space<semaphore_mem>>)
        %dma_start3A_1566 = arith.constant 0 : i32
        %dma_start3A_1567 = arith.constant 512 : i32
        %dma_start3A_1568 = tpu.memref_slice %arg16[%dma_start3A_1566, %dma_start3A_1567] : memref<8x1024xf32, #tpu.memory_space<vmem>> -> memref<8x128xf32, #tpu.memory_space<vmem>>
        %dma_start3A_1569 = arith.constant 0 : i32
        %dma_start3A_1570 = tpu.memref_slice %arg6[%dma_start3A_1569, %multiple_of3A_1540] : memref<8x1000000xf32, #tpu.memory_space<hbm>> -> memref<8x128xf32, #tpu.memory_space<hbm>>
        %dma_start3A_1571 = arith.constant 0 : i32
        %dma_start3A_1572 = arith.constant 512 : i32
        %dma_start3A_1573 = tpu.memref_slice %arg16[%dma_start3A_1571, %dma_start3A_1572] : memref<8x1024xf32, #tpu.memory_space<vmem>> -> memref<8x128xf32, #tpu.memory_space<vmem>>
        %dma_start3A_1574 = arith.constant 0 : i32
        %dma_start3A_1575 = tpu.memref_slice %arg6[%dma_start3A_1574, %multiple_of3A_1540] : memref<8x1000000xf32, #tpu.memory_space<hbm>> -> memref<8x128xf32, #tpu.memory_space<hbm>>
        tpu.enqueue_dma source(%dma_start3A_1575 : memref<8x128xf32, #tpu.memory_space<hbm>>) target(%dma_start3A_1573 : memref<8x128xf32, #tpu.memory_space<vmem>>) target_semaphore(%arg26 : memref<!tpu.dma_semaphore, #tpu.memory_space<semaphore_mem>>)
        %dma_start3A_1576 = arith.constant 0 : i32
        %dma_start3A_1577 = arith.constant 512 : i32
        %dma_start3A_1578 = tpu.memref_slice %arg17[%dma_start3A_1576, %dma_start3A_1577] : memref<8x1024xf32, #tpu.memory_space<vmem>> -> memref<8x128xf32, #tpu.memory_space<vmem>>
        %dma_start3A_1579 = arith.constant 0 : i32
        %dma_start3A_1580 = tpu.memref_slice %arg7[%dma_start3A_1579, %multiple_of3A_1545] : memref<8x1000000xf32, #tpu.memory_space<hbm>> -> memref<8x128xf32, #tpu.memory_space<hbm>>
        %dma_start3A_1581 = arith.constant 0 : i32
        %dma_start3A_1582 = arith.constant 512 : i32
        %dma_start3A_1583 = tpu.memref_slice %arg17[%dma_start3A_1581, %dma_start3A_1582] : memref<8x1024xf32, #tpu.memory_space<vmem>> -> memref<8x128xf32, #tpu.memory_space<vmem>>
        %dma_start3A_1584 = arith.constant 0 : i32
        %dma_start3A_1585 = tpu.memref_slice %arg7[%dma_start3A_1584, %multiple_of3A_1545] : memref<8x1000000xf32, #tpu.memory_space<hbm>> -> memref<8x128xf32, #tpu.memory_space<hbm>>
        tpu.enqueue_dma source(%dma_start3A_1585 : memref<8x128xf32, #tpu.memory_space<hbm>>) target(%dma_start3A_1583 : memref<8x128xf32, #tpu.memory_space<vmem>>) target_semaphore(%arg26 : memref<!tpu.dma_semaphore, #tpu.memory_space<semaphore_mem>>)
        %slice3A_1586 = vector.extract_strided_slice %get3A_1309 {offsets = [5], sizes = [1], strides = [1]} : vector<16xi32> to vector<1xi32>
        %squeeze3A_1587 = vector.extract %slice3A_1586[0] : i32 from vector<1xi32>
        %slice3A_1588 = vector.extract_strided_slice %get3A_1315 {offsets = [5], sizes = [1], strides = [1]} : vector<16xi32> to vector<1xi32>
        %squeeze3A_1589 = vector.extract %slice3A_1588[0] : i32 from vector<1xi32>
        %shift_right_arithmetic3A_1590 = arith.constant 7 : i32
        %shift_right_arithmetic3A_1591 = arith.shrsi %squeeze3A_1587, %shift_right_arithmetic3A_1590 : i32
        %mul3A_1592 = arith.constant 128 : i32
        %mul3A_1593 = arith.muli %shift_right_arithmetic3A_1591, %mul3A_1592 : i32
        %multiple_of3A_1594 = tpu.assume_multiple %mul3A_1593, 128 : i32
        %shift_right_arithmetic3A_1595 = arith.constant 7 : i32
        %shift_right_arithmetic3A_1596 = arith.shrsi %squeeze3A_1589, %shift_right_arithmetic3A_1595 : i32
        %mul3A_1597 = arith.constant 128 : i32
        %mul3A_1598 = arith.muli %shift_right_arithmetic3A_1596, %mul3A_1597 : i32
        %multiple_of3A_1599 = tpu.assume_multiple %mul3A_1598, 128 : i32
        %dma_start3A_1600 = arith.constant 0 : i32
        %dma_start3A_1601 = arith.constant 640 : i32
        %dma_start3A_1602 = tpu.memref_slice %arg14[%dma_start3A_1600, %dma_start3A_1601] : memref<16x1024xf32, #tpu.memory_space<vmem>> -> memref<16x128xf32, #tpu.memory_space<vmem>>
        %dma_start3A_1603 = arith.constant 0 : i32
        %dma_start3A_1604 = tpu.memref_slice %arg4[%dma_start3A_1603, %multiple_of3A_1594] : memref<16x1000000xf32, #tpu.memory_space<hbm>> -> memref<16x128xf32, #tpu.memory_space<hbm>>
        %dma_start3A_1605 = arith.constant 0 : i32
        %dma_start3A_1606 = arith.constant 640 : i32
        %dma_start3A_1607 = tpu.memref_slice %arg14[%dma_start3A_1605, %dma_start3A_1606] : memref<16x1024xf32, #tpu.memory_space<vmem>> -> memref<16x128xf32, #tpu.memory_space<vmem>>
        %dma_start3A_1608 = arith.constant 0 : i32
        %dma_start3A_1609 = tpu.memref_slice %arg4[%dma_start3A_1608, %multiple_of3A_1594] : memref<16x1000000xf32, #tpu.memory_space<hbm>> -> memref<16x128xf32, #tpu.memory_space<hbm>>
        tpu.enqueue_dma source(%dma_start3A_1609 : memref<16x128xf32, #tpu.memory_space<hbm>>) target(%dma_start3A_1607 : memref<16x128xf32, #tpu.memory_space<vmem>>) target_semaphore(%arg26 : memref<!tpu.dma_semaphore, #tpu.memory_space<semaphore_mem>>)
        %dma_start3A_1610 = arith.constant 0 : i32
        %dma_start3A_1611 = arith.constant 640 : i32
        %dma_start3A_1612 = tpu.memref_slice %arg15[%dma_start3A_1610, %dma_start3A_1611] : memref<16x1024xf32, #tpu.memory_space<vmem>> -> memref<16x128xf32, #tpu.memory_space<vmem>>
        %dma_start3A_1613 = arith.constant 0 : i32
        %dma_start3A_1614 = tpu.memref_slice %arg5[%dma_start3A_1613, %multiple_of3A_1599] : memref<16x1000000xf32, #tpu.memory_space<hbm>> -> memref<16x128xf32, #tpu.memory_space<hbm>>
        %dma_start3A_1615 = arith.constant 0 : i32
        %dma_start3A_1616 = arith.constant 640 : i32
        %dma_start3A_1617 = tpu.memref_slice %arg15[%dma_start3A_1615, %dma_start3A_1616] : memref<16x1024xf32, #tpu.memory_space<vmem>> -> memref<16x128xf32, #tpu.memory_space<vmem>>
        %dma_start3A_1618 = arith.constant 0 : i32
        %dma_start3A_1619 = tpu.memref_slice %arg5[%dma_start3A_1618, %multiple_of3A_1599] : memref<16x1000000xf32, #tpu.memory_space<hbm>> -> memref<16x128xf32, #tpu.memory_space<hbm>>
        tpu.enqueue_dma source(%dma_start3A_1619 : memref<16x128xf32, #tpu.memory_space<hbm>>) target(%dma_start3A_1617 : memref<16x128xf32, #tpu.memory_space<vmem>>) target_semaphore(%arg26 : memref<!tpu.dma_semaphore, #tpu.memory_space<semaphore_mem>>)
        %dma_start3A_1620 = arith.constant 0 : i32
        %dma_start3A_1621 = arith.constant 640 : i32
        %dma_start3A_1622 = tpu.memref_slice %arg16[%dma_start3A_1620, %dma_start3A_1621] : memref<8x1024xf32, #tpu.memory_space<vmem>> -> memref<8x128xf32, #tpu.memory_space<vmem>>
        %dma_start3A_1623 = arith.constant 0 : i32
        %dma_start3A_1624 = tpu.memref_slice %arg6[%dma_start3A_1623, %multiple_of3A_1594] : memref<8x1000000xf32, #tpu.memory_space<hbm>> -> memref<8x128xf32, #tpu.memory_space<hbm>>
        %dma_start3A_1625 = arith.constant 0 : i32
        %dma_start3A_1626 = arith.constant 640 : i32
        %dma_start3A_1627 = tpu.memref_slice %arg16[%dma_start3A_1625, %dma_start3A_1626] : memref<8x1024xf32, #tpu.memory_space<vmem>> -> memref<8x128xf32, #tpu.memory_space<vmem>>
        %dma_start3A_1628 = arith.constant 0 : i32
        %dma_start3A_1629 = tpu.memref_slice %arg6[%dma_start3A_1628, %multiple_of3A_1594] : memref<8x1000000xf32, #tpu.memory_space<hbm>> -> memref<8x128xf32, #tpu.memory_space<hbm>>
        tpu.enqueue_dma source(%dma_start3A_1629 : memref<8x128xf32, #tpu.memory_space<hbm>>) target(%dma_start3A_1627 : memref<8x128xf32, #tpu.memory_space<vmem>>) target_semaphore(%arg26 : memref<!tpu.dma_semaphore, #tpu.memory_space<semaphore_mem>>)
        %dma_start3A_1630 = arith.constant 0 : i32
        %dma_start3A_1631 = arith.constant 640 : i32
        %dma_start3A_1632 = tpu.memref_slice %arg17[%dma_start3A_1630, %dma_start3A_1631] : memref<8x1024xf32, #tpu.memory_space<vmem>> -> memref<8x128xf32, #tpu.memory_space<vmem>>
        %dma_start3A_1633 = arith.constant 0 : i32
        %dma_start3A_1634 = tpu.memref_slice %arg7[%dma_start3A_1633, %multiple_of3A_1599] : memref<8x1000000xf32, #tpu.memory_space<hbm>> -> memref<8x128xf32, #tpu.memory_space<hbm>>
        %dma_start3A_1635 = arith.constant 0 : i32
        %dma_start3A_1636 = arith.constant 640 : i32
        %dma_start3A_1637 = tpu.memref_slice %arg17[%dma_start3A_1635, %dma_start3A_1636] : memref<8x1024xf32, #tpu.memory_space<vmem>> -> memref<8x128xf32, #tpu.memory_space<vmem>>
        %dma_start3A_1638 = arith.constant 0 : i32
        %dma_start3A_1639 = tpu.memref_slice %arg7[%dma_start3A_1638, %multiple_of3A_1599] : memref<8x1000000xf32, #tpu.memory_space<hbm>> -> memref<8x128xf32, #tpu.memory_space<hbm>>
        tpu.enqueue_dma source(%dma_start3A_1639 : memref<8x128xf32, #tpu.memory_space<hbm>>) target(%dma_start3A_1637 : memref<8x128xf32, #tpu.memory_space<vmem>>) target_semaphore(%arg26 : memref<!tpu.dma_semaphore, #tpu.memory_space<semaphore_mem>>)
        %slice3A_1640 = vector.extract_strided_slice %get3A_1309 {offsets = [6], sizes = [1], strides = [1]} : vector<16xi32> to vector<1xi32>
        %squeeze3A_1641 = vector.extract %slice3A_1640[0] : i32 from vector<1xi32>
        %slice3A_1642 = vector.extract_strided_slice %get3A_1315 {offsets = [6], sizes = [1], strides = [1]} : vector<16xi32> to vector<1xi32>
        %squeeze3A_1643 = vector.extract %slice3A_1642[0] : i32 from vector<1xi32>
        %shift_right_arithmetic3A_1644 = arith.constant 7 : i32
        %shift_right_arithmetic3A_1645 = arith.shrsi %squeeze3A_1641, %shift_right_arithmetic3A_1644 : i32
        %mul3A_1646 = arith.constant 128 : i32
        %mul3A_1647 = arith.muli %shift_right_arithmetic3A_1645, %mul3A_1646 : i32
        %multiple_of3A_1648 = tpu.assume_multiple %mul3A_1647, 128 : i32
        %shift_right_arithmetic3A_1649 = arith.constant 7 : i32
        %shift_right_arithmetic3A_1650 = arith.shrsi %squeeze3A_1643, %shift_right_arithmetic3A_1649 : i32
        %mul3A_1651 = arith.constant 128 : i32
        %mul3A_1652 = arith.muli %shift_right_arithmetic3A_1650, %mul3A_1651 : i32
        %multiple_of3A_1653 = tpu.assume_multiple %mul3A_1652, 128 : i32
        %dma_start3A_1654 = arith.constant 0 : i32
        %dma_start3A_1655 = arith.constant 768 : i32
        %dma_start3A_1656 = tpu.memref_slice %arg14[%dma_start3A_1654, %dma_start3A_1655] : memref<16x1024xf32, #tpu.memory_space<vmem>> -> memref<16x128xf32, #tpu.memory_space<vmem>>
        %dma_start3A_1657 = arith.constant 0 : i32
        %dma_start3A_1658 = tpu.memref_slice %arg4[%dma_start3A_1657, %multiple_of3A_1648] : memref<16x1000000xf32, #tpu.memory_space<hbm>> -> memref<16x128xf32, #tpu.memory_space<hbm>>
        %dma_start3A_1659 = arith.constant 0 : i32
        %dma_start3A_1660 = arith.constant 768 : i32
        %dma_start3A_1661 = tpu.memref_slice %arg14[%dma_start3A_1659, %dma_start3A_1660] : memref<16x1024xf32, #tpu.memory_space<vmem>> -> memref<16x128xf32, #tpu.memory_space<vmem>>
        %dma_start3A_1662 = arith.constant 0 : i32
        %dma_start3A_1663 = tpu.memref_slice %arg4[%dma_start3A_1662, %multiple_of3A_1648] : memref<16x1000000xf32, #tpu.memory_space<hbm>> -> memref<16x128xf32, #tpu.memory_space<hbm>>
        tpu.enqueue_dma source(%dma_start3A_1663 : memref<16x128xf32, #tpu.memory_space<hbm>>) target(%dma_start3A_1661 : memref<16x128xf32, #tpu.memory_space<vmem>>) target_semaphore(%arg26 : memref<!tpu.dma_semaphore, #tpu.memory_space<semaphore_mem>>)
        %dma_start3A_1664 = arith.constant 0 : i32
        %dma_start3A_1665 = arith.constant 768 : i32
        %dma_start3A_1666 = tpu.memref_slice %arg15[%dma_start3A_1664, %dma_start3A_1665] : memref<16x1024xf32, #tpu.memory_space<vmem>> -> memref<16x128xf32, #tpu.memory_space<vmem>>
        %dma_start3A_1667 = arith.constant 0 : i32
        %dma_start3A_1668 = tpu.memref_slice %arg5[%dma_start3A_1667, %multiple_of3A_1653] : memref<16x1000000xf32, #tpu.memory_space<hbm>> -> memref<16x128xf32, #tpu.memory_space<hbm>>
        %dma_start3A_1669 = arith.constant 0 : i32
        %dma_start3A_1670 = arith.constant 768 : i32
        %dma_start3A_1671 = tpu.memref_slice %arg15[%dma_start3A_1669, %dma_start3A_1670] : memref<16x1024xf32, #tpu.memory_space<vmem>> -> memref<16x128xf32, #tpu.memory_space<vmem>>
        %dma_start3A_1672 = arith.constant 0 : i32
        %dma_start3A_1673 = tpu.memref_slice %arg5[%dma_start3A_1672, %multiple_of3A_1653] : memref<16x1000000xf32, #tpu.memory_space<hbm>> -> memref<16x128xf32, #tpu.memory_space<hbm>>
        tpu.enqueue_dma source(%dma_start3A_1673 : memref<16x128xf32, #tpu.memory_space<hbm>>) target(%dma_start3A_1671 : memref<16x128xf32, #tpu.memory_space<vmem>>) target_semaphore(%arg26 : memref<!tpu.dma_semaphore, #tpu.memory_space<semaphore_mem>>)
        %dma_start3A_1674 = arith.constant 0 : i32
        %dma_start3A_1675 = arith.constant 768 : i32
        %dma_start3A_1676 = tpu.memref_slice %arg16[%dma_start3A_1674, %dma_start3A_1675] : memref<8x1024xf32, #tpu.memory_space<vmem>> -> memref<8x128xf32, #tpu.memory_space<vmem>>
        %dma_start3A_1677 = arith.constant 0 : i32
        %dma_start3A_1678 = tpu.memref_slice %arg6[%dma_start3A_1677, %multiple_of3A_1648] : memref<8x1000000xf32, #tpu.memory_space<hbm>> -> memref<8x128xf32, #tpu.memory_space<hbm>>
        %dma_start3A_1679 = arith.constant 0 : i32
        %dma_start3A_1680 = arith.constant 768 : i32
        %dma_start3A_1681 = tpu.memref_slice %arg16[%dma_start3A_1679, %dma_start3A_1680] : memref<8x1024xf32, #tpu.memory_space<vmem>> -> memref<8x128xf32, #tpu.memory_space<vmem>>
        %dma_start3A_1682 = arith.constant 0 : i32
        %dma_start3A_1683 = tpu.memref_slice %arg6[%dma_start3A_1682, %multiple_of3A_1648] : memref<8x1000000xf32, #tpu.memory_space<hbm>> -> memref<8x128xf32, #tpu.memory_space<hbm>>
        tpu.enqueue_dma source(%dma_start3A_1683 : memref<8x128xf32, #tpu.memory_space<hbm>>) target(%dma_start3A_1681 : memref<8x128xf32, #tpu.memory_space<vmem>>) target_semaphore(%arg26 : memref<!tpu.dma_semaphore, #tpu.memory_space<semaphore_mem>>)
        %dma_start3A_1684 = arith.constant 0 : i32
        %dma_start3A_1685 = arith.constant 768 : i32
        %dma_start3A_1686 = tpu.memref_slice %arg17[%dma_start3A_1684, %dma_start3A_1685] : memref<8x1024xf32, #tpu.memory_space<vmem>> -> memref<8x128xf32, #tpu.memory_space<vmem>>
        %dma_start3A_1687 = arith.constant 0 : i32
        %dma_start3A_1688 = tpu.memref_slice %arg7[%dma_start3A_1687, %multiple_of3A_1653] : memref<8x1000000xf32, #tpu.memory_space<hbm>> -> memref<8x128xf32, #tpu.memory_space<hbm>>
        %dma_start3A_1689 = arith.constant 0 : i32
        %dma_start3A_1690 = arith.constant 768 : i32
        %dma_start3A_1691 = tpu.memref_slice %arg17[%dma_start3A_1689, %dma_start3A_1690] : memref<8x1024xf32, #tpu.memory_space<vmem>> -> memref<8x128xf32, #tpu.memory_space<vmem>>
        %dma_start3A_1692 = arith.constant 0 : i32
        %dma_start3A_1693 = tpu.memref_slice %arg7[%dma_start3A_1692, %multiple_of3A_1653] : memref<8x1000000xf32, #tpu.memory_space<hbm>> -> memref<8x128xf32, #tpu.memory_space<hbm>>
        tpu.enqueue_dma source(%dma_start3A_1693 : memref<8x128xf32, #tpu.memory_space<hbm>>) target(%dma_start3A_1691 : memref<8x128xf32, #tpu.memory_space<vmem>>) target_semaphore(%arg26 : memref<!tpu.dma_semaphore, #tpu.memory_space<semaphore_mem>>)
        %slice3A_1694 = vector.extract_strided_slice %get3A_1309 {offsets = [7], sizes = [1], strides = [1]} : vector<16xi32> to vector<1xi32>
        %squeeze3A_1695 = vector.extract %slice3A_1694[0] : i32 from vector<1xi32>
        %slice3A_1696 = vector.extract_strided_slice %get3A_1315 {offsets = [7], sizes = [1], strides = [1]} : vector<16xi32> to vector<1xi32>
        %squeeze3A_1697 = vector.extract %slice3A_1696[0] : i32 from vector<1xi32>
        %shift_right_arithmetic3A_1698 = arith.constant 7 : i32
        %shift_right_arithmetic3A_1699 = arith.shrsi %squeeze3A_1695, %shift_right_arithmetic3A_1698 : i32
        %mul3A_1700 = arith.constant 128 : i32
        %mul3A_1701 = arith.muli %shift_right_arithmetic3A_1699, %mul3A_1700 : i32
        %multiple_of3A_1702 = tpu.assume_multiple %mul3A_1701, 128 : i32
        %shift_right_arithmetic3A_1703 = arith.constant 7 : i32
        %shift_right_arithmetic3A_1704 = arith.shrsi %squeeze3A_1697, %shift_right_arithmetic3A_1703 : i32
        %mul3A_1705 = arith.constant 128 : i32
        %mul3A_1706 = arith.muli %shift_right_arithmetic3A_1704, %mul3A_1705 : i32
        %multiple_of3A_1707 = tpu.assume_multiple %mul3A_1706, 128 : i32
        %dma_start3A_1708 = arith.constant 0 : i32
        %dma_start3A_1709 = arith.constant 896 : i32
        %dma_start3A_1710 = tpu.memref_slice %arg14[%dma_start3A_1708, %dma_start3A_1709] : memref<16x1024xf32, #tpu.memory_space<vmem>> -> memref<16x128xf32, #tpu.memory_space<vmem>>
        %dma_start3A_1711 = arith.constant 0 : i32
        %dma_start3A_1712 = tpu.memref_slice %arg4[%dma_start3A_1711, %multiple_of3A_1702] : memref<16x1000000xf32, #tpu.memory_space<hbm>> -> memref<16x128xf32, #tpu.memory_space<hbm>>
        %dma_start3A_1713 = arith.constant 0 : i32
        %dma_start3A_1714 = arith.constant 896 : i32
        %dma_start3A_1715 = tpu.memref_slice %arg14[%dma_start3A_1713, %dma_start3A_1714] : memref<16x1024xf32, #tpu.memory_space<vmem>> -> memref<16x128xf32, #tpu.memory_space<vmem>>
        %dma_start3A_1716 = arith.constant 0 : i32
        %dma_start3A_1717 = tpu.memref_slice %arg4[%dma_start3A_1716, %multiple_of3A_1702] : memref<16x1000000xf32, #tpu.memory_space<hbm>> -> memref<16x128xf32, #tpu.memory_space<hbm>>
        tpu.enqueue_dma source(%dma_start3A_1717 : memref<16x128xf32, #tpu.memory_space<hbm>>) target(%dma_start3A_1715 : memref<16x128xf32, #tpu.memory_space<vmem>>) target_semaphore(%arg26 : memref<!tpu.dma_semaphore, #tpu.memory_space<semaphore_mem>>)
        %dma_start3A_1718 = arith.constant 0 : i32
        %dma_start3A_1719 = arith.constant 896 : i32
        %dma_start3A_1720 = tpu.memref_slice %arg15[%dma_start3A_1718, %dma_start3A_1719] : memref<16x1024xf32, #tpu.memory_space<vmem>> -> memref<16x128xf32, #tpu.memory_space<vmem>>
        %dma_start3A_1721 = arith.constant 0 : i32
        %dma_start3A_1722 = tpu.memref_slice %arg5[%dma_start3A_1721, %multiple_of3A_1707] : memref<16x1000000xf32, #tpu.memory_space<hbm>> -> memref<16x128xf32, #tpu.memory_space<hbm>>
        %dma_start3A_1723 = arith.constant 0 : i32
        %dma_start3A_1724 = arith.constant 896 : i32
        %dma_start3A_1725 = tpu.memref_slice %arg15[%dma_start3A_1723, %dma_start3A_1724] : memref<16x1024xf32, #tpu.memory_space<vmem>> -> memref<16x128xf32, #tpu.memory_space<vmem>>
        %dma_start3A_1726 = arith.constant 0 : i32
        %dma_start3A_1727 = tpu.memref_slice %arg5[%dma_start3A_1726, %multiple_of3A_1707] : memref<16x1000000xf32, #tpu.memory_space<hbm>> -> memref<16x128xf32, #tpu.memory_space<hbm>>
        tpu.enqueue_dma source(%dma_start3A_1727 : memref<16x128xf32, #tpu.memory_space<hbm>>) target(%dma_start3A_1725 : memref<16x128xf32, #tpu.memory_space<vmem>>) target_semaphore(%arg26 : memref<!tpu.dma_semaphore, #tpu.memory_space<semaphore_mem>>)
        %dma_start3A_1728 = arith.constant 0 : i32
        %dma_start3A_1729 = arith.constant 896 : i32
        %dma_start3A_1730 = tpu.memref_slice %arg16[%dma_start3A_1728, %dma_start3A_1729] : memref<8x1024xf32, #tpu.memory_space<vmem>> -> memref<8x128xf32, #tpu.memory_space<vmem>>
        %dma_start3A_1731 = arith.constant 0 : i32
        %dma_start3A_1732 = tpu.memref_slice %arg6[%dma_start3A_1731, %multiple_of3A_1702] : memref<8x1000000xf32, #tpu.memory_space<hbm>> -> memref<8x128xf32, #tpu.memory_space<hbm>>
        %dma_start3A_1733 = arith.constant 0 : i32
        %dma_start3A_1734 = arith.constant 896 : i32
        %dma_start3A_1735 = tpu.memref_slice %arg16[%dma_start3A_1733, %dma_start3A_1734] : memref<8x1024xf32, #tpu.memory_space<vmem>> -> memref<8x128xf32, #tpu.memory_space<vmem>>
        %dma_start3A_1736 = arith.constant 0 : i32
        %dma_start3A_1737 = tpu.memref_slice %arg6[%dma_start3A_1736, %multiple_of3A_1702] : memref<8x1000000xf32, #tpu.memory_space<hbm>> -> memref<8x128xf32, #tpu.memory_space<hbm>>
        tpu.enqueue_dma source(%dma_start3A_1737 : memref<8x128xf32, #tpu.memory_space<hbm>>) target(%dma_start3A_1735 : memref<8x128xf32, #tpu.memory_space<vmem>>) target_semaphore(%arg26 : memref<!tpu.dma_semaphore, #tpu.memory_space<semaphore_mem>>)
        %dma_start3A_1738 = arith.constant 0 : i32
        %dma_start3A_1739 = arith.constant 896 : i32
        %dma_start3A_1740 = tpu.memref_slice %arg17[%dma_start3A_1738, %dma_start3A_1739] : memref<8x1024xf32, #tpu.memory_space<vmem>> -> memref<8x128xf32, #tpu.memory_space<vmem>>
        %dma_start3A_1741 = arith.constant 0 : i32
        %dma_start3A_1742 = tpu.memref_slice %arg7[%dma_start3A_1741, %multiple_of3A_1707] : memref<8x1000000xf32, #tpu.memory_space<hbm>> -> memref<8x128xf32, #tpu.memory_space<hbm>>
        %dma_start3A_1743 = arith.constant 0 : i32
        %dma_start3A_1744 = arith.constant 896 : i32
        %dma_start3A_1745 = tpu.memref_slice %arg17[%dma_start3A_1743, %dma_start3A_1744] : memref<8x1024xf32, #tpu.memory_space<vmem>> -> memref<8x128xf32, #tpu.memory_space<vmem>>
        %dma_start3A_1746 = arith.constant 0 : i32
        %dma_start3A_1747 = tpu.memref_slice %arg7[%dma_start3A_1746, %multiple_of3A_1707] : memref<8x1000000xf32, #tpu.memory_space<hbm>> -> memref<8x128xf32, #tpu.memory_space<hbm>>
        tpu.enqueue_dma source(%dma_start3A_1747 : memref<8x128xf32, #tpu.memory_space<hbm>>) target(%dma_start3A_1745 : memref<8x128xf32, #tpu.memory_space<vmem>>) target_semaphore(%arg26 : memref<!tpu.dma_semaphore, #tpu.memory_space<semaphore_mem>>)
      } else {
      }
      %dma_wait3A_1094 = arith.constant 0 : i32
      %dma_wait3A_1095 = arith.constant 0 : i32
      %dma_wait3A_1096 = tpu.memref_slice %arg8[%dma_wait3A_1094, %dma_wait3A_1095] : memref<16x16384xf32, #tpu.memory_space<hbm>> -> memref<16x1024xf32, #tpu.memory_space<hbm>>
      %dma_wait3A_1097 = arith.constant 0 : i32
      %dma_wait3A_1098 = arith.constant 0 : i32
      %dma_wait3A_1099 = tpu.memref_slice %arg8[%dma_wait3A_1097, %dma_wait3A_1098] : memref<16x16384xf32, #tpu.memory_space<hbm>> -> memref<16x1024xf32, #tpu.memory_space<hbm>>
      tpu.wait_dma2 semaphore(%arg27 : memref<!tpu.dma_semaphore, #tpu.memory_space<semaphore_mem>>) src(%dma_wait3A_1099 : memref<16x1024xf32, #tpu.memory_space<hbm>>) dst(%arg18 : memref<16x1024xf32, #tpu.memory_space<vmem>>)
      %dma_wait3A_1100 = arith.constant 0 : i32
      %dma_wait3A_1101 = arith.constant 0 : i32
      %dma_wait3A_1102 = tpu.memref_slice %arg9[%dma_wait3A_1100, %dma_wait3A_1101] : memref<16x16384xf32, #tpu.memory_space<hbm>> -> memref<16x1024xf32, #tpu.memory_space<hbm>>
      %dma_wait3A_1103 = arith.constant 0 : i32
      %dma_wait3A_1104 = arith.constant 0 : i32
      %dma_wait3A_1105 = tpu.memref_slice %arg9[%dma_wait3A_1103, %dma_wait3A_1104] : memref<16x16384xf32, #tpu.memory_space<hbm>> -> memref<16x1024xf32, #tpu.memory_space<hbm>>
      tpu.wait_dma2 semaphore(%arg27 : memref<!tpu.dma_semaphore, #tpu.memory_space<semaphore_mem>>) src(%dma_wait3A_1105 : memref<16x1024xf32, #tpu.memory_space<hbm>>) dst(%arg19 : memref<16x1024xf32, #tpu.memory_space<vmem>>)
      %dma_wait3A_1106 = arith.constant 0 : i32
      %dma_wait3A_1107 = arith.constant 0 : i32
      %dma_wait3A_1108 = tpu.memref_slice %arg10[%dma_wait3A_1106, %dma_wait3A_1107] : memref<8x16384xf32, #tpu.memory_space<hbm>> -> memref<8x1024xf32, #tpu.memory_space<hbm>>
      %dma_wait3A_1109 = arith.constant 0 : i32
      %dma_wait3A_1110 = arith.constant 0 : i32
      %dma_wait3A_1111 = tpu.memref_slice %arg10[%dma_wait3A_1109, %dma_wait3A_1110] : memref<8x16384xf32, #tpu.memory_space<hbm>> -> memref<8x1024xf32, #tpu.memory_space<hbm>>
      tpu.wait_dma2 semaphore(%arg27 : memref<!tpu.dma_semaphore, #tpu.memory_space<semaphore_mem>>) src(%dma_wait3A_1111 : memref<8x1024xf32, #tpu.memory_space<hbm>>) dst(%arg20 : memref<8x1024xf32, #tpu.memory_space<vmem>>)
      %dma_wait3A_1112 = arith.constant 0 : i32
      %dma_wait3A_1113 = arith.constant 0 : i32
      %dma_wait3A_1114 = tpu.memref_slice %arg11[%dma_wait3A_1112, %dma_wait3A_1113] : memref<8x16384xf32, #tpu.memory_space<hbm>> -> memref<8x1024xf32, #tpu.memory_space<hbm>>
      %dma_wait3A_1115 = arith.constant 0 : i32
      %dma_wait3A_1116 = arith.constant 0 : i32
      %dma_wait3A_1117 = tpu.memref_slice %arg11[%dma_wait3A_1115, %dma_wait3A_1116] : memref<8x16384xf32, #tpu.memory_space<hbm>> -> memref<8x1024xf32, #tpu.memory_space<hbm>>
      tpu.wait_dma2 semaphore(%arg27 : memref<!tpu.dma_semaphore, #tpu.memory_space<semaphore_mem>>) src(%dma_wait3A_1117 : memref<8x1024xf32, #tpu.memory_space<hbm>>) dst(%arg21 : memref<8x1024xf32, #tpu.memory_space<vmem>>)
      %add3A_1118 = arith.constant 1 : i32
      %add3A_1119 = arith.addi %mul3A_445, %add3A_1118 : i32
      %mul3A_1120 = arith.constant 8 : i32
      %mul3A_1121 = arith.muli %add3A_1119, %mul3A_1120 : i32
      %add3A_1122 = arith.constant 0 : i32
      %add3A_1123 = arith.addi %mul3A_1121, %add3A_1122 : i32
      %slice3A_1124 = vector.extract_strided_slice %get3A_449 {offsets = [8], sizes = [1], strides = [1]} : vector<16xi32> to vector<1xi32>
      %squeeze3A_1125 = vector.extract %slice3A_1124[0] : i32 from vector<1xi32>
      %slice3A_1126 = vector.extract_strided_slice %get3A_453 {offsets = [8], sizes = [1], strides = [1]} : vector<16xi32> to vector<1xi32>
      %squeeze3A_1127 = vector.extract %slice3A_1126[0] : i32 from vector<1xi32>
      %and3A_1128 = arith.constant 127 : i32
      %and3A_1129 = arith.andi %squeeze3A_1125, %and3A_1128 : i32
      %add3A_1130 = arith.constant 0 : i32
      %add3A_1131 = arith.addi %add3A_1130, %and3A_1129 : i32
      %broadcast_in_dim3A_1132 = vector.broadcast %add3A_1131 : i32 to vector<16xi32>
      %and3A_1133 = arith.constant 127 : i32
      %and3A_1134 = arith.andi %squeeze3A_1127, %and3A_1133 : i32
      %add3A_1135 = arith.constant 0 : i32
      %add3A_1136 = arith.addi %add3A_1135, %and3A_1134 : i32
      %broadcast_in_dim3A_1137 = vector.broadcast %add3A_1136 : i32 to vector<16xi32>
      %broadcast_in_dim3A_1138 = vector.broadcast %add3A_1123 : i32 to vector<16xi32>
      %gather3A_1139 = tpu.vector_load_idx %arg18[%iota3A, %broadcast_in_dim3A_1132] : memref<16x1024xf32, #tpu.memory_space<vmem>>[vector<16xi32>, vector<16xi32>], vector<16xf32>,
      tpu.vector_store_idx %arg22[%iota3A, %broadcast_in_dim3A_1138], %gather3A_1139 : memref<16x512xf32, #tpu.memory_space<vmem>>[vector<16xi32>, vector<16xi32>], vector<16xf32>,
      %gather3A_1140 = tpu.vector_load_idx %arg19[%iota3A, %broadcast_in_dim3A_1137] : memref<16x1024xf32, #tpu.memory_space<vmem>>[vector<16xi32>, vector<16xi32>], vector<16xf32>,
      tpu.vector_store_idx %arg23[%iota3A, %broadcast_in_dim3A_1138], %gather3A_1140 : memref<16x512xf32, #tpu.memory_space<vmem>>[vector<16xi32>, vector<16xi32>], vector<16xf32>,
      %gather3A_1141 = tpu.vector_load_idx %arg20[%and3A_4, %broadcast_in_dim3A_1132] masked %lt3A_6 : memref<8x1024xf32, #tpu.memory_space<vmem>>[vector<16xi32>, vector<16xi32>], vector<16xf32>, vector<16xi1>
      tpu.vector_store_idx %arg24[%and3A_4, %broadcast_in_dim3A_1138], %gather3A_1141 masked %lt3A_6 : memref<8x512xf32, #tpu.memory_space<vmem>>[vector<16xi32>, vector<16xi32>], vector<16xf32>, vector<16xi1>
      %gather3A_1142 = tpu.vector_load_idx %arg21[%and3A_4, %broadcast_in_dim3A_1137] masked %lt3A_6 : memref<8x1024xf32, #tpu.memory_space<vmem>>[vector<16xi32>, vector<16xi32>], vector<16xf32>, vector<16xi1>
      tpu.vector_store_idx %arg25[%and3A_4, %broadcast_in_dim3A_1138], %gather3A_1142 masked %lt3A_6 : memref<8x512xf32, #tpu.memory_space<vmem>>[vector<16xi32>, vector<16xi32>], vector<16xf32>, vector<16xi1>
      %mul3A_1143 = arith.constant 8 : i32
      %mul3A_1144 = arith.muli %add3A_1119, %mul3A_1143 : i32
      %add3A_1145 = arith.constant 1 : i32
      %add3A_1146 = arith.addi %mul3A_1144, %add3A_1145 : i32
      %slice3A_1147 = vector.extract_strided_slice %get3A_449 {offsets = [9], sizes = [1], strides = [1]} : vector<16xi32> to vector<1xi32>
      %squeeze3A_1148 = vector.extract %slice3A_1147[0] : i32 from vector<1xi32>
      %slice3A_1149 = vector.extract_strided_slice %get3A_453 {offsets = [9], sizes = [1], strides = [1]} : vector<16xi32> to vector<1xi32>
      %squeeze3A_1150 = vector.extract %slice3A_1149[0] : i32 from vector<1xi32>
      %and3A_1151 = arith.constant 127 : i32
      %and3A_1152 = arith.andi %squeeze3A_1148, %and3A_1151 : i32
      %add3A_1153 = arith.constant 128 : i32
      %add3A_1154 = arith.addi %add3A_1153, %and3A_1152 : i32
      %broadcast_in_dim3A_1155 = vector.broadcast %add3A_1154 : i32 to vector<16xi32>
      %and3A_1156 = arith.constant 127 : i32
      %and3A_1157 = arith.andi %squeeze3A_1150, %and3A_1156 : i32
      %add3A_1158 = arith.constant 128 : i32
      %add3A_1159 = arith.addi %add3A_1158, %and3A_1157 : i32
      %broadcast_in_dim3A_1160 = vector.broadcast %add3A_1159 : i32 to vector<16xi32>
      %broadcast_in_dim3A_1161 = vector.broadcast %add3A_1146 : i32 to vector<16xi32>
      %gather3A_1162 = tpu.vector_load_idx %arg18[%iota3A, %broadcast_in_dim3A_1155] : memref<16x1024xf32, #tpu.memory_space<vmem>>[vector<16xi32>, vector<16xi32>], vector<16xf32>,
      tpu.vector_store_idx %arg22[%iota3A, %broadcast_in_dim3A_1161], %gather3A_1162 : memref<16x512xf32, #tpu.memory_space<vmem>>[vector<16xi32>, vector<16xi32>], vector<16xf32>,
      %gather3A_1163 = tpu.vector_load_idx %arg19[%iota3A, %broadcast_in_dim3A_1160] : memref<16x1024xf32, #tpu.memory_space<vmem>>[vector<16xi32>, vector<16xi32>], vector<16xf32>,
      tpu.vector_store_idx %arg23[%iota3A, %broadcast_in_dim3A_1161], %gather3A_1163 : memref<16x512xf32, #tpu.memory_space<vmem>>[vector<16xi32>, vector<16xi32>], vector<16xf32>,
      %gather3A_1164 = tpu.vector_load_idx %arg20[%and3A_4, %broadcast_in_dim3A_1155] masked %lt3A_6 : memref<8x1024xf32, #tpu.memory_space<vmem>>[vector<16xi32>, vector<16xi32>], vector<16xf32>, vector<16xi1>
      tpu.vector_store_idx %arg24[%and3A_4, %broadcast_in_dim3A_1161], %gather3A_1164 masked %lt3A_6 : memref<8x512xf32, #tpu.memory_space<vmem>>[vector<16xi32>, vector<16xi32>], vector<16xf32>, vector<16xi1>
      %gather3A_1165 = tpu.vector_load_idx %arg21[%and3A_4, %broadcast_in_dim3A_1160] masked %lt3A_6 : memref<8x1024xf32, #tpu.memory_space<vmem>>[vector<16xi32>, vector<16xi32>], vector<16xf32>, vector<16xi1>
      tpu.vector_store_idx %arg25[%and3A_4, %broadcast_in_dim3A_1161], %gather3A_1165 masked %lt3A_6 : memref<8x512xf32, #tpu.memory_space<vmem>>[vector<16xi32>, vector<16xi32>], vector<16xf32>, vector<16xi1>
      %mul3A_1166 = arith.constant 8 : i32
      %mul3A_1167 = arith.muli %add3A_1119, %mul3A_1166 : i32
      %add3A_1168 = arith.constant 2 : i32
      %add3A_1169 = arith.addi %mul3A_1167, %add3A_1168 : i32
      %slice3A_1170 = vector.extract_strided_slice %get3A_449 {offsets = [10], sizes = [1], strides = [1]} : vector<16xi32> to vector<1xi32>
      %squeeze3A_1171 = vector.extract %slice3A_1170[0] : i32 from vector<1xi32>
      %slice3A_1172 = vector.extract_strided_slice %get3A_453 {offsets = [10], sizes = [1], strides = [1]} : vector<16xi32> to vector<1xi32>
      %squeeze3A_1173 = vector.extract %slice3A_1172[0] : i32 from vector<1xi32>
      %and3A_1174 = arith.constant 127 : i32
      %and3A_1175 = arith.andi %squeeze3A_1171, %and3A_1174 : i32
      %add3A_1176 = arith.constant 256 : i32
      %add3A_1177 = arith.addi %add3A_1176, %and3A_1175 : i32
      %broadcast_in_dim3A_1178 = vector.broadcast %add3A_1177 : i32 to vector<16xi32>
      %and3A_1179 = arith.constant 127 : i32
      %and3A_1180 = arith.andi %squeeze3A_1173, %and3A_1179 : i32
      %add3A_1181 = arith.constant 256 : i32
      %add3A_1182 = arith.addi %add3A_1181, %and3A_1180 : i32
      %broadcast_in_dim3A_1183 = vector.broadcast %add3A_1182 : i32 to vector<16xi32>
      %broadcast_in_dim3A_1184 = vector.broadcast %add3A_1169 : i32 to vector<16xi32>
      %gather3A_1185 = tpu.vector_load_idx %arg18[%iota3A, %broadcast_in_dim3A_1178] : memref<16x1024xf32, #tpu.memory_space<vmem>>[vector<16xi32>, vector<16xi32>], vector<16xf32>,
      tpu.vector_store_idx %arg22[%iota3A, %broadcast_in_dim3A_1184], %gather3A_1185 : memref<16x512xf32, #tpu.memory_space<vmem>>[vector<16xi32>, vector<16xi32>], vector<16xf32>,
      %gather3A_1186 = tpu.vector_load_idx %arg19[%iota3A, %broadcast_in_dim3A_1183] : memref<16x1024xf32, #tpu.memory_space<vmem>>[vector<16xi32>, vector<16xi32>], vector<16xf32>,
      tpu.vector_store_idx %arg23[%iota3A, %broadcast_in_dim3A_1184], %gather3A_1186 : memref<16x512xf32, #tpu.memory_space<vmem>>[vector<16xi32>, vector<16xi32>], vector<16xf32>,
      %gather3A_1187 = tpu.vector_load_idx %arg20[%and3A_4, %broadcast_in_dim3A_1178] masked %lt3A_6 : memref<8x1024xf32, #tpu.memory_space<vmem>>[vector<16xi32>, vector<16xi32>], vector<16xf32>, vector<16xi1>
      tpu.vector_store_idx %arg24[%and3A_4, %broadcast_in_dim3A_1184], %gather3A_1187 masked %lt3A_6 : memref<8x512xf32, #tpu.memory_space<vmem>>[vector<16xi32>, vector<16xi32>], vector<16xf32>, vector<16xi1>
      %gather3A_1188 = tpu.vector_load_idx %arg21[%and3A_4, %broadcast_in_dim3A_1183] masked %lt3A_6 : memref<8x1024xf32, #tpu.memory_space<vmem>>[vector<16xi32>, vector<16xi32>], vector<16xf32>, vector<16xi1>
      tpu.vector_store_idx %arg25[%and3A_4, %broadcast_in_dim3A_1184], %gather3A_1188 masked %lt3A_6 : memref<8x512xf32, #tpu.memory_space<vmem>>[vector<16xi32>, vector<16xi32>], vector<16xf32>, vector<16xi1>
      %mul3A_1189 = arith.constant 8 : i32
      %mul3A_1190 = arith.muli %add3A_1119, %mul3A_1189 : i32
      %add3A_1191 = arith.constant 3 : i32
      %add3A_1192 = arith.addi %mul3A_1190, %add3A_1191 : i32
      %slice3A_1193 = vector.extract_strided_slice %get3A_449 {offsets = [11], sizes = [1], strides = [1]} : vector<16xi32> to vector<1xi32>
      %squeeze3A_1194 = vector.extract %slice3A_1193[0] : i32 from vector<1xi32>
      %slice3A_1195 = vector.extract_strided_slice %get3A_453 {offsets = [11], sizes = [1], strides = [1]} : vector<16xi32> to vector<1xi32>
      %squeeze3A_1196 = vector.extract %slice3A_1195[0] : i32 from vector<1xi32>
      %and3A_1197 = arith.constant 127 : i32
      %and3A_1198 = arith.andi %squeeze3A_1194, %and3A_1197 : i32
      %add3A_1199 = arith.constant 384 : i32
      %add3A_1200 = arith.addi %add3A_1199, %and3A_1198 : i32
      %broadcast_in_dim3A_1201 = vector.broadcast %add3A_1200 : i32 to vector<16xi32>
      %and3A_1202 = arith.constant 127 : i32
      %and3A_1203 = arith.andi %squeeze3A_1196, %and3A_1202 : i32
      %add3A_1204 = arith.constant 384 : i32
      %add3A_1205 = arith.addi %add3A_1204, %and3A_1203 : i32
      %broadcast_in_dim3A_1206 = vector.broadcast %add3A_1205 : i32 to vector<16xi32>
      %broadcast_in_dim3A_1207 = vector.broadcast %add3A_1192 : i32 to vector<16xi32>
      %gather3A_1208 = tpu.vector_load_idx %arg18[%iota3A, %broadcast_in_dim3A_1201] : memref<16x1024xf32, #tpu.memory_space<vmem>>[vector<16xi32>, vector<16xi32>], vector<16xf32>,
      tpu.vector_store_idx %arg22[%iota3A, %broadcast_in_dim3A_1207], %gather3A_1208 : memref<16x512xf32, #tpu.memory_space<vmem>>[vector<16xi32>, vector<16xi32>], vector<16xf32>,
      %gather3A_1209 = tpu.vector_load_idx %arg19[%iota3A, %broadcast_in_dim3A_1206] : memref<16x1024xf32, #tpu.memory_space<vmem>>[vector<16xi32>, vector<16xi32>], vector<16xf32>,
      tpu.vector_store_idx %arg23[%iota3A, %broadcast_in_dim3A_1207], %gather3A_1209 : memref<16x512xf32, #tpu.memory_space<vmem>>[vector<16xi32>, vector<16xi32>], vector<16xf32>,
      %gather3A_1210 = tpu.vector_load_idx %arg20[%and3A_4, %broadcast_in_dim3A_1201] masked %lt3A_6 : memref<8x1024xf32, #tpu.memory_space<vmem>>[vector<16xi32>, vector<16xi32>], vector<16xf32>, vector<16xi1>
      tpu.vector_store_idx %arg24[%and3A_4, %broadcast_in_dim3A_1207], %gather3A_1210 masked %lt3A_6 : memref<8x512xf32, #tpu.memory_space<vmem>>[vector<16xi32>, vector<16xi32>], vector<16xf32>, vector<16xi1>
      %gather3A_1211 = tpu.vector_load_idx %arg21[%and3A_4, %broadcast_in_dim3A_1206] masked %lt3A_6 : memref<8x1024xf32, #tpu.memory_space<vmem>>[vector<16xi32>, vector<16xi32>], vector<16xf32>, vector<16xi1>
      tpu.vector_store_idx %arg25[%and3A_4, %broadcast_in_dim3A_1207], %gather3A_1211 masked %lt3A_6 : memref<8x512xf32, #tpu.memory_space<vmem>>[vector<16xi32>, vector<16xi32>], vector<16xf32>, vector<16xi1>
      %mul3A_1212 = arith.constant 8 : i32
      %mul3A_1213 = arith.muli %add3A_1119, %mul3A_1212 : i32
      %add3A_1214 = arith.constant 4 : i32
      %add3A_1215 = arith.addi %mul3A_1213, %add3A_1214 : i32
      %slice3A_1216 = vector.extract_strided_slice %get3A_449 {offsets = [12], sizes = [1], strides = [1]} : vector<16xi32> to vector<1xi32>
      %squeeze3A_1217 = vector.extract %slice3A_1216[0] : i32 from vector<1xi32>
      %slice3A_1218 = vector.extract_strided_slice %get3A_453 {offsets = [12], sizes = [1], strides = [1]} : vector<16xi32> to vector<1xi32>
      %squeeze3A_1219 = vector.extract %slice3A_1218[0] : i32 from vector<1xi32>
      %and3A_1220 = arith.constant 127 : i32
      %and3A_1221 = arith.andi %squeeze3A_1217, %and3A_1220 : i32
      %add3A_1222 = arith.constant 512 : i32
      %add3A_1223 = arith.addi %add3A_1222, %and3A_1221 : i32
      %broadcast_in_dim3A_1224 = vector.broadcast %add3A_1223 : i32 to vector<16xi32>
      %and3A_1225 = arith.constant 127 : i32
      %and3A_1226 = arith.andi %squeeze3A_1219, %and3A_1225 : i32
      %add3A_1227 = arith.constant 512 : i32
      %add3A_1228 = arith.addi %add3A_1227, %and3A_1226 : i32
      %broadcast_in_dim3A_1229 = vector.broadcast %add3A_1228 : i32 to vector<16xi32>
      %broadcast_in_dim3A_1230 = vector.broadcast %add3A_1215 : i32 to vector<16xi32>
      %gather3A_1231 = tpu.vector_load_idx %arg18[%iota3A, %broadcast_in_dim3A_1224] : memref<16x1024xf32, #tpu.memory_space<vmem>>[vector<16xi32>, vector<16xi32>], vector<16xf32>,
      tpu.vector_store_idx %arg22[%iota3A, %broadcast_in_dim3A_1230], %gather3A_1231 : memref<16x512xf32, #tpu.memory_space<vmem>>[vector<16xi32>, vector<16xi32>], vector<16xf32>,
      %gather3A_1232 = tpu.vector_load_idx %arg19[%iota3A, %broadcast_in_dim3A_1229] : memref<16x1024xf32, #tpu.memory_space<vmem>>[vector<16xi32>, vector<16xi32>], vector<16xf32>,
      tpu.vector_store_idx %arg23[%iota3A, %broadcast_in_dim3A_1230], %gather3A_1232 : memref<16x512xf32, #tpu.memory_space<vmem>>[vector<16xi32>, vector<16xi32>], vector<16xf32>,
      %gather3A_1233 = tpu.vector_load_idx %arg20[%and3A_4, %broadcast_in_dim3A_1224] masked %lt3A_6 : memref<8x1024xf32, #tpu.memory_space<vmem>>[vector<16xi32>, vector<16xi32>], vector<16xf32>, vector<16xi1>
      tpu.vector_store_idx %arg24[%and3A_4, %broadcast_in_dim3A_1230], %gather3A_1233 masked %lt3A_6 : memref<8x512xf32, #tpu.memory_space<vmem>>[vector<16xi32>, vector<16xi32>], vector<16xf32>, vector<16xi1>
      %gather3A_1234 = tpu.vector_load_idx %arg21[%and3A_4, %broadcast_in_dim3A_1229] masked %lt3A_6 : memref<8x1024xf32, #tpu.memory_space<vmem>>[vector<16xi32>, vector<16xi32>], vector<16xf32>, vector<16xi1>
      tpu.vector_store_idx %arg25[%and3A_4, %broadcast_in_dim3A_1230], %gather3A_1234 masked %lt3A_6 : memref<8x512xf32, #tpu.memory_space<vmem>>[vector<16xi32>, vector<16xi32>], vector<16xf32>, vector<16xi1>
      %mul3A_1235 = arith.constant 8 : i32
      %mul3A_1236 = arith.muli %add3A_1119, %mul3A_1235 : i32
      %add3A_1237 = arith.constant 5 : i32
      %add3A_1238 = arith.addi %mul3A_1236, %add3A_1237 : i32
      %slice3A_1239 = vector.extract_strided_slice %get3A_449 {offsets = [13], sizes = [1], strides = [1]} : vector<16xi32> to vector<1xi32>
      %squeeze3A_1240 = vector.extract %slice3A_1239[0] : i32 from vector<1xi32>
      %slice3A_1241 = vector.extract_strided_slice %get3A_453 {offsets = [13], sizes = [1], strides = [1]} : vector<16xi32> to vector<1xi32>
      %squeeze3A_1242 = vector.extract %slice3A_1241[0] : i32 from vector<1xi32>
      %and3A_1243 = arith.constant 127 : i32
      %and3A_1244 = arith.andi %squeeze3A_1240, %and3A_1243 : i32
      %add3A_1245 = arith.constant 640 : i32
      %add3A_1246 = arith.addi %add3A_1245, %and3A_1244 : i32
      %broadcast_in_dim3A_1247 = vector.broadcast %add3A_1246 : i32 to vector<16xi32>
      %and3A_1248 = arith.constant 127 : i32
      %and3A_1249 = arith.andi %squeeze3A_1242, %and3A_1248 : i32
      %add3A_1250 = arith.constant 640 : i32
      %add3A_1251 = arith.addi %add3A_1250, %and3A_1249 : i32
      %broadcast_in_dim3A_1252 = vector.broadcast %add3A_1251 : i32 to vector<16xi32>
      %broadcast_in_dim3A_1253 = vector.broadcast %add3A_1238 : i32 to vector<16xi32>
      %gather3A_1254 = tpu.vector_load_idx %arg18[%iota3A, %broadcast_in_dim3A_1247] : memref<16x1024xf32, #tpu.memory_space<vmem>>[vector<16xi32>, vector<16xi32>], vector<16xf32>,
      tpu.vector_store_idx %arg22[%iota3A, %broadcast_in_dim3A_1253], %gather3A_1254 : memref<16x512xf32, #tpu.memory_space<vmem>>[vector<16xi32>, vector<16xi32>], vector<16xf32>,
      %gather3A_1255 = tpu.vector_load_idx %arg19[%iota3A, %broadcast_in_dim3A_1252] : memref<16x1024xf32, #tpu.memory_space<vmem>>[vector<16xi32>, vector<16xi32>], vector<16xf32>,
      tpu.vector_store_idx %arg23[%iota3A, %broadcast_in_dim3A_1253], %gather3A_1255 : memref<16x512xf32, #tpu.memory_space<vmem>>[vector<16xi32>, vector<16xi32>], vector<16xf32>,
      %gather3A_1256 = tpu.vector_load_idx %arg20[%and3A_4, %broadcast_in_dim3A_1247] masked %lt3A_6 : memref<8x1024xf32, #tpu.memory_space<vmem>>[vector<16xi32>, vector<16xi32>], vector<16xf32>, vector<16xi1>
      tpu.vector_store_idx %arg24[%and3A_4, %broadcast_in_dim3A_1253], %gather3A_1256 masked %lt3A_6 : memref<8x512xf32, #tpu.memory_space<vmem>>[vector<16xi32>, vector<16xi32>], vector<16xf32>, vector<16xi1>
      %gather3A_1257 = tpu.vector_load_idx %arg21[%and3A_4, %broadcast_in_dim3A_1252] masked %lt3A_6 : memref<8x1024xf32, #tpu.memory_space<vmem>>[vector<16xi32>, vector<16xi32>], vector<16xf32>, vector<16xi1>
      tpu.vector_store_idx %arg25[%and3A_4, %broadcast_in_dim3A_1253], %gather3A_1257 masked %lt3A_6 : memref<8x512xf32, #tpu.memory_space<vmem>>[vector<16xi32>, vector<16xi32>], vector<16xf32>, vector<16xi1>
      %mul3A_1258 = arith.constant 8 : i32
      %mul3A_1259 = arith.muli %add3A_1119, %mul3A_1258 : i32
      %add3A_1260 = arith.constant 6 : i32
      %add3A_1261 = arith.addi %mul3A_1259, %add3A_1260 : i32
      %slice3A_1262 = vector.extract_strided_slice %get3A_449 {offsets = [14], sizes = [1], strides = [1]} : vector<16xi32> to vector<1xi32>
      %squeeze3A_1263 = vector.extract %slice3A_1262[0] : i32 from vector<1xi32>
      %slice3A_1264 = vector.extract_strided_slice %get3A_453 {offsets = [14], sizes = [1], strides = [1]} : vector<16xi32> to vector<1xi32>
      %squeeze3A_1265 = vector.extract %slice3A_1264[0] : i32 from vector<1xi32>
      %and3A_1266 = arith.constant 127 : i32
      %and3A_1267 = arith.andi %squeeze3A_1263, %and3A_1266 : i32
      %add3A_1268 = arith.constant 768 : i32
      %add3A_1269 = arith.addi %add3A_1268, %and3A_1267 : i32
      %broadcast_in_dim3A_1270 = vector.broadcast %add3A_1269 : i32 to vector<16xi32>
      %and3A_1271 = arith.constant 127 : i32
      %and3A_1272 = arith.andi %squeeze3A_1265, %and3A_1271 : i32
      %add3A_1273 = arith.constant 768 : i32
      %add3A_1274 = arith.addi %add3A_1273, %and3A_1272 : i32
      %broadcast_in_dim3A_1275 = vector.broadcast %add3A_1274 : i32 to vector<16xi32>
      %broadcast_in_dim3A_1276 = vector.broadcast %add3A_1261 : i32 to vector<16xi32>
      %gather3A_1277 = tpu.vector_load_idx %arg18[%iota3A, %broadcast_in_dim3A_1270] : memref<16x1024xf32, #tpu.memory_space<vmem>>[vector<16xi32>, vector<16xi32>], vector<16xf32>,
      tpu.vector_store_idx %arg22[%iota3A, %broadcast_in_dim3A_1276], %gather3A_1277 : memref<16x512xf32, #tpu.memory_space<vmem>>[vector<16xi32>, vector<16xi32>], vector<16xf32>,
      %gather3A_1278 = tpu.vector_load_idx %arg19[%iota3A, %broadcast_in_dim3A_1275] : memref<16x1024xf32, #tpu.memory_space<vmem>>[vector<16xi32>, vector<16xi32>], vector<16xf32>,
      tpu.vector_store_idx %arg23[%iota3A, %broadcast_in_dim3A_1276], %gather3A_1278 : memref<16x512xf32, #tpu.memory_space<vmem>>[vector<16xi32>, vector<16xi32>], vector<16xf32>,
      %gather3A_1279 = tpu.vector_load_idx %arg20[%and3A_4, %broadcast_in_dim3A_1270] masked %lt3A_6 : memref<8x1024xf32, #tpu.memory_space<vmem>>[vector<16xi32>, vector<16xi32>], vector<16xf32>, vector<16xi1>
      tpu.vector_store_idx %arg24[%and3A_4, %broadcast_in_dim3A_1276], %gather3A_1279 masked %lt3A_6 : memref<8x512xf32, #tpu.memory_space<vmem>>[vector<16xi32>, vector<16xi32>], vector<16xf32>, vector<16xi1>
      %gather3A_1280 = tpu.vector_load_idx %arg21[%and3A_4, %broadcast_in_dim3A_1275] masked %lt3A_6 : memref<8x1024xf32, #tpu.memory_space<vmem>>[vector<16xi32>, vector<16xi32>], vector<16xf32>, vector<16xi1>
      tpu.vector_store_idx %arg25[%and3A_4, %broadcast_in_dim3A_1276], %gather3A_1280 masked %lt3A_6 : memref<8x512xf32, #tpu.memory_space<vmem>>[vector<16xi32>, vector<16xi32>], vector<16xf32>, vector<16xi1>
      %mul3A_1281 = arith.constant 8 : i32
      %mul3A_1282 = arith.muli %add3A_1119, %mul3A_1281 : i32
      %add3A_1283 = arith.constant 7 : i32
      %add3A_1284 = arith.addi %mul3A_1282, %add3A_1283 : i32
      %slice3A_1285 = vector.extract_strided_slice %get3A_449 {offsets = [15], sizes = [1], strides = [1]} : vector<16xi32> to vector<1xi32>
      %squeeze3A_1286 = vector.extract %slice3A_1285[0] : i32 from vector<1xi32>
      %slice3A_1287 = vector.extract_strided_slice %get3A_453 {offsets = [15], sizes = [1], strides = [1]} : vector<16xi32> to vector<1xi32>
      %squeeze3A_1288 = vector.extract %slice3A_1287[0] : i32 from vector<1xi32>
      %and3A_1289 = arith.constant 127 : i32
      %and3A_1290 = arith.andi %squeeze3A_1286, %and3A_1289 : i32
      %add3A_1291 = arith.constant 896 : i32
      %add3A_1292 = arith.addi %add3A_1291, %and3A_1290 : i32
      %broadcast_in_dim3A_1293 = vector.broadcast %add3A_1292 : i32 to vector<16xi32>
      %and3A_1294 = arith.constant 127 : i32
      %and3A_1295 = arith.andi %squeeze3A_1288, %and3A_1294 : i32
      %add3A_1296 = arith.constant 896 : i32
      %add3A_1297 = arith.addi %add3A_1296, %and3A_1295 : i32
      %broadcast_in_dim3A_1298 = vector.broadcast %add3A_1297 : i32 to vector<16xi32>
      %broadcast_in_dim3A_1299 = vector.broadcast %add3A_1284 : i32 to vector<16xi32>
      %gather3A_1300 = tpu.vector_load_idx %arg18[%iota3A, %broadcast_in_dim3A_1293] : memref<16x1024xf32, #tpu.memory_space<vmem>>[vector<16xi32>, vector<16xi32>], vector<16xf32>,
      tpu.vector_store_idx %arg22[%iota3A, %broadcast_in_dim3A_1299], %gather3A_1300 : memref<16x512xf32, #tpu.memory_space<vmem>>[vector<16xi32>, vector<16xi32>], vector<16xf32>,
      %gather3A_1301 = tpu.vector_load_idx %arg19[%iota3A, %broadcast_in_dim3A_1298] : memref<16x1024xf32, #tpu.memory_space<vmem>>[vector<16xi32>, vector<16xi32>], vector<16xf32>,
      tpu.vector_store_idx %arg23[%iota3A, %broadcast_in_dim3A_1299], %gather3A_1301 : memref<16x512xf32, #tpu.memory_space<vmem>>[vector<16xi32>, vector<16xi32>], vector<16xf32>,
      %gather3A_1302 = tpu.vector_load_idx %arg20[%and3A_4, %broadcast_in_dim3A_1293] masked %lt3A_6 : memref<8x1024xf32, #tpu.memory_space<vmem>>[vector<16xi32>, vector<16xi32>], vector<16xf32>, vector<16xi1>
      tpu.vector_store_idx %arg24[%and3A_4, %broadcast_in_dim3A_1299], %gather3A_1302 masked %lt3A_6 : memref<8x512xf32, #tpu.memory_space<vmem>>[vector<16xi32>, vector<16xi32>], vector<16xf32>, vector<16xi1>
      %gather3A_1303 = tpu.vector_load_idx %arg21[%and3A_4, %broadcast_in_dim3A_1298] masked %lt3A_6 : memref<8x1024xf32, #tpu.memory_space<vmem>>[vector<16xi32>, vector<16xi32>], vector<16xf32>, vector<16xi1>
      tpu.vector_store_idx %arg25[%and3A_4, %broadcast_in_dim3A_1299], %gather3A_1303 masked %lt3A_6 : memref<8x512xf32, #tpu.memory_space<vmem>>[vector<16xi32>, vector<16xi32>], vector<16xf32>, vector<16xi1>
    }
    %scan3A_442 = arith.constant 32 : i32
    "tpu.region"() ({
      %run_scoped3A = tpu.sem_alloc : memref<!tpu.dma_semaphore, #tpu.memory_space<semaphore_mem>>
      %dma_start3A_443 = arith.constant 0 : i32
      %dma_start3A_444 = tpu.memref_slice %arg8[%dma_start3A_443, %multiple_of3A] : memref<16x16384xf32, #tpu.memory_space<hbm>> -> memref<16x512xf32, #tpu.memory_space<hbm>>
      %dma_start3A_445 = arith.constant 0 : i32
      %dma_start3A_446 = tpu.memref_slice %arg8[%dma_start3A_445, %multiple_of3A] : memref<16x16384xf32, #tpu.memory_space<hbm>> -> memref<16x512xf32, #tpu.memory_space<hbm>>
      tpu.enqueue_dma source(%arg22 : memref<16x512xf32, #tpu.memory_space<vmem>>) target(%dma_start3A_446 : memref<16x512xf32, #tpu.memory_space<hbm>>) target_semaphore(%run_scoped3A : memref<!tpu.dma_semaphore, #tpu.memory_space<semaphore_mem>>)
      %dma_wait3A = arith.constant 0 : i32
      %dma_wait3A_447 = tpu.memref_slice %arg8[%dma_wait3A, %multiple_of3A] : memref<16x16384xf32, #tpu.memory_space<hbm>> -> memref<16x512xf32, #tpu.memory_space<hbm>>
      %dma_wait3A_448 = arith.constant 0 : i32
      %dma_wait3A_449 = tpu.memref_slice %arg8[%dma_wait3A_448, %multiple_of3A] : memref<16x16384xf32, #tpu.memory_space<hbm>> -> memref<16x512xf32, #tpu.memory_space<hbm>>
      tpu.wait_dma2 semaphore(%run_scoped3A : memref<!tpu.dma_semaphore, #tpu.memory_space<semaphore_mem>>) src(%arg22 : memref<16x512xf32, #tpu.memory_space<vmem>>) dst(%dma_wait3A_449 : memref<16x512xf32, #tpu.memory_space<hbm>>)
      tpu.yield
    }) : () -> ()
    "tpu.region"() ({
      %run_scoped3A = tpu.sem_alloc : memref<!tpu.dma_semaphore, #tpu.memory_space<semaphore_mem>>
      %dma_start3A_443 = arith.constant 0 : i32
      %dma_start3A_444 = tpu.memref_slice %arg9[%dma_start3A_443, %multiple_of3A] : memref<16x16384xf32, #tpu.memory_space<hbm>> -> memref<16x512xf32, #tpu.memory_space<hbm>>
      %dma_start3A_445 = arith.constant 0 : i32
      %dma_start3A_446 = tpu.memref_slice %arg9[%dma_start3A_445, %multiple_of3A] : memref<16x16384xf32, #tpu.memory_space<hbm>> -> memref<16x512xf32, #tpu.memory_space<hbm>>
      tpu.enqueue_dma source(%arg23 : memref<16x512xf32, #tpu.memory_space<vmem>>) target(%dma_start3A_446 : memref<16x512xf32, #tpu.memory_space<hbm>>) target_semaphore(%run_scoped3A : memref<!tpu.dma_semaphore, #tpu.memory_space<semaphore_mem>>)
      %dma_wait3A = arith.constant 0 : i32
      %dma_wait3A_447 = tpu.memref_slice %arg9[%dma_wait3A, %multiple_of3A] : memref<16x16384xf32, #tpu.memory_space<hbm>> -> memref<16x512xf32, #tpu.memory_space<hbm>>
      %dma_wait3A_448 = arith.constant 0 : i32
      %dma_wait3A_449 = tpu.memref_slice %arg9[%dma_wait3A_448, %multiple_of3A] : memref<16x16384xf32, #tpu.memory_space<hbm>> -> memref<16x512xf32, #tpu.memory_space<hbm>>
      tpu.wait_dma2 semaphore(%run_scoped3A : memref<!tpu.dma_semaphore, #tpu.memory_space<semaphore_mem>>) src(%arg23 : memref<16x512xf32, #tpu.memory_space<vmem>>) dst(%dma_wait3A_449 : memref<16x512xf32, #tpu.memory_space<hbm>>)
      tpu.yield
    }) : () -> ()
    "tpu.region"() ({
      %run_scoped3A = tpu.sem_alloc : memref<!tpu.dma_semaphore, #tpu.memory_space<semaphore_mem>>
      %dma_start3A_443 = arith.constant 0 : i32
      %dma_start3A_444 = tpu.memref_slice %arg10[%dma_start3A_443, %multiple_of3A] : memref<8x16384xf32, #tpu.memory_space<hbm>> -> memref<8x512xf32, #tpu.memory_space<hbm>>
      %dma_start3A_445 = arith.constant 0 : i32
      %dma_start3A_446 = tpu.memref_slice %arg10[%dma_start3A_445, %multiple_of3A] : memref<8x16384xf32, #tpu.memory_space<hbm>> -> memref<8x512xf32, #tpu.memory_space<hbm>>
      tpu.enqueue_dma source(%arg24 : memref<8x512xf32, #tpu.memory_space<vmem>>) target(%dma_start3A_446 : memref<8x512xf32, #tpu.memory_space<hbm>>) target_semaphore(%run_scoped3A : memref<!tpu.dma_semaphore, #tpu.memory_space<semaphore_mem>>)
      %dma_wait3A = arith.constant 0 : i32
      %dma_wait3A_447 = tpu.memref_slice %arg10[%dma_wait3A, %multiple_of3A] : memref<8x16384xf32, #tpu.memory_space<hbm>> -> memref<8x512xf32, #tpu.memory_space<hbm>>
      %dma_wait3A_448 = arith.constant 0 : i32
      %dma_wait3A_449 = tpu.memref_slice %arg10[%dma_wait3A_448, %multiple_of3A] : memref<8x16384xf32, #tpu.memory_space<hbm>> -> memref<8x512xf32, #tpu.memory_space<hbm>>
      tpu.wait_dma2 semaphore(%run_scoped3A : memref<!tpu.dma_semaphore, #tpu.memory_space<semaphore_mem>>) src(%arg24 : memref<8x512xf32, #tpu.memory_space<vmem>>) dst(%dma_wait3A_449 : memref<8x512xf32, #tpu.memory_space<hbm>>)
      tpu.yield
    }) : () -> ()
    "tpu.region"() ({
      %run_scoped3A = tpu.sem_alloc : memref<!tpu.dma_semaphore, #tpu.memory_space<semaphore_mem>>
      %dma_start3A_443 = arith.constant 0 : i32
      %dma_start3A_444 = tpu.memref_slice %arg11[%dma_start3A_443, %multiple_of3A] : memref<8x16384xf32, #tpu.memory_space<hbm>> -> memref<8x512xf32, #tpu.memory_space<hbm>>
      %dma_start3A_445 = arith.constant 0 : i32
      %dma_start3A_446 = tpu.memref_slice %arg11[%dma_start3A_445, %multiple_of3A] : memref<8x16384xf32, #tpu.memory_space<hbm>> -> memref<8x512xf32, #tpu.memory_space<hbm>>
      tpu.enqueue_dma source(%arg25 : memref<8x512xf32, #tpu.memory_space<vmem>>) target(%dma_start3A_446 : memref<8x512xf32, #tpu.memory_space<hbm>>) target_semaphore(%run_scoped3A : memref<!tpu.dma_semaphore, #tpu.memory_space<semaphore_mem>>)
      %dma_wait3A = arith.constant 0 : i32
      %dma_wait3A_447 = tpu.memref_slice %arg11[%dma_wait3A, %multiple_of3A] : memref<8x16384xf32, #tpu.memory_space<hbm>> -> memref<8x512xf32, #tpu.memory_space<hbm>>
      %dma_wait3A_448 = arith.constant 0 : i32
      %dma_wait3A_449 = tpu.memref_slice %arg11[%dma_wait3A_448, %multiple_of3A] : memref<8x16384xf32, #tpu.memory_space<hbm>> -> memref<8x512xf32, #tpu.memory_space<hbm>>
      tpu.wait_dma2 semaphore(%run_scoped3A : memref<!tpu.dma_semaphore, #tpu.memory_space<semaphore_mem>>) src(%arg25 : memref<8x512xf32, #tpu.memory_space<vmem>>) dst(%dma_wait3A_449 : memref<8x512xf32, #tpu.memory_space<hbm>>)
      tpu.yield
    }) : () -> ()
    return
  }
}

module attributes {stable_mosaic.version = 14 : i64} {
  func.func @_tc_mlp_body(%arg0: i32, %arg1: memref<16x8192xf32, #tpu.memory_space<vmem>>, %arg2: memref<16x8192xf32, #tpu.memory_space<vmem>>, %arg3: memref<8x8192xf32, #tpu.memory_space<vmem>>, %arg4: memref<8x8192xf32, #tpu.memory_space<vmem>>, %arg5: memref<32x8xf32, #tpu.memory_space<vmem>>, %arg6: memref<32x8xf32, #tpu.memory_space<vmem>>, %arg7: memref<32x1xf32, #tpu.memory_space<vmem>>, %arg8: memref<64x32xf32, #tpu.memory_space<vmem>>, %arg9: memref<64x1xf32, #tpu.memory_space<vmem>>, %arg10: memref<16x64xf32, #tpu.memory_space<vmem>>, %arg11: memref<16x1xf32, #tpu.memory_space<vmem>>, %arg12: memref<1x16xf32, #tpu.memory_space<vmem>>, %arg13: memref<1x16xf32, #tpu.memory_space<vmem>>, %arg14: memref<1x1xf32, #tpu.memory_space<vmem>>, %arg15: memref<1x8192xf32, #tpu.memory_space<vmem>>) attributes {dimension_semantics = [#tpu.dimension_semantics<arbitrary>], iteration_bounds = array<i64: 2>, scalar_prefetch = 0 : i64, scratch_operands = 0 : i64, tpu.core_type = #tpu.core_type<tc>, window_params = [{transform_indices = @transform_0, window_bounds = array<i64: 16, 8192>}, {transform_indices = @transform_1, window_bounds = array<i64: 16, 8192>}, {transform_indices = @transform_2, window_bounds = array<i64: 8, 8192>}, {transform_indices = @transform_3, window_bounds = array<i64: 8, 8192>}, {pipeline_mode = #tpu.pipeline_mode<synchronous>, transform_indices = @transform_4, window_bounds = array<i64: 32, 8>}, {pipeline_mode = #tpu.pipeline_mode<synchronous>, transform_indices = @transform_5, window_bounds = array<i64: 32, 8>}, {pipeline_mode = #tpu.pipeline_mode<synchronous>, transform_indices = @transform_6, window_bounds = array<i64: 32, 1>}, {pipeline_mode = #tpu.pipeline_mode<synchronous>, transform_indices = @transform_7, window_bounds = array<i64: 64, 32>}, {pipeline_mode = #tpu.pipeline_mode<synchronous>, transform_indices = @transform_8, window_bounds = array<i64: 64, 1>}, {pipeline_mode = #tpu.pipeline_mode<synchronous>, transform_indices = @transform_9, window_bounds = array<i64: 16, 64>}, {pipeline_mode = #tpu.pipeline_mode<synchronous>, transform_indices = @transform_10, window_bounds = array<i64: 16, 1>}, {pipeline_mode = #tpu.pipeline_mode<synchronous>, transform_indices = @transform_11, window_bounds = array<i64: 1, 16>}, {pipeline_mode = #tpu.pipeline_mode<synchronous>, transform_indices = @transform_12, window_bounds = array<i64: 1, 16>}, {pipeline_mode = #tpu.pipeline_mode<synchronous>, transform_indices = @transform_13, window_bounds = array<i64: 1, 1>}, {transform_indices = @transform_14, window_bounds = array<i64: 1, 8192>}]} {
    %get3A = arith.constant 0 : index
    %get3A_0 = arith.constant 0 : index
    %get3A_1 = vector.load %arg5[%get3A, %get3A_0] : memref<32x8xf32, #tpu.memory_space<vmem>>, vector<32x8xf32>
    %get3A_2 = arith.constant 0 : index
    %get3A_3 = arith.constant 0 : index
    %get3A_4 = vector.load %arg3[%get3A_2, %get3A_3] : memref<8x8192xf32, #tpu.memory_space<vmem>>, vector<8x8192xf32>
    %dot_general3A = arith.constant dense<0.000000e+00> : vector<32x8192xf32>
    %dot_general3A_5 = tpu.matmul %get3A_1, %get3A_4, %dot_general3A {dimension_numbers = #tpu.dot_dimension_numbers<[1], [0], [0], [1], [0, 0, 1, 1], [], []>, transpose_lhs_hint = false} : vector<32x8xf32>, vector<8x8192xf32>, vector<32x8192xf32> -> vector<32x8192xf32>
    %get3A_6 = arith.constant 0 : index
    %get3A_7 = arith.constant 0 : index
    %get3A_8 = vector.load %arg6[%get3A_6, %get3A_7] : memref<32x8xf32, #tpu.memory_space<vmem>>, vector<32x8xf32>
    %get3A_9 = arith.constant 0 : index
    %get3A_10 = arith.constant 0 : index
    %get3A_11 = vector.load %arg4[%get3A_9, %get3A_10] : memref<8x8192xf32, #tpu.memory_space<vmem>>, vector<8x8192xf32>
    %dot_general3A_12 = arith.constant dense<0.000000e+00> : vector<32x8192xf32>
    %dot_general3A_13 = tpu.matmul %get3A_8, %get3A_11, %dot_general3A_12 {dimension_numbers = #tpu.dot_dimension_numbers<[1], [0], [0], [1], [0, 0, 1, 1], [], []>, transpose_lhs_hint = false} : vector<32x8xf32>, vector<8x8192xf32>, vector<32x8192xf32> -> vector<32x8192xf32>
    %add3A = arith.addf %dot_general3A_5, %dot_general3A_13 : vector<32x8192xf32>
    %get3A_14 = arith.constant 0 : index
    %get3A_15 = arith.constant 0 : index
    %get3A_16 = vector.load %arg7[%get3A_14, %get3A_15] : memref<32x1xf32, #tpu.memory_space<vmem>>, vector<32x1xf32>
    %add3A_17 = vector.broadcast %get3A_16 : vector<32x1xf32> to vector<32x8192xf32>
    %add3A_18 = arith.addf %add3A, %add3A_17 : vector<32x8192xf32>
    %max3A = arith.constant 0.000000e+00 : f32
    %max3A_19 = vector.broadcast %max3A : f32 to vector<32x8192xf32>
    %max3A_20 = arith.maximumf %add3A_18, %max3A_19 : vector<32x8192xf32>
    %get3A_21 = arith.constant 0 : index
    %get3A_22 = arith.constant 0 : index
    %get3A_23 = vector.load %arg8[%get3A_21, %get3A_22] : memref<64x32xf32, #tpu.memory_space<vmem>>, vector<64x32xf32>
    %dot_general3A_24 = arith.constant dense<0.000000e+00> : vector<64x8192xf32>
    %dot_general3A_25 = tpu.matmul %get3A_23, %max3A_20, %dot_general3A_24 {dimension_numbers = #tpu.dot_dimension_numbers<[1], [0], [0], [1], [0, 0, 1, 1], [], []>, transpose_lhs_hint = false} : vector<64x32xf32>, vector<32x8192xf32>, vector<64x8192xf32> -> vector<64x8192xf32>
    %get3A_26 = arith.constant 0 : index
    %get3A_27 = arith.constant 0 : index
    %get3A_28 = vector.load %arg9[%get3A_26, %get3A_27] : memref<64x1xf32, #tpu.memory_space<vmem>>, vector<64x1xf32>
    %add3A_29 = vector.broadcast %get3A_28 : vector<64x1xf32> to vector<64x8192xf32>
    %add3A_30 = arith.addf %dot_general3A_25, %add3A_29 : vector<64x8192xf32>
    %max3A_31 = arith.constant 0.000000e+00 : f32
    %max3A_32 = vector.broadcast %max3A_31 : f32 to vector<64x8192xf32>
    %max3A_33 = arith.maximumf %add3A_30, %max3A_32 : vector<64x8192xf32>
    %get3A_34 = arith.constant 0 : index
    %get3A_35 = arith.constant 0 : index
    %get3A_36 = vector.load %arg10[%get3A_34, %get3A_35] : memref<16x64xf32, #tpu.memory_space<vmem>>, vector<16x64xf32>
    %dot_general3A_37 = arith.constant dense<0.000000e+00> : vector<16x8192xf32>
    %dot_general3A_38 = tpu.matmul %get3A_36, %max3A_33, %dot_general3A_37 {dimension_numbers = #tpu.dot_dimension_numbers<[1], [0], [0], [1], [0, 0, 1, 1], [], []>, transpose_lhs_hint = false} : vector<16x64xf32>, vector<64x8192xf32>, vector<16x8192xf32> -> vector<16x8192xf32>
    %get3A_39 = arith.constant 0 : index
    %get3A_40 = arith.constant 0 : index
    %get3A_41 = vector.load %arg11[%get3A_39, %get3A_40] : memref<16x1xf32, #tpu.memory_space<vmem>>, vector<16x1xf32>
    %add3A_42 = vector.broadcast %get3A_41 : vector<16x1xf32> to vector<16x8192xf32>
    %add3A_43 = arith.addf %dot_general3A_38, %add3A_42 : vector<16x8192xf32>
    %get3A_44 = arith.constant 0 : index
    %get3A_45 = arith.constant 0 : index
    %get3A_46 = vector.load %arg1[%get3A_44, %get3A_45] : memref<16x8192xf32, #tpu.memory_space<vmem>>, vector<16x8192xf32>
    %get3A_47 = arith.constant 0 : index
    %get3A_48 = arith.constant 0 : index
    %get3A_49 = vector.load %arg2[%get3A_47, %get3A_48] : memref<16x8192xf32, #tpu.memory_space<vmem>>, vector<16x8192xf32>
    %mul3A = arith.mulf %get3A_46, %get3A_49 : vector<16x8192xf32>
    %get3A_50 = arith.constant 0 : index
    %get3A_51 = arith.constant 0 : index
    %get3A_52 = vector.load %arg12[%get3A_50, %get3A_51] : memref<1x16xf32, #tpu.memory_space<vmem>>, vector<1x16xf32>
    %dot_general3A_53 = arith.constant dense<0.000000e+00> : vector<1x8192xf32>
    %dot_general3A_54 = tpu.matmul %get3A_52, %mul3A, %dot_general3A_53 {dimension_numbers = #tpu.dot_dimension_numbers<[1], [0], [0], [1], [0, 0, 1, 1], [], []>, transpose_lhs_hint = false} : vector<1x16xf32>, vector<16x8192xf32>, vector<1x8192xf32> -> vector<1x8192xf32>
    %get3A_55 = arith.constant 0 : index
    %get3A_56 = arith.constant 0 : index
    %get3A_57 = vector.load %arg13[%get3A_55, %get3A_56] : memref<1x16xf32, #tpu.memory_space<vmem>>, vector<1x16xf32>
    %dot_general3A_58 = arith.constant dense<0.000000e+00> : vector<1x8192xf32>
    %dot_general3A_59 = tpu.matmul %get3A_57, %add3A_43, %dot_general3A_58 {dimension_numbers = #tpu.dot_dimension_numbers<[1], [0], [0], [1], [0, 0, 1, 1], [], []>, transpose_lhs_hint = false} : vector<1x16xf32>, vector<16x8192xf32>, vector<1x8192xf32> -> vector<1x8192xf32>
    %add3A_60 = arith.addf %dot_general3A_54, %dot_general3A_59 : vector<1x8192xf32>
    %get3A_61 = arith.constant 0 : index
    %get3A_62 = arith.constant 0 : index
    %get3A_63 = vector.load %arg14[%get3A_61, %get3A_62] : memref<1x1xf32, #tpu.memory_space<vmem>>, vector<1x1xf32>
    %add3A_64 = vector.broadcast %get3A_63 : vector<1x1xf32> to vector<1x8192xf32>
    %add3A_65 = arith.addf %add3A_60, %add3A_64 : vector<1x8192xf32>
    %logistic3A = arith.negf %add3A_65 : vector<1x8192xf32>
    %logistic3A_66 = math.exp %logistic3A : vector<1x8192xf32>
    %logistic3A_67 = arith.constant 1.000000e+00 : f32
    %logistic3A_68 = vector.broadcast %logistic3A_67 : f32 to vector<1x8192xf32>
    %logistic3A_69 = arith.addf %logistic3A_68, %logistic3A_66 : vector<1x8192xf32>
    %logistic3A_70 = arith.divf %logistic3A_68, %logistic3A_69 : vector<1x8192xf32>
    %swap3A = arith.constant 0 : index
    %swap3A_71 = arith.constant 0 : index
    %swap3A_72 = vector.load %arg15[%swap3A, %swap3A_71] : memref<1x8192xf32, #tpu.memory_space<vmem>>, vector<1x8192xf32>
    tpu.vector_store %arg15[%swap3A, %swap3A_71], %logistic3A_70 {strides = array<i32>} : memref<1x8192xf32, #tpu.memory_space<vmem>>, vector<1x8192xf32>,
    return
  }
  func.func @transform_0(%arg0: i32) -> (i32, i32) {
    %c0_i32 = arith.constant 0 : i32
    %c0_i32_0 = arith.constant 0 : i32
    return %c0_i32, %arg0 : i32, i32
  }
  func.func @transform_1(%arg0: i32) -> (i32, i32) {
    %c0_i32 = arith.constant 0 : i32
    %c0_i32_0 = arith.constant 0 : i32
    return %c0_i32, %arg0 : i32, i32
  }
  func.func @transform_2(%arg0: i32) -> (i32, i32) {
    %c0_i32 = arith.constant 0 : i32
    %c0_i32_0 = arith.constant 0 : i32
    return %c0_i32, %arg0 : i32, i32
  }
  func.func @transform_3(%arg0: i32) -> (i32, i32) {
    %c0_i32 = arith.constant 0 : i32
    %c0_i32_0 = arith.constant 0 : i32
    return %c0_i32, %arg0 : i32, i32
  }
  func.func @transform_4(%arg0: i32) -> (i32, i32) {
    %c0_i32 = arith.constant 0 : i32
    %c0_i32_0 = arith.constant 0 : i32
    %c0_i32_1 = arith.constant 0 : i32
    return %c0_i32, %c0_i32_0 : i32, i32
  }
  func.func @transform_5(%arg0: i32) -> (i32, i32) {
    %c0_i32 = arith.constant 0 : i32
    %c0_i32_0 = arith.constant 0 : i32
    %c0_i32_1 = arith.constant 0 : i32
    return %c0_i32, %c0_i32_0 : i32, i32
  }
  func.func @transform_6(%arg0: i32) -> (i32, i32) {
    %c0_i32 = arith.constant 0 : i32
    %c0_i32_0 = arith.constant 0 : i32
    %c0_i32_1 = arith.constant 0 : i32
    return %c0_i32, %c0_i32_0 : i32, i32
  }
  func.func @transform_7(%arg0: i32) -> (i32, i32) {
    %c0_i32 = arith.constant 0 : i32
    %c0_i32_0 = arith.constant 0 : i32
    %c0_i32_1 = arith.constant 0 : i32
    return %c0_i32, %c0_i32_0 : i32, i32
  }
  func.func @transform_8(%arg0: i32) -> (i32, i32) {
    %c0_i32 = arith.constant 0 : i32
    %c0_i32_0 = arith.constant 0 : i32
    %c0_i32_1 = arith.constant 0 : i32
    return %c0_i32, %c0_i32_0 : i32, i32
  }
  func.func @transform_9(%arg0: i32) -> (i32, i32) {
    %c0_i32 = arith.constant 0 : i32
    %c0_i32_0 = arith.constant 0 : i32
    %c0_i32_1 = arith.constant 0 : i32
    return %c0_i32, %c0_i32_0 : i32, i32
  }
  func.func @transform_10(%arg0: i32) -> (i32, i32) {
    %c0_i32 = arith.constant 0 : i32
    %c0_i32_0 = arith.constant 0 : i32
    %c0_i32_1 = arith.constant 0 : i32
    return %c0_i32, %c0_i32_0 : i32, i32
  }
  func.func @transform_11(%arg0: i32) -> (i32, i32) {
    %c0_i32 = arith.constant 0 : i32
    %c0_i32_0 = arith.constant 0 : i32
    %c0_i32_1 = arith.constant 0 : i32
    return %c0_i32, %c0_i32_0 : i32, i32
  }
  func.func @transform_12(%arg0: i32) -> (i32, i32) {
    %c0_i32 = arith.constant 0 : i32
    %c0_i32_0 = arith.constant 0 : i32
    %c0_i32_1 = arith.constant 0 : i32
    return %c0_i32, %c0_i32_0 : i32, i32
  }
  func.func @transform_13(%arg0: i32) -> (i32, i32) {
    %c0_i32 = arith.constant 0 : i32
    %c0_i32_0 = arith.constant 0 : i32
    %c0_i32_1 = arith.constant 0 : i32
    return %c0_i32, %c0_i32_0 : i32, i32
  }
  func.func @transform_14(%arg0: i32) -> (i32, i32) {
    %c0_i32 = arith.constant 0 : i32
    %c0_i32_0 = arith.constant 0 : i32
    return %c0_i32, %arg0 : i32, i32
  }
}

</mosaic_0001>

<sc_bundles>
// kernel: kernel.4.cloned.1.call-start
scs
__scs_entry_jumppad:
0x0: {  	(pc) =	sbr.rel $0x88, $3  }
0x1: {  	(tag) =	ssettag $0x0;
	lr =	simm.s32 $0x1  }
0x2: {  	[smem:$0x3F93] =	sst lr;
	_ =	strace $0xD0000000  }
0x3: {  	_ = 	snop  }
0x4: {  	_ = 	snop  }
0x5: {  	_ = 	snop  }
0x6: {  	_ = 	snop  }
0x7: {  	_ = 	snop  }
__scs_overlays_trampoline_lowered:
0x8: {  	[smem:$0x3FA2] =	sst s0  }
0x9: {  	[smem:$0x3FA3] =	sst s1  }
0xa: {  	[smem:$0x3FA4] =	sst s2  }
0xb: {  	[smem:$0x3FA5] =	sst s3  }
0xc: {  	[smem:$0x3FA6] =	sst s4  }
0xd: {  	[smem:$0x3FA7] =	sst s5  }
0xe: {  	[smem:$0x3FA8] =	sst s6  }
0xf: {  	[smem:$0x3FA9] =	sst s7  }
0x10: {  	[smem:$0x3FAA] =	sst s8  }
0x11: {  	[smem:$0x3FAB] =	sst s9;
	s0 =	simm.s32 @!p0 $0x0  }
0x12: {  	s1 =	sld [smem:$0x3F91];
	s0 =	simm.s32 @p0 $0x1  }
0x13: {  	[smem:$0x3FAC] =	sst s0;
	s0 =	simm.s32 @!p1 $0x0  }
0x14: {  	s2 =	sld [smem:$0x3F90];
	s0 =	simm.s32 @p1 $0x1  }
0x15: {  	[smem:$0x3FAD] =	sst s0;
	s0 =	simm.s32 @!p2 $0x0  }
0x16: {  	s3 =	sld [smem:$0x3FDB];
	s0 =	simm.s32 @p2 $0x1  }
0x17: {  	s4 =	simm.s32 $0x1BF5;
	[smem:$0x3FAF] =	sst s0  }
0x18: {  	s0 =	sld [smem:$0x3F92];
	_ =	swait.ge [sflag:s4], $0x0  }
0x19: {  	s7 =	sld [smem:$0x3F93]  }
0x1a: {  	s8 =	sadd.s32 $0xFFFFE003, lr  }
0x1b: {  	s9 =	sadd.s32 $0xFFFFFEF7, lr;
	s5 =	simm.s32 $0xFFFFFFFF;
	p2 =	slt.u32 s8, $0xFFFFF086  }
0x1c: {  	p1 =	slt.u32 s9, $0xF7A;
	s5 =	simm.s32 @!p2 $0x0  }
0x1d: {  	s5 =	simm.s32 @p1 $0x1;
	p0 =	seq.s32 s7, s2  }
0x1e: {  	s7 =	smul.u32 @!p0 $0xF7A, s2;
	p2 =	seq.s32 @!p0 s5, $0x0  }
0x1f: {  	s9 =	smul.u32 $0xF7A, s1;
	s8 =	simm.s32 @!p0 $0x1BF5;
	p2 =	por !p2, p0  }
0x20: {  	[sflag:s8] =	ssyncset.s32 @!p0 $0xFFFFF086;
	s6 =	sadd.s32 @!p0 s3, s7;
	s7 =	simm.s32 @!p0 $0x108  }
0x21: {  	s3 =	sadd.s32 s3, s9;
	s6 =	sadd.s32 @!p0 $0x88, s6;
	s7 =	simm.s32 @p2 $0x1082  }
0x22: {  	[simem:s7], [sflag:s8] =	dma.local @!p0 [hbm:s6], $0xF7A  }
0x23: {  	s9 =	sor.u32 $0xD0000000, s2;
	s6 =	simm.s32 $0x108;
	_ =	swait.ge @!p0 [sflag:s8], $0x0  }
0x24: {  	s3 =	sadd.s32 $0x88, s3;
	s6 =	simm.s32 @!p1 $0x1082;
	[sflag:s4] =	ssyncset.s32 $0xFFFFF086  }
0x25: {  	[simem:s6], [sflag:s4] =	dma.local [hbm:s3], $0xF7A  }
0x26: {  	[smem:$0x3F93] =	sst s1;
	(tag) =	ssettag s2;
	_ =	strace s9  }
0x27: {  	s1 =	sld [smem:$0x3FA3]  }
0x28: {  	s2 =	sld [smem:$0x3FA4]  }
0x29: {  	s4 =	sld [smem:$0x3FA6]  }
0x2a: {  	p0 =	seq.s32 s5, $0x0;
	s5 =	sld [smem:$0x3FA7]  }
0x2b: {  	s6 =	sld [smem:$0x3FA8]  }
0x2c: {  	s7 =	sld [smem:$0x3FA9]  }
0x2d: {  	s3 =	simm.s32 $0x108;
	s8 =	sld [smem:$0x3FAA]  }
0x2e: {  	s3 =	simm.s32 @!p0 $0x1082;
	s9 =	sld [smem:$0x3FAB]  }
0x2f: {  	lr =	sadd.s32 s0, s3;
	s0 =	sld [smem:$0x3FA2]  }
0x30: {  	s3 =	sld [smem:$0x3FA5]  }
0x31: {  	[smem:$0x3FAE] =	sst s10  }
0x32: {  	s10 =	sld [smem:$0x3FAC];
	_ =	sdelay $0x3  }
0x33: {  	p0 =	seq.s32 s10, $0x1;
	s10 =	sld [smem:$0x3FAE];
	_ =	sdelay $0x3  }
0x34: {  	[smem:$0x3FAE] =	sst s10  }
0x35: {  	s10 =	sld [smem:$0x3FAD];
	_ =	sdelay $0x3  }
0x36: {  	p1 =	seq.s32 s10, $0x1;
	s10 =	sld [smem:$0x3FAE];
	_ =	sdelay $0x3  }
0x37: {  	[smem:$0x3FAE] =	sst s10  }
0x38: {  	s10 =	sld [smem:$0x3FAF]  }
0x39: {  	_ = 	snop;
	(pc) =	sbr.ind lr, $3  }
0x3a: {  	_ = 	snop  }
0x3b: {  	_ = 	snop  }
0x3c: {  	p2 =	seq.s32 s10, $0x1;
	s10 =	sld [smem:$0x3FAE]  }
0x3d: {  	_ =	shalt  }
0x3e: {  	_ =	shalt  }
0x3f: {  	_ =	shalt  }
0x40: {  	_ =	shalt  }
0x41: {  	_ =	shalt  }
0x42: {  	_ =	shalt  }
0x43: {  	_ =	shalt  }
0x44: {  	_ =	shalt  }
0x45: {  	_ =	shalt  }
0x46: {  	_ =	shalt  }
0x47: {  	_ =	shalt  }
0x48: {  	_ =	shalt  }
0x49: {  	_ =	shalt  }
0x4a: {  	_ =	shalt  }
0x4b: {  	_ =	shalt  }
0x4c: {  	_ =	shalt  }
0x4d: {  	_ =	shalt  }
0x4e: {  	_ =	shalt  }
0x4f: {  	_ =	shalt  }
0x50: {  	_ =	shalt  }
0x51: {  	_ =	shalt  }
0x52: {  	_ =	shalt  }
0x53: {  	_ =	shalt  }
0x54: {  	_ =	shalt  }
0x55: {  	_ =	shalt  }
0x56: {  	_ =	shalt  }
0x57: {  	_ =	shalt  }
0x58: {  	_ =	shalt  }
0x59: {  	_ =	shalt  }
0x5a: {  	_ =	shalt  }
0x5b: {  	_ =	shalt  }
0x5c: {  	_ =	shalt  }
0x5d: {  	_ =	shalt  }
0x5e: {  	_ =	shalt  }
0x5f: {  	_ =	shalt  }
0x60: {  	_ =	shalt  }
0x61: {  	_ =	shalt  }
0x62: {  	_ =	shalt  }
0x63: {  	_ =	shalt  }
0x64: {  	_ =	shalt  }
0x65: {  	_ =	shalt  }
0x66: {  	_ =	shalt  }
0x67: {  	_ =	shalt  }
0x68: {  	_ =	shalt  }
0x69: {  	_ =	shalt  }
0x6a: {  	_ =	shalt  }
0x6b: {  	_ =	shalt  }
0x6c: {  	_ =	shalt  }
0x6d: {  	_ =	shalt  }
0x6e: {  	_ =	shalt  }
0x6f: {  	_ =	shalt  }
0x70: {  	_ =	shalt  }
0x71: {  	_ =	shalt  }
0x72: {  	_ =	shalt  }
0x73: {  	_ =	shalt  }
0x74: {  	_ =	shalt  }
0x75: {  	_ =	shalt  }
0x76: {  	_ =	shalt  }
0x77: {  	_ =	shalt  }
0x78: {  	_ =	shalt  }
0x79: {  	_ =	shalt  }
0x7a: {  	_ =	shalt  }
0x7b: {  	_ =	shalt  }
0x7c: {  	_ =	shalt  }
0x7d: {  	_ =	shalt  }
0x7e: {  	_ =	shalt  }
0x7f: {  	_ =	shalt  }
0x80: {  	_ =	shalt  }
0x81: {  	_ =	shalt  }
0x82: {  	_ =	shalt  }
0x83: {  	_ =	shalt  }
0x84: {  	_ =	shalt  }
0x85: {  	_ =	shalt  }
0x86: {  	_ =	shalt  }
0x87: {  	_ =	shalt  }
.Lfunc_end0:
.L_simem_size_0:
called_computation_lowered:
.L_overlay_start_0:
0x88: {  	s2 =	sld [smem:$0x3FD9]  }
0x89: {  	s3 =	sld [smem:$0x3FFE];
	_ =	sdelay $0x1  }
0x8a: {  	s1 =	srdreg.scid  }
0x8b: {  	s0 =	sand.u32 $0x1, s1  }
0x8c: {  	s17 =	sshll.u32 s0, $0xA;
	s2 =	sadd.s32 s3, s2  }
0x8d: {  	s2 =	sadd.s32 s2, s17  }
0x8e: {  	[smem:$0x3FBA] =	sst s2  }
0x8f: {  	_ = 	snop  }
0x90: {  	s2 =	sld [smem:$0x3FC9]  }
0x91: {  	s18 =	sld [smem:$0x3FC8]  }
0x92: {  	s4 =	sld [smem:$0x3FC7]  }
0x93: {  	s5 =	sld [smem:$0x3FC6]  }
0x94: {  	s6 =	sld [smem:$0x3FC5]  }
0x95: {  	s7 =	sld [smem:$0x3FC4];
	(tm) =	ssettm $0x1  }
0x96: {  	s8 =	sld [smem:$0x3FFB];
	_ =	sdelay $0x3  }
0x97: {  	_ =	strace s8  }
0x98: {  	s8 =	sld [smem:$0x3FFC];
	_ =	sdelay $0x3  }
0x99: {  	_ =	strace s8  }
0x9a: {  	s8 =	sld [smem:$0x3FFD];
	_ =	sdelay $0x3  }
0x9b: {  	_ =	strace s8  }
0x9c: {  	_ =	strace $0x8FFFFFFF  }
0x9d: {  	s19 =	sld [smem:$0x3FDB];
	_ =	sdelay $0x1  }
0x9e: {  	s9 =	simm.s32 $_scs_section_size  }
0x9f: {  	s10 =	simm.s32 $_size__tile_overlayer_lowered;
	s11 =	simm.s32 $_tile_overlayer_lowered  }
0xa0: {  	s22 =	simm.s32 $0x1BFF;
	s21 =	sshll.u32 s11, $0x1;
	s8 =	sadd.s32 s9, s19  }
0xa1: {  	s12 =	simm.s32 $0x0;
	s20 =	sshll.u32 s10, $0x1;
	s10 =	sadd.s32 s21, s8  }
0xa2: {  	[timem:s12], [sflag:s22] =	dma.local [hbm:s10], s20  }
0xa3: {  	_ =	swait.ge [sflag:s22], s20  }
0xa4: {  	s9 =	ssub.s32 $0x0, s20;
	[sflag:s22] =	ssyncset.done $0x0  }
0xa5: {  	[sflag:s22] =	ssyncadd.s32 s9;
	_ =	sdelay $0x1  }
0xa6: {  	s23 =	simm.s32 $0x1B8B  }
0xa7: {  	_ =	swait.ge [sflag:s23], $0x1  }
0xa8: {  	[sflag:s23] =	ssyncset.done $0x0  }
0xa9: {  	s25 =	simm.s32 $0x1B8E;
	s24 =	sld [smem:$0x3FFE];
	[sflag:s23] =	ssyncadd.s32 $0xFFFFFFFF  }
0xaa: {  	s26 =	simm.s32 $execute0_lowered;
	[smem:$0x3FD2] =	sst s25  }
0xab: {  	s10 =	sshll.u32 s26, $0x1;
	_ =	strace $0x80000046;
	[dreg:$0x1] =	wrdreg $0xFFFFFFFF  }
0xac: {  	s28 =	simm.s32 $_size_execute0_lowered;
	s8 =	sadd.s32 s8, s10;
	[dreg:$0x0] =	wrdreg $0x0  }
0xad: {  	s10 =	sshll.u32 s28, $0x1;
	[dreg:$0x2] =	wrdreg s8  }
0xae: {  	[dreg:$0x3] =	wrdreg s10  }
0xaf: {  	[dreg:$0x4] =	wrdreg $0xC0  }
0xb0: {  	_ =	task [dreg:s12], $0x5FFFF  }
0xb1: {  	[dreg:$0x1] =	wrdreg $0xFFFFFFFF  }
0xb2: {  	[dreg:$0x0] =	wrdreg $0x60  }
0xb3: {  	[dreg:$0x2] =	wrdreg s2  }
0xb4: {  	[dreg:$0x3] =	wrdreg s18  }
0xb5: {  	[dreg:$0x4] =	wrdreg s4  }
0xb6: {  	[dreg:$0x5] =	wrdreg s5  }
0xb7: {  	[dreg:$0x6] =	wrdreg s6  }
0xb8: {  	[dreg:$0x7] =	wrdreg s7  }
0xb9: {  	[dreg:$0x8] =	wrdreg s24  }
0xba: {  	[dreg:$0x9] =	wrdreg $0x9  }
0xbb: {  	_ =	task.clear_ibuf [dreg:s12], $0xAFFFF;
	_ =	strace $0x90000046  }
0xbc: {  	s29 =	simm.s32 $0x9;
	_ =	strace $0x80000048  }
0xbd: {  	_ =	swait.ge [sflag:s29], $0x1  }
0xbe: {  	[sflag:s29] =	ssyncadd.s32 $0xFFFFFFFF  }
0xbf: {  	_ =	strace $0x90000048  }
0xc0: {  	_ =	sfence  }
0xc1: {  	s30 =	sld [smem:$0x0];
	_ =	sdelay $0x2  }
0xc2: {  	s31 =	sshll.u32 s1, $0xD;
	s1 =	sshrl.u32 s1, $0x2  }
0xc3: {  	s3 =	sand.u32 $0x4000, s31;
	s1 =	sadd.s32 s1, s30  }
0xc4: {  	s0 =	sor.u32 s3, s0;
	s1 =	sshll.u32 s1, $0x11  }
0xc5: {  	s0 =	sor.u32 s1, s0  }
0xc6: {  	s0 =	sadd.s32 $0x8F2B, s0  }
0xc7: {  	[sflag:s0] =	ssyncadd.remote.s32 $0x1  }
0xc8: {  	_ =	sfence.sel $0xFFFF  }
0xc9: {  	[dreg:$0x0] =	wrdreg $0xFFFFFFFF;
	(pc) =	sbr.abs _section_cstart, $3  }
0xca: {  	[dreg:$0x1] =	wrdreg $0xFFFFFFFF  }
0xcb: {  	_ =	task.clear_ibuf [dreg:s12], $0x2FFFF;
	_ =	strace $0x9FFFFFFF  }
0xcc: {  	(tm) =	ssettm $0x7FFFFFFF  }
0xcd: {  	_ =	shalt  }
tec
execute0_lowered:
.L_overlay_start_1:
0x0: {  	(tag) =	ssettag $0x1  }
0x1: {  	v0 =	vimm.s32 $0x2380  }
0x2: {  	vm14 =	vcmask $0x300;
	vm13 =	vcmask $0x704;
	vm12 =	vcmask $0xB08  }
0x3: {  	vm11 =	vcmask $0xF0C;
	vm10 =	vcmask $0x1310;
	vm8 =	vcmask $0x1714  }
0x4: {  	vm6 =	vcmask $0x1B18;
	vm5 =	vcmask $0x1F1C;
	vm2 =	vcmask $0x2320  }
0x5: {  	vm0 =	vcmask $0x2724;
	v1 =	vimm.s32 $0x1380;
	v2 =	vimm.s32 $0x2780  }
0x6: {  	vm1 =	vcmask $0x2B28;
	vm3 =	vcmask $0x2F2C;
	vm4 =	vcmask $0x3330  }
0x7: {  	vm7 =	vcmask $0x3734;
	vm9 =	vcmask $0x3B38;
	v3 =	vlaneseq.u32  }
0x8: {  	v5 =	vimm.s32 $0x2B80;
	v6 =	vimm.s32 $0x2F80;
	v7 =	vimm.s32 $0x3380  }
0x9: {  	v11 =	vimm.s32 $0x3780;
	v12 =	vimm.s32 $0x3B80;
	v13 =	vimm.s32 $0x3F80  }
0xa: {  	v0 =	vsel vm14, $0x0, v0;
	v1 =	vsel vm14, $0x0, v1;
	v2 =	vsel vm14, $0x400, v2  }
0xb: {  	v3 =	vand.u32 $0x7, v3;
	v5 =	vsel vm14, $0x800, v5;
	v6 =	vsel vm14, $0xC00, v6  }
0xc: {  	v7 =	vsel vm14, $0x1000, v7;
	v11 =	vsel vm14, $0x1400, v11;
	v12 =	vsel vm14, $0x1800, v12  }
0xd: {  	v13 =	vsel vm14, $0x1C00, v13;
	v0 =	vsel vm13, $0x80, v0;
	v1 =	vsel vm13, $0x80, v1  }
0xe: {  	v2 =	vsel vm13, $0x480, v2;
	v5 =	vsel vm13, $0x880, v5;
	v6 =	vsel vm13, $0xC80, v6  }
0xf: {  	v7 =	vsel vm13, $0x1080, v7;
	v11 =	vsel vm13, $0x1480, v11;
	v12 =	vsel vm13, $0x1880, v12  }
0x10: {  	v13 =	vsel vm13, $0x1C80, v13;
	v0 =	vsel vm12, $0x100, v0;
	v1 =	vsel vm12, $0x100, v1  }
0x11: {  	v2 =	vsel vm12, $0x500, v2;
	v5 =	vsel vm12, $0x900, v5;
	v6 =	vsel vm12, $0xD00, v6  }
0x12: {  	v7 =	vsel vm12, $0x1100, v7;
	v11 =	vsel vm12, $0x1500, v11;
	v12 =	vsel vm12, $0x1900, v12  }
0x13: {  	v13 =	vsel vm12, $0x1D00, v13;
	v0 =	vsel vm11, $0x180, v0;
	v1 =	vsel vm11, $0x180, v1  }
0x14: {  	v2 =	vsel vm11, $0x580, v2;
	v5 =	vsel vm11, $0x980, v5;
	v6 =	vsel vm11, $0xD80, v6  }
0x15: {  	v7 =	vsel vm11, $0x1180, v7;
	v11 =	vsel vm11, $0x1580, v11;
	v12 =	vsel vm11, $0x1980, v12  }
0x16: {  	v13 =	vsel vm11, $0x1D80, v13;
	v0 =	vsel vm10, $0x200, v0;
	v1 =	vsel vm10, $0x200, v1  }
0x17: {  	v2 =	vsel vm10, $0x600, v2;
	v5 =	vsel vm10, $0xA00, v5;
	v6 =	vsel vm10, $0xE00, v6  }
0x18: {  	v7 =	vsel vm10, $0x1200, v7;
	v11 =	vsel vm10, $0x1600, v11;
	v12 =	vsel vm10, $0x1A00, v12  }
0x19: {  	v13 =	vsel vm10, $0x1E00, v13;
	v0 =	vsel vm8, $0x280, v0;
	v1 =	vsel vm8, $0x280, v1  }
0x1a: {  	v2 =	vsel vm8, $0x680, v2;
	v5 =	vsel vm8, $0xA80, v5;
	v6 =	vsel vm8, $0xE80, v6  }
0x1b: {  	v7 =	vsel vm8, $0x1280, v7;
	v11 =	vsel vm8, $0x1680, v11;
	v12 =	vsel vm8, $0x1A80, v12  }
0x1c: {  	v13 =	vsel vm8, $0x1E80, v13;
	v0 =	vsel vm6, $0x300, v0;
	v1 =	vsel vm6, $0x300, v1  }
0x1d: {  	v2 =	vsel vm6, $0x700, v2;
	v5 =	vsel vm6, $0xB00, v5;
	v6 =	vsel vm6, $0xF00, v6  }
0x1e: {  	v7 =	vsel vm6, $0x1300, v7;
	v11 =	vsel vm6, $0x1700, v11;
	v12 =	vsel vm6, $0x1B00, v12  }
0x1f: {  	v13 =	vsel vm6, $0x1F00, v13;
	v0 =	vsel vm5, $0x380, v0;
	v1 =	vsel vm5, $0x380, v1  }
0x20: {  	v2 =	vsel vm5, $0x780, v2;
	v5 =	vsel vm5, $0xB80, v5;
	v6 =	vsel vm5, $0xF80, v6  }
0x21: {  	v7 =	vsel vm5, $0x1380, v7;
	v11 =	vsel vm5, $0x1780, v11;
	v12 =	vsel vm5, $0x1B80, v12  }
0x22: {  	v13 =	vsel vm5, $0x1F80, v13;
	v0 =	vsel vm2, $0x2000, v0;
	v1 =	vsel vm2, $0x1000, v1  }
0x23: {  	s4 =	rddreg [dreg:$0x0];
	v2 =	vsel vm2, $0x2400, v2;
	v5 =	vsel vm2, $0x2800, v5;
	v6 =	vsel vm2, $0x2C00, v6  }
0x24: {  	s5 =	rddreg [dreg:$0x1];
	v7 =	vsel vm2, $0x3000, v7;
	v11 =	vsel vm2, $0x3400, v11;
	v12 =	vsel vm2, $0x3800, v12  }
0x25: {  	s0 =	rddreg [dreg:$0x2];
	v13 =	vsel vm2, $0x3C00, v13;
	v0 =	vsel vm0, $0x2080, v0;
	v1 =	vsel vm0, $0x1080, v1  }
0x26: {  	s1 =	rddreg [dreg:$0x3];
	v2 =	vsel vm0, $0x2480, v2;
	v5 =	vsel vm0, $0x2880, v5;
	v6 =	vsel vm0, $0x2C80, v6  }
0x27: {  	s2 =	rddreg [dreg:$0x4];
	v7 =	vsel vm0, $0x3080, v7;
	v11 =	vsel vm0, $0x3480, v11;
	v12 =	vsel vm0, $0x3880, v12  }
0x28: {  	s3 =	rddreg [dreg:$0x5];
	v13 =	vsel vm0, $0x3C80, v13;
	v0 =	vsel vm1, $0x2100, v0;
	v1 =	vsel vm1, $0x1100, v1  }
0x29: {  	s7 =	rddreg [dreg:$0x6];
	v2 =	vsel vm1, $0x2500, v2;
	v5 =	vsel vm1, $0x2900, v5;
	v6 =	vsel vm1, $0x2D00, v6  }
0x2a: {  	s8 =	srdreg.scid;
	s6 =	simm.s32 $0x0;
	s9 =	stileid.u32;
	v7 =	vsel vm1, $0x3100, v7;
	v11 =	vsel vm1, $0x3500, v11;
	v12 =	vsel vm1, $0x3900, v12  }
0x2b: {  	s14 =	simm.s32 $0x3;
	s16 =	simm.s32 $0x400;
	s18 =	simm.s32 $0x4400;
	v13 =	vsel vm1, $0x3D00, v13;
	v0 =	vsel vm3, $0x2180, v0;
	v1 =	vsel vm3, $0x1180, v1  }
0x2c: {  	s20 =	simm.s32 $0x8400;
	s21 =	simm.s32 $0xA400;
	s31 =	simm.s32 $0x1000;
	v2 =	vsel vm3, $0x2580, v2;
	v5 =	vsel vm3, $0x2980, v5;
	v6 =	vsel vm3, $0x2D80, v6  }
0x2d: {  	s28 =	simm.s32 $0x16400;
	s15 =	simm.s32 $0x18000;
	s8 =	sand.u32 $0x1, s8;
	v7 =	vsel vm3, $0x3180, v7;
	v11 =	vsel vm3, $0x3580, v11;
	v12 =	vsel vm3, $0x3980, v12  }
0x2e: {  	s11 =	simm.s32 $0x1C400;
	s9 =	sshll.u32 s9, $0xA;
	s10 =	sshll.u32 s8, $0x9;
	v13 =	vsel vm3, $0x3D80, v13;
	v0 =	vsel vm4, $0x2200, v0;
	v1 =	vsel vm4, $0x1200, v1  }
0x2f: {  	s12 =	simm.s32 $0x1D400;
	s13 =	simm.s32 $0x2;
	s9 =	sor.u32 s10, s9;
	v2 =	vsel vm4, $0x2600, v2;
	v5 =	vsel vm4, $0x2A00, v5;
	v6 =	vsel vm4, $0x2E00, v6  }
0x30: {  	[smem:$0x7FF] =	sst s6;
	s7 =	sadd.s32 s9, s7;
	s9 =	sshrl.u32 s9, $0x3;
	v9 =	vsel vm4, $0x3200, v7;
	v11 =	vsel vm4, $0x3600, v11;
	v12 =	vsel vm4, $0x3A00, v12  }
0x31: {  	_ =	strace $0x80000047;
	s8 =	ssub.s32 $0x2, s8;
	s4 =	sadd.s32 s4, s9;
	v15 =	vsel vm4, $0x3E00, v13;
	v0 =	vsel vm7, $0x2280, v0;
	v4 =	vsel vm7, $0x1280, v1  }
0x32: {  	s22 =	sshrl.u32 s8, $0x1;
	s23 =	sadd.s32 s5, s9;
	[dreg:$0x8] =	wrdreg s4;
	v1 =	vmul.u32 $0x80, v3;
	v3 =	vsel vm7, $0x2680, v2;
	v5 =	vsel vm7, $0x2A80, v5  }
0x33: {  	s10 =	simm.s32 $0x1A400;
	s24 =	sadd.s32 $0x2200, s7;
	[dreg:$0x9] =	wrdreg s23;
	v8 =	vsel vm7, $0x2E80, v6;
	v9 =	vsel vm7, $0x3280, v9;
	v11 =	vsel vm7, $0x3680, v11  }
0x34: {  	s8 =	ssub.s32 s8, s22;
	s25 =	sadd.s32 $0xA200, s7;
	[dreg:$0xa] =	wrdreg s24;
	v14 =	vsel vm7, $0x3A80, v12;
	v15 =	vsel vm7, $0x3E80, v15;
	v0 =	vsel vm9, $0x2300, v0  }
.Ltmp0:
0x35: {  	s26 =	sadd.s32 $0x12200, s7;
	[dreg:$0xb] =	wrdreg s25;
	v2 =	vsel vm9, $0x1300, v4;
	v3 =	vsel vm9, $0x2700, v3;
	v5 =	vsel vm9, $0x2B00, v5;
	(pc) =	sbr.rel .LBB2_1-.Ltmp0, $4  }
0x36: {  	s22 =	simm.s32 $0xC400;
	s29 =	sadd.s32 $0x16200, s7;
	[dreg:$0xc] =	wrdreg s26;
	v7 =	vsel vm9, $0x2F00, v8;
	v9 =	vsel vm9, $0x3300, v9;
	v11 =	vsel vm9, $0x3700, v11  }
0x37: {  	s30 =	smax.u32 s8, $0x1;
	s5 =	simm.s32 $0x16000;
	[dreg:$0xd] =	wrdreg s29;
	v13 =	vsel vm9, $0x3B00, v14;
	v15 =	vsel vm9, $0x3F00, v15;
	v4 =	vor.u32 $0x400, v1  }
0x38: {  	s8 =	simm.s32 $0x1;
	s9 =	simm.s32 $0x18400;
	[dreg:$0xe] =	wrdreg s30;
	v6 =	vor.u32 $0x800, v1;
	v8 =	vor.u32 $0xC00, v1;
	v10 =	vor.u32 $0x1000, v1  }
0x39: {  	s24 =	simm.s32 $0x10400;
	s26 =	simm.s32 $0x14400;
	s4 =	simm.s32 $0x0;
	v12 =	vor.u32 $0x1400, v1;
	v14 =	vor.u32 $0x1800, v1;
	v16 =	vor.u32 $0x1C00, v1  }
.LBB2_5:
0x3a: {  	s7 =	rddreg [dreg:$0xa];
	s4 =	simm.s32 $0x20000;
	s14 =	simm.s32 $0x3  }
0x3b: {  	[hbm4b:s7+s31] =	stream.strided.scatter [tilespmem:s9], [sflag:$0x3], $0x2000, s4, s31, $0x38;
	[tilespmem:$0x1E400] =	vst v63  }
0x3c: {  	_ =	swait.ge [sflag:s14], $0x2000  }
0x3d: {  	[sflag:s14] =	ssyncset.done $0x0  }
0x3e: {  	s19 =	rddreg [dreg:$0xb];
	[sflag:s14] =	ssyncadd.s32 $0xFFFFE000  }
0x3f: {  	[hbm4b:s19+s31] =	stream.strided.scatter [tilespmem:s10], [sflag:$0x3], $0x2000, s4, s31, $0x38;
	[tilespmem:$0x1E400] =	vst v63  }
0x40: {  	_ =	swait.ge [sflag:s14], $0x2000  }
0x41: {  	[sflag:s14] =	ssyncset.done $0x0  }
0x42: {  	s23 =	rddreg [dreg:$0xc];
	[sflag:s14] =	ssyncadd.s32 $0xFFFFE000  }
0x43: {  	[hbm4b:s23+s6] =	stream.linear.scatter [tilespmem:s11], [sflag:$0x3], $0x1000, $0x38;
	[tilespmem:$0x1E400] =	vst v63  }
0x44: {  	_ =	swait.ge [sflag:s14], $0x1000  }
0x45: {  	[sflag:s14] =	ssyncset.done $0x0  }
0x46: {  	s25 =	rddreg [dreg:$0xd];
	[sflag:s14] =	ssyncadd.s32 $0xFFFFF000  }
0x47: {  	[hbm4b:s25+s6] =	stream.linear.scatter [tilespmem:s12], [sflag:$0x3], $0x1000, $0x38;
	[tilespmem:$0x1E400] =	vst v63  }
0x48: {  	_ =	swait.ge [sflag:s14], $0x1000  }
0x49: {  	s29 =	rddreg [dreg:$0xf]  }
0x4a: {  	s30 =	rddreg [dreg:$0xe];
	s4 =	sadd.s32 $0x1, s29  }
0x4b: {  	p0 =	sne.s32 s4, s30  }
.Ltmp1:
0x4c: {  	_ = 	snop;
	(pc) =	sbr.rel @!p0 .LBB2_6-.Ltmp1, $3  }
0x4d: {  	_ =	sdelay $0x1  }
0x4e: {  	[sflag:s14] =	ssyncset.done $0x0  }
0x4f: {  	[sflag:s14] =	ssyncadd.s32 $0xFFFFF000  }
.LBB2_1:
0x50: {  	[dreg:$0xf] =	wrdreg s4  }
0x51: {  	s7 =	rddreg [dreg:$0x8]  }
0x52: {  	[tilespmem:s6], [sflag:$0x3] =	stream.linear.gather [hbm4b:s7+s6], $0x200, $0x38;
	[tilespmem:$0x1E400] =	vst v63  }
0x53: {  	_ =	swait.ge [sflag:s14], $0x200  }
0x54: {  	[sflag:s14] =	ssyncset.done $0x0  }
0x55: {  	s17 =	simm.s32 $0x200;
	s19 =	rddreg [dreg:$0x9];
	[sflag:s14] =	ssyncadd.s32 $0xFFFFFE00  }
0x56: {  	[tilespmem:s17], [sflag:$0x3] =	stream.linear.gather [hbm4b:s19+s6], $0x200, $0x38;
	[tilespmem:$0x1E400] =	vst v63  }
0x57: {  	_ =	swait.ge [sflag:s14], $0x200  }
0x58: {  	[sflag:s14] =	ssyncset.done $0x0  }
0x59: {  	[sflag:s14] =	ssyncadd.s32 $0xFFFFFE00  }
0x5a: {  	v17 =	vld [tilespmem:$0x0];
	_ =	sdelay $0x3  }
0x5b: {  	v18 =	vld [tilespmem:$0x200]  }
0x5c: {  	(v2sf) =	vpush v17, $0x0;
	_ =	sdelay $0x3  }
0x5d: {  	(v2sf) =	vpush v18, $0x0;
	_ =	sdelay $0x6  }
0x5e: {  	(v2sf) =	vpush v17, $0x1;
	_ =	sdelay $0x3  }
0x5f: {  	s23 =	spop (v2sf);
	(v2sf) =	vpush v18, $0x1  }
0x60: {  	s7 =	sand.u32 $0xFFFFF80, s23  }
0x61: {  	s25 =	sadd.s32 s0, s7  }
0x62: {  	[tilespmem:s16], [sflag:$0x1] =	stream.linear.gather [hbm4b:s25+s6], $0x400, $0x38;
	[tilespmem:$0x1E400] =	vst v63  }
0x63: {  	s29 =	simm.s32 $0x2400;
	s30 =	spop (v2sf);
	s14 =	sadd.s32 $0xF4280, s25  }
0x64: {  	[tilespmem:s29], [sflag:$0x1] =	stream.linear.gather [hbm4b:s14+s6], $0x400, $0x38;
	[tilespmem:$0x1E400] =	vst v63  }
0x65: {  	s14 =	sand.u32 $0xFFFFF80, s30  }
0x66: {  	(v2sf) =	vpush v17, $0x2;
	s4 =	sadd.s32 s1, s14  }
0x67: {  	[tilespmem:s18], [sflag:$0x1] =	stream.linear.gather [hbm4b:s4+s6], $0x400, $0x38;
	[tilespmem:$0x1E400] =	vst v63  }
0x68: {  	s19 =	simm.s32 $0x6400;
	s17 =	sadd.s32 $0xF4280, s4  }
0x69: {  	[tilespmem:s19], [sflag:$0x1] =	stream.linear.gather [hbm4b:s17+s6], $0x400, $0x38;
	[tilespmem:$0x1E400] =	vst v63  }
0x6a: {  	s7 =	sadd.s32 s2, s7;
	s17 =	spop (v2sf)  }
0x6b: {  	[tilespmem:s20], [sflag:$0x1] =	stream.linear.gather [hbm4b:s7+s6], $0x400, $0x38;
	[tilespmem:$0x1E400] =	vst v63  }
0x6c: {  	s14 =	sadd.s32 s3, s14;
	s7 =	sand.u32 $0xFFFFF80, s17  }
0x6d: {  	[tilespmem:s21], [sflag:$0x1] =	stream.linear.gather [hbm4b:s14+s6], $0x400, $0x38;
	[tilespmem:$0x1E400] =	vst v63  }
0x6e: {  	s19 =	simm.s32 $0x800;
	s14 =	sadd.s32 s0, s7;
	s25 =	spop (v2sf);
	(v2sf) =	vpush v18, $0x2  }
0x6f: {  	[tilespmem:s19], [sflag:$0x1] =	stream.linear.gather [hbm4b:s14+s6], $0x400, $0x38;
	[tilespmem:$0x1E400] =	vst v63  }
0x70: {  	s23 =	simm.s32 $0x2800;
	s14 =	sadd.s32 $0xF4280, s14  }
0x71: {  	[tilespmem:s23], [sflag:$0x1] =	stream.linear.gather [hbm4b:s14+s6], $0x400, $0x38;
	[tilespmem:$0x1E400] =	vst v63  }
0x72: {  	s14 =	sand.u32 $0xFFFFF80, s25  }
0x73: {  	s30 =	simm.s32 $0x4800;
	s29 =	sadd.s32 s1, s14  }
0x74: {  	[tilespmem:s30], [sflag:$0x1] =	stream.linear.gather [hbm4b:s29+s6], $0x400, $0x38;
	[tilespmem:$0x1E400] =	vst v63  }
0x75: {  	s17 =	sadd.s32 $0xF4280, s29;
	s29 =	spop (v2sf);
	(v2sf) =	vpush v17, $0x3;
	_ =	sdelay $0x3  }
0x76: {  	s4 =	simm.s32 $0x6800  }
0x77: {  	[tilespmem:s4], [sflag:$0x1] =	stream.linear.gather [hbm4b:s17+s6], $0x400, $0x38;
	[tilespmem:$0x1E400] =	vst v63  }
0x78: {  	s7 =	sadd.s32 s2, s7;
	s23 =	simm.s32 $0x8800;
	s25 =	sadd.s32 s3, s14  }
0x79: {  	[tilespmem:s23], [sflag:$0x1] =	stream.linear.gather [hbm4b:s7+s6], $0x400, $0x38;
	[tilespmem:$0x1E400] =	vst v63  }
0x7a: {  	s30 =	simm.s32 $0xA800;
	s7 =	sand.u32 $0xFFFFF80, s29;
	s23 =	spop (v2sf);
	(v2sf) =	vpush v18, $0x3  }
0x7b: {  	[tilespmem:s30], [sflag:$0x1] =	stream.linear.gather [hbm4b:s25+s6], $0x400, $0x38;
	[tilespmem:$0x1E400] =	vst v63  }
0x7c: {  	s4 =	simm.s32 $0xC00;
	s14 =	sadd.s32 s0, s7  }
0x7d: {  	[tilespmem:s4], [sflag:$0x1] =	stream.linear.gather [hbm4b:s14+s6], $0x400, $0x38;
	[tilespmem:$0x1E400] =	vst v63  }
0x7e: {  	s19 =	simm.s32 $0x2C00;
	s14 =	sadd.s32 $0xF4280, s14  }
0x7f: {  	[tilespmem:s19], [sflag:$0x1] =	stream.linear.gather [hbm4b:s14+s6], $0x400, $0x38;
	[tilespmem:$0x1E400] =	vst v63  }
0x80: {  	s14 =	sand.u32 $0xFFFFF80, s23  }
0x81: {  	s29 =	simm.s32 $0x4C00;
	s25 =	sadd.s32 s1, s14;
	s19 =	spop (v2sf);
	(v2sf) =	vpush v17, $0x4  }
0x82: {  	[tilespmem:s29], [sflag:$0x1] =	stream.linear.gather [hbm4b:s25+s6], $0x400, $0x38;
	[tilespmem:$0x1E400] =	vst v63  }
0x83: {  	s30 =	simm.s32 $0x6C00;
	s17 =	sadd.s32 $0xF4280, s25  }
0x84: {  	[tilespmem:s30], [sflag:$0x1] =	stream.linear.gather [hbm4b:s17+s6], $0x400, $0x38;
	[tilespmem:$0x1E400] =	vst v63  }
0x85: {  	s7 =	sadd.s32 s2, s7;
	s4 =	simm.s32 $0x8C00  }
0x86: {  	[tilespmem:s4], [sflag:$0x1] =	stream.linear.gather [hbm4b:s7+s6], $0x400, $0x38;
	[tilespmem:$0x1E400] =	vst v63  }
0x87: {  	s23 =	simm.s32 $0xAC00;
	s17 =	sadd.s32 s3, s14;
	s7 =	sand.u32 $0xFFFFF80, s19  }
0x88: {  	[tilespmem:s23], [sflag:$0x1] =	stream.linear.gather [hbm4b:s17+s6], $0x400, $0x38;
	[tilespmem:$0x1E400] =	vst v63  }
0x89: {  	s14 =	sadd.s32 s0, s7;
	s29 =	spop (v2sf);
	(v2sf) =	vpush v18, $0x4  }
0x8a: {  	[tilespmem:s31], [sflag:$0x1] =	stream.linear.gather [hbm4b:s14+s6], $0x400, $0x38;
	[tilespmem:$0x1E400] =	vst v63  }
0x8b: {  	s25 =	simm.s32 $0x3000;
	s14 =	sadd.s32 $0xF4280, s14  }
0x8c: {  	[tilespmem:s25], [sflag:$0x1] =	stream.linear.gather [hbm4b:s14+s6], $0x400, $0x38;
	[tilespmem:$0x1E400] =	vst v63  }
0x8d: {  	s14 =	sand.u32 $0xFFFFF80, s29  }
0x8e: {  	s4 =	simm.s32 $0x5000;
	s30 =	sadd.s32 s1, s14  }
0x8f: {  	[tilespmem:s4], [sflag:$0x1] =	stream.linear.gather [hbm4b:s30+s6], $0x400, $0x38;
	[tilespmem:$0x1E400] =	vst v63  }
0x90: {  	s17 =	sadd.s32 $0xF4280, s30;
	s30 =	spop (v2sf);
	(v2sf) =	vpush v17, $0x5;
	_ =	sdelay $0x1  }
0x91: {  	s23 =	simm.s32 $0x7000  }
0x92: {  	[tilespmem:s23], [sflag:$0x1] =	stream.linear.gather [hbm4b:s17+s6], $0x400, $0x38;
	[tilespmem:$0x1E400] =	vst v63  }
0x93: {  	s7 =	sadd.s32 s2, s7;
	s25 =	simm.s32 $0x9000  }
0x94: {  	[tilespmem:s25], [sflag:$0x1] =	stream.linear.gather [hbm4b:s7+s6], $0x400, $0x38;
	[tilespmem:$0x1E400] =	vst v63  }
0x95: {  	s29 =	sadd.s32 s3, s14;
	s17 =	simm.s32 $0xB000;
	s7 =	sand.u32 $0xFFFFF80, s30  }
0x96: {  	[tilespmem:s17], [sflag:$0x1] =	stream.linear.gather [hbm4b:s29+s6], $0x400, $0x38;
	[tilespmem:$0x1E400] =	vst v63  }
0x97: {  	s19 =	simm.s32 $0x1400;
	s14 =	sadd.s32 s0, s7;
	s25 =	spop (v2sf);
	(v2sf) =	vpush v18, $0x5  }
0x98: {  	[tilespmem:s19], [sflag:$0x1] =	stream.linear.gather [hbm4b:s14+s6], $0x400, $0x38;
	[tilespmem:$0x1E400] =	vst v63  }
0x99: {  	s23 =	simm.s32 $0x3400;
	s14 =	sadd.s32 $0xF4280, s14  }
0x9a: {  	[tilespmem:s23], [sflag:$0x1] =	stream.linear.gather [hbm4b:s14+s6], $0x400, $0x38;
	[tilespmem:$0x1E400] =	vst v63  }
0x9b: {  	s14 =	sand.u32 $0xFFFFF80, s25  }
0x9c: {  	s30 =	simm.s32 $0x5400;
	s29 =	sadd.s32 s1, s14  }
0x9d: {  	[tilespmem:s30], [sflag:$0x1] =	stream.linear.gather [hbm4b:s29+s6], $0x400, $0x38;
	[tilespmem:$0x1E400] =	vst v63  }
0x9e: {  	s17 =	sadd.s32 $0xF4280, s29;
	s29 =	spop (v2sf);
	(v2sf) =	vpush v17, $0x6;
	_ =	sdelay $0x1  }
0x9f: {  	s19 =	simm.s32 $0x7400  }
0xa0: {  	[tilespmem:s19], [sflag:$0x1] =	stream.linear.gather [hbm4b:s17+s6], $0x400, $0x38;
	[tilespmem:$0x1E400] =	vst v63  }
0xa1: {  	s7 =	sadd.s32 s2, s7;
	s23 =	simm.s32 $0x9400  }
0xa2: {  	[tilespmem:s23], [sflag:$0x1] =	stream.linear.gather [hbm4b:s7+s6], $0x400, $0x38;
	[tilespmem:$0x1E400] =	vst v63  }
0xa3: {  	s25 =	sadd.s32 s3, s14;
	s30 =	simm.s32 $0xB400;
	s7 =	sand.u32 $0xFFFFF80, s29  }
0xa4: {  	[tilespmem:s30], [sflag:$0x1] =	stream.linear.gather [hbm4b:s25+s6], $0x400, $0x38;
	[tilespmem:$0x1E400] =	vst v63  }
0xa5: {  	s17 =	simm.s32 $0x1800;
	s14 =	sadd.s32 s0, s7;
	s23 =	spop (v2sf);
	(v2sf) =	vpush v18, $0x6  }
0xa6: {  	[tilespmem:s17], [sflag:$0x1] =	stream.linear.gather [hbm4b:s14+s6], $0x400, $0x38;
	[tilespmem:$0x1E400] =	vst v63  }
0xa7: {  	s19 =	simm.s32 $0x3800;
	s14 =	sadd.s32 $0xF4280, s14  }
0xa8: {  	[tilespmem:s19], [sflag:$0x1] =	stream.linear.gather [hbm4b:s14+s6], $0x400, $0x38;
	[tilespmem:$0x1E400] =	vst v63  }
0xa9: {  	s14 =	sand.u32 $0xFFFFF80, s23  }
0xaa: {  	s29 =	simm.s32 $0x5800;
	s25 =	sadd.s32 s1, s14  }
0xab: {  	[tilespmem:s29], [sflag:$0x1] =	stream.linear.gather [hbm4b:s25+s6], $0x400, $0x38;
	[tilespmem:$0x1E400] =	vst v63  }
0xac: {  	s30 =	simm.s32 $0x7800;
	s17 =	sadd.s32 $0xF4280, s25;
	s23 =	spop (v2sf);
	(v2sf) =	vpush v17, $0x7  }
0xad: {  	[tilespmem:s30], [sflag:$0x1] =	stream.linear.gather [hbm4b:s17+s6], $0x400, $0x38;
	[tilespmem:$0x1E400] =	vst v63  }
0xae: {  	s7 =	sadd.s32 s2, s7;
	s17 =	simm.s32 $0x9800  }
0xaf: {  	[tilespmem:s17], [sflag:$0x1] =	stream.linear.gather [hbm4b:s7+s6], $0x400, $0x38;
	[tilespmem:$0x1E400] =	vst v63  }
0xb0: {  	s19 =	sadd.s32 s3, s14;
	s25 =	simm.s32 $0xB800;
	s7 =	sand.u32 $0xFFFFF80, s23  }
0xb1: {  	[tilespmem:s25], [sflag:$0x1] =	stream.linear.gather [hbm4b:s19+s6], $0x400, $0x38;
	[tilespmem:$0x1E400] =	vst v63  }
0xb2: {  	s29 =	simm.s32 $0x1C00;
	s14 =	sadd.s32 s0, s7  }
0xb3: {  	[tilespmem:s29], [sflag:$0x1] =	stream.linear.gather [hbm4b:s14+s6], $0x400, $0x38;
	[tilespmem:$0x1E400] =	vst v63  }
0xb4: {  	s30 =	simm.s32 $0x3C00;
	s14 =	sadd.s32 $0xF4280, s14;
	s17 =	spop (v2sf);
	(v2sf) =	vpush v18, $0x7  }
0xb5: {  	[tilespmem:s30], [sflag:$0x1] =	stream.linear.gather [hbm4b:s14+s6], $0x400, $0x38;
	[tilespmem:$0x1E400] =	vst v63  }
0xb6: {  	s14 =	sand.u32 $0xFFFFF80, s17  }
0xb7: {  	s23 =	simm.s32 $0x5C00;
	s19 =	sadd.s32 s1, s14  }
0xb8: {  	[tilespmem:s23], [sflag:$0x1] =	stream.linear.gather [hbm4b:s19+s6], $0x400, $0x38;
	[tilespmem:$0x1E400] =	vst v63  }
0xb9: {  	s25 =	simm.s32 $0x7C00;
	s17 =	sadd.s32 $0xF4280, s19  }
0xba: {  	[tilespmem:s25], [sflag:$0x1] =	stream.linear.gather [hbm4b:s17+s6], $0x400, $0x38;
	[tilespmem:$0x1E400] =	vst v63  }
0xbb: {  	s7 =	sadd.s32 s2, s7;
	s29 =	simm.s32 $0x9C00;
	s30 =	spop (v2sf)  }
0xbc: {  	[tilespmem:s29], [sflag:$0x1] =	stream.linear.gather [hbm4b:s7+s6], $0x400, $0x38;
	[tilespmem:$0x1E400] =	vst v63  }
0xbd: {  	s14 =	sadd.s32 s3, s14;
	s17 =	simm.s32 $0xBC00;
	s7 =	sand.u32 $0xFFFFF80, s30  }
0xbe: {  	[tilespmem:s17], [sflag:$0x1] =	stream.linear.gather [hbm4b:s14+s6], $0x400, $0x38;
	[tilespmem:$0x1E400] =	vst v63  }
0xbf: {  	s23 =	simm.s32 $0x2000;
	s19 =	sadd.s32 s0, s7  }
0xc0: {  	[tilespmem:s23], [sflag:$0x1] =	stream.linear.gather [hbm4b:s19+s6], $0x400, $0x38;
	[tilespmem:$0x1E400] =	vst v63  }
0xc1: {  	s25 =	simm.s32 $0x4000;
	s14 =	sadd.s32 $0xF4280, s19  }
0xc2: {  	[tilespmem:s25], [sflag:$0x1] =	stream.linear.gather [hbm4b:s14+s6], $0x400, $0x38;
	[tilespmem:$0x1E400] =	vst v63  }
0xc3: {  	s29 =	spop (v2sf)  }
0xc4: {  	s14 =	sand.u32 $0xFFFFF80, s29  }
0xc5: {  	s19 =	simm.s32 $0x6000;
	s30 =	sadd.s32 s1, s14  }
0xc6: {  	[tilespmem:s19], [sflag:$0x1] =	stream.linear.gather [hbm4b:s30+s6], $0x400, $0x38;
	[tilespmem:$0x1E400] =	vst v63  }
0xc7: {  	s23 =	simm.s32 $0x8000;
	s17 =	sadd.s32 $0xF4280, s30  }
0xc8: {  	[tilespmem:s23], [sflag:$0x1] =	stream.linear.gather [hbm4b:s17+s6], $0x400, $0x38;
	[tilespmem:$0x1E400] =	vst v63  }
.Ltmp2:
0xc9: {  	s7 =	sadd.s32 s2, s7;
	(pc) =	sbr.rel .LBB2_2-.Ltmp2, $4  }
0xca: {  	s25 =	simm.s32 $0xA000;
	s29 =	sadd.s32 s3, s14;
	s14 =	simm.s32 $0x0  }
0xcb: {  	[tilespmem:s25], [sflag:$0x1] =	stream.linear.gather [hbm4b:s7+s6], $0x400, $0x38;
	[tilespmem:$0x1E400] =	vst v63  }
0xcc: {  	s30 =	simm.s32 $0xC000;
	s19 =	simm.s32 $0x10;
	s17 =	simm.s32 $0x210  }
0xcd: {  	[tilespmem:s30], [sflag:$0x1] =	stream.linear.gather [hbm4b:s29+s6], $0x400, $0x38;
	[tilespmem:$0x1E400] =	vst v63  }
.LBB2_4:
0xce: {  	_ =	swait.ge [sflag:s13], $0x4000  }
0xcf: {  	[sflag:s13] =	ssyncset.done $0x0  }
0xd0: {  	[sflag:s13] =	ssyncadd.s32 $0xFFFFC000  }
0xd1: {  	_ =	swait.ge [sflag:s13], $0x4000  }
0xd2: {  	[sflag:s13] =	ssyncset.done $0x0  }
0xd3: {  	[sflag:s13] =	ssyncadd.s32 $0xFFFFC000  }
0xd4: {  	s23 =	sand.u32 $0x7F, s23;
	_ =	swait.ge [sflag:s13], $0x2000  }
0xd5: {  	s25 =	sadd.s32 $0x8, s14;
	v19 =	vor.u32 s23, v0;
	[sflag:s13] =	ssyncset.done $0x0  }
0xd6: {  	v20 =	vmov s25;
	[sflag:s13] =	ssyncadd.s32 $0xFFFFE000  }
0xd7: {  	v21 =	vshll.u32 v20, $0x3;
	_ =	swait.ge [sflag:s13], $0x2000  }
0xd8: {  	v20 =	vand.u32 $0x78, v20;
	v21 =	vand.u32 $0xC00, v21;
	[sflag:s13] =	ssyncset.done $0x0  }
0xd9: {  	v20 =	vor.u32 v20, v21;
	[sflag:s13] =	ssyncadd.s32 $0xFFFFE000  }
0xda: {  	s7 =	sand.u32 $0x7F, s7;
	v21 =	vor.u32 v2, v20;
	v19 =	vld.idx.msk [tilespmem:v19+s22+$0x0], $0xffff  }
0xdb: {  	v22 =	vor.u32 s7, v0;
	_ =	sdelay $0x3  }
0xdc: {  	[tilespmem:v21+s9+$0x0] =	vst.idx.msk $0xffff, v19  }
0xdd: {  	v19 =	vld.idx.msk [tilespmem:v22+s24+$0x0], $0xffff  }
0xde: {  	v59 =	vor.u32 s23, v1;
	_ =	sdelay $0x3  }
0xdf: {  	[tilespmem:v21+s10+$0x0] =	vst.idx.msk $0xffff, v19  }
0xe0: {  	v20 =	vor.u32 v1, v20;
	v19 =	vld.idx.msk [tilespmem:v59+s26+$0x0], $0xff  }
0xe1: {  	v60 =	vor.u32 s7, v1;
	_ =	sdelay $0x3  }
0xe2: {  	[tilespmem:v20+s11+$0x0] =	vst.idx.msk $0xff, v19;
	v19 =	vbroadcast v17, $0x9  }
0xe3: {  	v21 =	vld.idx.msk [tilespmem:v60+s28+$0x0], $0xff  }
0xe4: {  	s29 =	sadd.s32 $0x9, s14;
	v61 =	vor.u32 v3, v19  }
0xe5: {  	v23 =	vmov s29  }
0xe6: {  	v24 =	vshll.u32 v23, $0x3  }
0xe7: {  	v23 =	vand.u32 $0x79, v23;
	v24 =	vand.u32 $0xC00, v24  }
0xe8: {  	v63 =	vbroadcast v18, $0x9;
	v62 =	vor.u32 v23, v24;
	[tilespmem:v20+s12+$0x0] =	vst.idx.msk $0xff, v21  }
0xe9: {  	v23 =	vor.u32 v2, v62;
	v22 =	vld.idx.msk [tilespmem:v61+s22+$0x0], $0xffff  }
0xea: {  	v28 =	vor.u32 v3, v63;
	_ =	sdelay $0x3  }
0xeb: {  	[tilespmem:v23+s9+$0x0] =	vst.idx.msk $0xffff, v22  }
0xec: {  	v22 =	vld.idx.msk [tilespmem:v28+s24+$0x0], $0xffff  }
0xed: {  	v19 =	vor.u32 v4, v19;
	_ =	sdelay $0x3  }
0xee: {  	[tilespmem:v23+s10+$0x0] =	vst.idx.msk $0xffff, v22  }
0xef: {  	v20 =	vor.u32 v1, v62;
	v19 =	vld.idx.msk [tilespmem:v19+s26+$0x0], $0xff  }
0xf0: {  	v21 =	vor.u32 v4, v63;
	_ =	sdelay $0x3  }
0xf1: {  	[tilespmem:v20+s11+$0x0] =	vst.idx.msk $0xff, v19;
	v19 =	vbroadcast v17, $0xA  }
0xf2: {  	v21 =	vld.idx.msk [tilespmem:v21+s28+$0x0], $0xff  }
0xf3: {  	s30 =	sadd.s32 $0xA, s14;
	v29 =	vor.u32 v5, v19  }
0xf4: {  	v30 =	vmov s30  }
0xf5: {  	v31 =	vshll.u32 v30, $0x3  }
0xf6: {  	v24 =	vand.u32 $0xC00, v31;
	v23 =	vand.u32 $0x7A, v30  }
0xf7: {  	v33 =	vbroadcast v18, $0xA;
	v32 =	vor.u32 v23, v24;
	[tilespmem:v20+s12+$0x0] =	vst.idx.msk $0xff, v21  }
0xf8: {  	v23 =	vor.u32 v2, v32;
	v22 =	vld.idx.msk [tilespmem:v29+s22+$0x0], $0xffff  }
0xf9: {  	v34 =	vor.u32 v5, v33;
	_ =	sdelay $0x3  }
0xfa: {  	[tilespmem:v23+s9+$0x0] =	vst.idx.msk $0xffff, v22  }
0xfb: {  	v22 =	vld.idx.msk [tilespmem:v34+s24+$0x0], $0xffff  }
0xfc: {  	v19 =	vor.u32 v6, v19;
	_ =	sdelay $0x3  }
0xfd: {  	[tilespmem:v23+s10+$0x0] =	vst.idx.msk $0xffff, v22  }
0xfe: {  	v20 =	vor.u32 v1, v32;
	v19 =	vld.idx.msk [tilespmem:v19+s26+$0x0], $0xff  }
0xff: {  	v21 =	vor.u32 v6, v33;
	_ =	sdelay $0x3  }
0x100: {  	[tilespmem:v20+s11+$0x0] =	vst.idx.msk $0xff, v19;
	v19 =	vbroadcast v17, $0xB  }
0x101: {  	v21 =	vld.idx.msk [tilespmem:v21+s28+$0x0], $0xff  }
0x102: {  	s4 =	sadd.s32 $0xB, s14;
	v35 =	vor.u32 v7, v19  }
0x103: {  	v36 =	vmov s4  }
0x104: {  	v37 =	vshll.u32 v36, $0x3  }
0x105: {  	v24 =	vand.u32 $0xC00, v37;
	v23 =	vand.u32 $0x7B, v36  }
0x106: {  	v39 =	vbroadcast v18, $0xB;
	v38 =	vor.u32 v23, v24;
	[tilespmem:v20+s12+$0x0] =	vst.idx.msk $0xff, v21  }
0x107: {  	v23 =	vor.u32 v2, v38;
	v22 =	vld.idx.msk [tilespmem:v35+s22+$0x0], $0xffff  }
0x108: {  	v40 =	vor.u32 v7, v39;
	_ =	sdelay $0x3  }
0x109: {  	[tilespmem:v23+s9+$0x0] =	vst.idx.msk $0xffff, v22  }
0x10a: {  	v22 =	vld.idx.msk [tilespmem:v40+s24+$0x0], $0xffff  }
0x10b: {  	v19 =	vor.u32 v8, v19;
	_ =	sdelay $0x3  }
0x10c: {  	[tilespmem:v23+s10+$0x0] =	vst.idx.msk $0xffff, v22  }
0x10d: {  	v20 =	vor.u32 v1, v38;
	v19 =	vld.idx.msk [tilespmem:v19+s26+$0x0], $0xff  }
0x10e: {  	v21 =	vor.u32 v8, v39;
	_ =	sdelay $0x3  }
0x10f: {  	[tilespmem:v20+s11+$0x0] =	vst.idx.msk $0xff, v19;
	v19 =	vbroadcast v17, $0xC  }
0x110: {  	v21 =	vld.idx.msk [tilespmem:v21+s28+$0x0], $0xff  }
0x111: {  	s23 =	sadd.s32 $0xC, s14;
	v41 =	vor.u32 v9, v19  }
0x112: {  	v42 =	vmov s23  }
0x113: {  	v43 =	vshll.u32 v42, $0x3  }
0x114: {  	v24 =	vand.u32 $0xC00, v43;
	v23 =	vand.u32 $0x7C, v42  }
0x115: {  	v45 =	vbroadcast v18, $0xC;
	v44 =	vor.u32 v23, v24;
	[tilespmem:v20+s12+$0x0] =	vst.idx.msk $0xff, v21  }
0x116: {  	v23 =	vor.u32 v2, v44;
	v22 =	vld.idx.msk [tilespmem:v41+s22+$0x0], $0xffff  }
0x117: {  	v46 =	vor.u32 v9, v45;
	_ =	sdelay $0x3  }
0x118: {  	[tilespmem:v23+s9+$0x0] =	vst.idx.msk $0xffff, v22  }
0x119: {  	v22 =	vld.idx.msk [tilespmem:v46+s24+$0x0], $0xffff  }
0x11a: {  	v19 =	vor.u32 v10, v19;
	_ =	sdelay $0x3  }
0x11b: {  	[tilespmem:v23+s10+$0x0] =	vst.idx.msk $0xffff, v22  }
0x11c: {  	v20 =	vor.u32 v1, v44;
	v19 =	vld.idx.msk [tilespmem:v19+s26+$0x0], $0xff  }
0x11d: {  	v21 =	vor.u32 v10, v45;
	_ =	sdelay $0x3  }
0x11e: {  	[tilespmem:v20+s11+$0x0] =	vst.idx.msk $0xff, v19;
	v19 =	vbroadcast v17, $0xD  }
0x11f: {  	v21 =	vld.idx.msk [tilespmem:v21+s28+$0x0], $0xff  }
0x120: {  	s25 =	sadd.s32 $0xD, s14;
	v47 =	vor.u32 v11, v19  }
0x121: {  	v48 =	vmov s25  }
0x122: {  	v49 =	vshll.u32 v48, $0x3  }
0x123: {  	v24 =	vand.u32 $0xC00, v49;
	v23 =	vand.u32 $0x7D, v48  }
0x124: {  	v51 =	vbroadcast v18, $0xD;
	v50 =	vor.u32 v23, v24;
	[tilespmem:v20+s12+$0x0] =	vst.idx.msk $0xff, v21  }
0x125: {  	v23 =	vor.u32 v2, v50;
	v22 =	vld.idx.msk [tilespmem:v47+s22+$0x0], $0xffff  }
0x126: {  	v52 =	vor.u32 v11, v51;
	_ =	sdelay $0x3  }
0x127: {  	[tilespmem:v23+s9+$0x0] =	vst.idx.msk $0xffff, v22  }
0x128: {  	v22 =	vld.idx.msk [tilespmem:v52+s24+$0x0], $0xffff  }
0x129: {  	v19 =	vor.u32 v12, v19;
	_ =	sdelay $0x3  }
0x12a: {  	[tilespmem:v23+s10+$0x0] =	vst.idx.msk $0xffff, v22  }
0x12b: {  	v20 =	vor.u32 v1, v50;
	v19 =	vld.idx.msk [tilespmem:v19+s26+$0x0], $0xff  }
0x12c: {  	v21 =	vor.u32 v12, v51;
	_ =	sdelay $0x3  }
0x12d: {  	[tilespmem:v20+s11+$0x0] =	vst.idx.msk $0xff, v19;
	v19 =	vbroadcast v17, $0xE  }
0x12e: {  	v21 =	vld.idx.msk [tilespmem:v21+s28+$0x0], $0xff  }
0x12f: {  	s29 =	sadd.s32 $0xE, s14;
	v53 =	vor.u32 v13, v19  }
0x130: {  	v54 =	vmov s29  }
0x131: {  	v55 =	vshll.u32 v54, $0x3  }
0x132: {  	v24 =	vand.u32 $0xC00, v55;
	v23 =	vand.u32 $0x7E, v54  }
0x133: {  	v57 =	vbroadcast v18, $0xE;
	v56 =	vor.u32 v23, v24;
	[tilespmem:v20+s12+$0x0] =	vst.idx.msk $0xff, v21  }
0x134: {  	v23 =	vor.u32 v2, v56;
	v22 =	vld.idx.msk [tilespmem:v53+s22+$0x0], $0xffff  }
0x135: {  	v58 =	vor.u32 v13, v57;
	_ =	sdelay $0x3  }
0x136: {  	[tilespmem:v23+s9+$0x0] =	vst.idx.msk $0xffff, v22  }
0x137: {  	v22 =	vld.idx.msk [tilespmem:v58+s24+$0x0], $0xffff  }
0x138: {  	v19 =	vor.u32 v14, v19;
	_ =	sdelay $0x3  }
0x139: {  	[tilespmem:v23+s10+$0x0] =	vst.idx.msk $0xffff, v22  }
0x13a: {  	v20 =	vor.u32 v1, v56;
	v19 =	vld.idx.msk [tilespmem:v19+s26+$0x0], $0xff  }
0x13b: {  	v21 =	vor.u32 v14, v57;
	_ =	sdelay $0x3  }
0x13c: {  	v17 =	vbroadcast v17, $0xF;
	[tilespmem:v20+s11+$0x0] =	vst.idx.msk $0xff, v19  }
0x13d: {  	v19 =	vld.idx.msk [tilespmem:v21+s28+$0x0], $0xff  }
0x13e: {  	s30 =	sadd.s32 $0xF, s14;
	v59 =	vor.u32 v15, v17  }
0x13f: {  	v60 =	vmov s30  }
0x140: {  	v61 =	vshll.u32 v60, $0x3  }
0x141: {  	v22 =	vand.u32 $0x7F, v60;
	v23 =	vand.u32 $0xC00, v61  }
0x142: {  	v18 =	vbroadcast v18, $0xF;
	[tilespmem:v20+s12+$0x0] =	vst.idx.msk $0xff, v19;
	v19 =	vor.u32 v22, v23  }
0x143: {  	v20 =	vld.idx.msk [tilespmem:v59+s22+$0x0], $0xffff;
	v62 =	vor.u32 v2, v19  }
0x144: {  	v63 =	vor.u32 v15, v18;
	_ =	sdelay $0x3  }
0x145: {  	[tilespmem:v62+s9+$0x0] =	vst.idx.msk $0xffff, v20  }
0x146: {  	v20 =	vld.idx.msk [tilespmem:v63+s24+$0x0], $0xffff  }
0x147: {  	v17 =	vor.u32 v16, v17;
	_ =	sdelay $0x3  }
0x148: {  	[tilespmem:v62+s10+$0x0] =	vst.idx.msk $0xffff, v20  }
0x149: {  	v19 =	vor.u32 v1, v19;
	v17 =	vld.idx.msk [tilespmem:v17+s26+$0x0], $0xff  }
0x14a: {  	v18 =	vor.u32 v16, v18;
	_ =	sdelay $0x3  }
0x14b: {  	s14 =	sadd.s32 $0x10, s14;
	[tilespmem:v19+s11+$0x0] =	vst.idx.msk $0xff, v17  }
0x14c: {  	p0 =	sne.s32 s14, $0x200;
	v17 =	vld.idx.msk [tilespmem:v18+s28+$0x0], $0xff  }
.Ltmp3:
0x14d: {  	_ = 	snop;
	(pc) =	sbr.rel @!p0 .LBB2_5-.Ltmp3, $2  }
0x14e: {  	_ =	sdelay $0x2  }
0x14f: {  	s17 =	sadd.s32 $0x10, s17;
	s19 =	sadd.s32 $0x10, s19;
	[tilespmem:v19+s12+$0x0] =	vst.idx.msk $0xff, v17  }
.LBB2_2:
0x150: {  	v17 =	vld [tilespmem:s19+$0xFFFFFFF0];
	_ =	sdelay $0x4  }
0x151: {  	(v2sf) =	vpush v17, $0x8  }
0x152: {  	v18 =	vld [tilespmem:s17+$0xFFFFFFF0];
	_ =	sdelay $0x4  }
0x153: {  	(v2sf) =	vpush v18, $0x8;
	_ =	sdelay $0x8  }
0x154: {  	s23 =	spop (v2sf)  }
0x155: {  	(v2sf) =	vpush v17, $0x9;
	s25 =	sand.u32 $0xFFFFF80, s23  }
0x156: {  	s7 =	sadd.s32 s0, s25  }
0x157: {  	[tilespmem:s22], [sflag:$0x2] =	stream.linear.gather [hbm4b:s7+s6], $0x400, $0x38;
	[tilespmem:$0x1E400] =	vst v63  }
0x158: {  	s4 =	simm.s32 $0xE400;
	s7 =	sadd.s32 $0xF4280, s7  }
0x159: {  	[tilespmem:s4], [sflag:$0x2] =	stream.linear.gather [hbm4b:s7+s6], $0x400, $0x38;
	[tilespmem:$0x1E400] =	vst v63  }
0x15a: {  	s7 =	spop (v2sf)  }
0x15b: {  	(v2sf) =	vpush v18, $0x9;
	s29 =	sand.u32 $0xFFFFF80, s7  }
0x15c: {  	s30 =	sadd.s32 s1, s29  }
0x15d: {  	[tilespmem:s24], [sflag:$0x2] =	stream.linear.gather [hbm4b:s30+s6], $0x400, $0x38;
	[tilespmem:$0x1E400] =	vst v63  }
0x15e: {  	s4 =	simm.s32 $0x12400;
	s30 =	sadd.s32 $0xF4280, s30  }
0x15f: {  	[tilespmem:s4], [sflag:$0x2] =	stream.linear.gather [hbm4b:s30+s6], $0x400, $0x38;
	[tilespmem:$0x1E400] =	vst v63  }
0x160: {  	s25 =	sadd.s32 s2, s25  }
0x161: {  	[tilespmem:s26], [sflag:$0x2] =	stream.linear.gather [hbm4b:s25+s6], $0x400, $0x38;
	[tilespmem:$0x1E400] =	vst v63  }
0x162: {  	s4 =	sadd.s32 s3, s29  }
0x163: {  	[tilespmem:s28], [sflag:$0x2] =	stream.linear.gather [hbm4b:s4+s6], $0x400, $0x38;
	[tilespmem:$0x1E400] =	vst v63  }
0x164: {  	s29 =	spop (v2sf)  }
0x165: {  	(v2sf) =	vpush v17, $0xA;
	s25 =	sand.u32 $0xFFFFF80, s29  }
0x166: {  	s30 =	simm.s32 $0xC800;
	s29 =	sadd.s32 s0, s25  }
0x167: {  	[tilespmem:s30], [sflag:$0x2] =	stream.linear.gather [hbm4b:s29+s6], $0x400, $0x38;
	[tilespmem:$0x1E400] =	vst v63  }
0x168: {  	s29 =	sadd.s32 $0xF4280, s29;
	s30 =	simm.s32 $0xE800  }
0x169: {  	[tilespmem:s30], [sflag:$0x2] =	stream.linear.gather [hbm4b:s29+s6], $0x400, $0x38;
	[tilespmem:$0x1E400] =	vst v63  }
0x16a: {  	s4 =	spop (v2sf)  }
0x16b: {  	(v2sf) =	vpush v18, $0xA;
	s29 =	sand.u32 $0xFFFFF80, s4  }
0x16c: {  	s4 =	simm.s32 $0x10800;
	s30 =	sadd.s32 s1, s29  }
0x16d: {  	[tilespmem:s4], [sflag:$0x2] =	stream.linear.gather [hbm4b:s30+s6], $0x400, $0x38;
	[tilespmem:$0x1E400] =	vst v63  }
0x16e: {  	s30 =	sadd.s32 $0xF4280, s30;
	s4 =	simm.s32 $0x12800  }
0x16f: {  	[tilespmem:s4], [sflag:$0x2] =	stream.linear.gather [hbm4b:s30+s6], $0x400, $0x38;
	[tilespmem:$0x1E400] =	vst v63  }
0x170: {  	s25 =	sadd.s32 s2, s25;
	s30 =	simm.s32 $0x14800  }
0x171: {  	[tilespmem:s30], [sflag:$0x2] =	stream.linear.gather [hbm4b:s25+s6], $0x400, $0x38;
	[tilespmem:$0x1E400] =	vst v63  }
0x172: {  	s29 =	sadd.s32 s3, s29;
	s30 =	simm.s32 $0x16800  }
0x173: {  	[tilespmem:s30], [sflag:$0x2] =	stream.linear.gather [hbm4b:s29+s6], $0x400, $0x38;
	[tilespmem:$0x1E400] =	vst v63  }
0x174: {  	s29 =	spop (v2sf)  }
0x175: {  	(v2sf) =	vpush v17, $0xB;
	s25 =	sand.u32 $0xFFFFF80, s29  }
0x176: {  	s30 =	simm.s32 $0xCC00;
	s29 =	sadd.s32 s0, s25  }
0x177: {  	[tilespmem:s30], [sflag:$0x2] =	stream.linear.gather [hbm4b:s29+s6], $0x400, $0x38;
	[tilespmem:$0x1E400] =	vst v63  }
0x178: {  	s29 =	sadd.s32 $0xF4280, s29;
	s30 =	simm.s32 $0xEC00  }
0x179: {  	[tilespmem:s30], [sflag:$0x2] =	stream.linear.gather [hbm4b:s29+s6], $0x400, $0x38;
	[tilespmem:$0x1E400] =	vst v63  }
0x17a: {  	s4 =	spop (v2sf)  }
0x17b: {  	(v2sf) =	vpush v18, $0xB;
	s29 =	sand.u32 $0xFFFFF80, s4  }
0x17c: {  	s4 =	simm.s32 $0x10C00;
	s30 =	sadd.s32 s1, s29  }
0x17d: {  	[tilespmem:s4], [sflag:$0x2] =	stream.linear.gather [hbm4b:s30+s6], $0x400, $0x38;
	[tilespmem:$0x1E400] =	vst v63  }
0x17e: {  	s30 =	sadd.s32 $0xF4280, s30;
	s4 =	simm.s32 $0x12C00  }
0x17f: {  	[tilespmem:s4], [sflag:$0x2] =	stream.linear.gather [hbm4b:s30+s6], $0x400, $0x38;
	[tilespmem:$0x1E400] =	vst v63  }
0x180: {  	s25 =	sadd.s32 s2, s25;
	s30 =	simm.s32 $0x14C00  }
0x181: {  	[tilespmem:s30], [sflag:$0x2] =	stream.linear.gather [hbm4b:s25+s6], $0x400, $0x38;
	[tilespmem:$0x1E400] =	vst v63  }
0x182: {  	s29 =	sadd.s32 s3, s29;
	s30 =	simm.s32 $0x16C00  }
0x183: {  	[tilespmem:s30], [sflag:$0x2] =	stream.linear.gather [hbm4b:s29+s6], $0x400, $0x38;
	[tilespmem:$0x1E400] =	vst v63  }
0x184: {  	s29 =	spop (v2sf)  }
0x185: {  	(v2sf) =	vpush v17, $0xC;
	s25 =	sand.u32 $0xFFFFF80, s29  }
0x186: {  	s30 =	simm.s32 $0xD000;
	s29 =	sadd.s32 s0, s25  }
0x187: {  	[tilespmem:s30], [sflag:$0x2] =	stream.linear.gather [hbm4b:s29+s6], $0x400, $0x38;
	[tilespmem:$0x1E400] =	vst v63  }
0x188: {  	s29 =	sadd.s32 $0xF4280, s29;
	s30 =	simm.s32 $0xF000  }
0x189: {  	[tilespmem:s30], [sflag:$0x2] =	stream.linear.gather [hbm4b:s29+s6], $0x400, $0x38;
	[tilespmem:$0x1E400] =	vst v63  }
0x18a: {  	s4 =	spop (v2sf)  }
0x18b: {  	(v2sf) =	vpush v18, $0xC;
	s29 =	sand.u32 $0xFFFFF80, s4  }
0x18c: {  	s4 =	simm.s32 $0x11000;
	s30 =	sadd.s32 s1, s29  }
0x18d: {  	[tilespmem:s4], [sflag:$0x2] =	stream.linear.gather [hbm4b:s30+s6], $0x400, $0x38;
	[tilespmem:$0x1E400] =	vst v63  }
0x18e: {  	s30 =	sadd.s32 $0xF4280, s30;
	s4 =	simm.s32 $0x13000  }
0x18f: {  	[tilespmem:s4], [sflag:$0x2] =	stream.linear.gather [hbm4b:s30+s6], $0x400, $0x38;
	[tilespmem:$0x1E400] =	vst v63  }
0x190: {  	s25 =	sadd.s32 s2, s25;
	s30 =	simm.s32 $0x15000  }
0x191: {  	[tilespmem:s30], [sflag:$0x2] =	stream.linear.gather [hbm4b:s25+s6], $0x400, $0x38;
	[tilespmem:$0x1E400] =	vst v63  }
0x192: {  	s29 =	sadd.s32 s3, s29;
	s30 =	simm.s32 $0x17000  }
0x193: {  	[tilespmem:s30], [sflag:$0x2] =	stream.linear.gather [hbm4b:s29+s6], $0x400, $0x38;
	[tilespmem:$0x1E400] =	vst v63  }
0x194: {  	s29 =	spop (v2sf)  }
0x195: {  	(v2sf) =	vpush v17, $0xD;
	s25 =	sand.u32 $0xFFFFF80, s29  }
0x196: {  	s30 =	simm.s32 $0xD400;
	s29 =	sadd.s32 s0, s25  }
0x197: {  	[tilespmem:s30], [sflag:$0x2] =	stream.linear.gather [hbm4b:s29+s6], $0x400, $0x38;
	[tilespmem:$0x1E400] =	vst v63  }
0x198: {  	s29 =	sadd.s32 $0xF4280, s29;
	s30 =	simm.s32 $0xF400  }
0x199: {  	[tilespmem:s30], [sflag:$0x2] =	stream.linear.gather [hbm4b:s29+s6], $0x400, $0x38;
	[tilespmem:$0x1E400] =	vst v63  }
0x19a: {  	s4 =	spop (v2sf)  }
0x19b: {  	(v2sf) =	vpush v18, $0xD;
	s29 =	sand.u32 $0xFFFFF80, s4  }
0x19c: {  	s4 =	simm.s32 $0x11400;
	s30 =	sadd.s32 s1, s29  }
0x19d: {  	[tilespmem:s4], [sflag:$0x2] =	stream.linear.gather [hbm4b:s30+s6], $0x400, $0x38;
	[tilespmem:$0x1E400] =	vst v63  }
0x19e: {  	s30 =	sadd.s32 $0xF4280, s30;
	s4 =	simm.s32 $0x13400  }
0x19f: {  	[tilespmem:s4], [sflag:$0x2] =	stream.linear.gather [hbm4b:s30+s6], $0x400, $0x38;
	[tilespmem:$0x1E400] =	vst v63  }
0x1a0: {  	s25 =	sadd.s32 s2, s25;
	s30 =	simm.s32 $0x15400  }
0x1a1: {  	[tilespmem:s30], [sflag:$0x2] =	stream.linear.gather [hbm4b:s25+s6], $0x400, $0x38;
	[tilespmem:$0x1E400] =	vst v63  }
0x1a2: {  	s29 =	sadd.s32 s3, s29;
	s30 =	simm.s32 $0x17400  }
0x1a3: {  	[tilespmem:s30], [sflag:$0x2] =	stream.linear.gather [hbm4b:s29+s6], $0x400, $0x38;
	[tilespmem:$0x1E400] =	vst v63  }
0x1a4: {  	s29 =	spop (v2sf)  }
0x1a5: {  	(v2sf) =	vpush v17, $0xE;
	s25 =	sand.u32 $0xFFFFF80, s29  }
0x1a6: {  	s30 =	simm.s32 $0xD800;
	s29 =	sadd.s32 s0, s25  }
0x1a7: {  	[tilespmem:s30], [sflag:$0x2] =	stream.linear.gather [hbm4b:s29+s6], $0x400, $0x38;
	[tilespmem:$0x1E400] =	vst v63  }
0x1a8: {  	s29 =	sadd.s32 $0xF4280, s29;
	s30 =	simm.s32 $0xF800  }
0x1a9: {  	[tilespmem:s30], [sflag:$0x2] =	stream.linear.gather [hbm4b:s29+s6], $0x400, $0x38;
	[tilespmem:$0x1E400] =	vst v63  }
0x1aa: {  	s4 =	spop (v2sf)  }
0x1ab: {  	(v2sf) =	vpush v18, $0xE;
	s29 =	sand.u32 $0xFFFFF80, s4  }
0x1ac: {  	s4 =	simm.s32 $0x11800;
	s30 =	sadd.s32 s1, s29  }
0x1ad: {  	[tilespmem:s4], [sflag:$0x2] =	stream.linear.gather [hbm4b:s30+s6], $0x400, $0x38;
	[tilespmem:$0x1E400] =	vst v63  }
0x1ae: {  	s30 =	sadd.s32 $0xF4280, s30;
	s4 =	simm.s32 $0x13800  }
0x1af: {  	[tilespmem:s4], [sflag:$0x2] =	stream.linear.gather [hbm4b:s30+s6], $0x400, $0x38;
	[tilespmem:$0x1E400] =	vst v63  }
0x1b0: {  	s25 =	sadd.s32 s2, s25;
	s30 =	simm.s32 $0x15800  }
0x1b1: {  	[tilespmem:s30], [sflag:$0x2] =	stream.linear.gather [hbm4b:s25+s6], $0x400, $0x38;
	[tilespmem:$0x1E400] =	vst v63  }
0x1b2: {  	s29 =	sadd.s32 s3, s29;
	s30 =	simm.s32 $0x17800  }
0x1b3: {  	[tilespmem:s30], [sflag:$0x2] =	stream.linear.gather [hbm4b:s29+s6], $0x400, $0x38;
	[tilespmem:$0x1E400] =	vst v63  }
0x1b4: {  	s29 =	spop (v2sf)  }
0x1b5: {  	(v2sf) =	vpush v17, $0xF;
	s25 =	sand.u32 $0xFFFFF80, s29  }
0x1b6: {  	s30 =	simm.s32 $0xDC00;
	s29 =	sadd.s32 s0, s25  }
0x1b7: {  	[tilespmem:s30], [sflag:$0x2] =	stream.linear.gather [hbm4b:s29+s6], $0x400, $0x38;
	[tilespmem:$0x1E400] =	vst v63  }
0x1b8: {  	s29 =	sadd.s32 $0xF4280, s29;
	s30 =	simm.s32 $0xFC00  }
0x1b9: {  	[tilespmem:s30], [sflag:$0x2] =	stream.linear.gather [hbm4b:s29+s6], $0x400, $0x38;
	[tilespmem:$0x1E400] =	vst v63  }
0x1ba: {  	s4 =	spop (v2sf)  }
0x1bb: {  	(v2sf) =	vpush v18, $0xF;
	s29 =	sand.u32 $0xFFFFF80, s4  }
0x1bc: {  	s4 =	simm.s32 $0x11C00;
	s30 =	sadd.s32 s1, s29  }
0x1bd: {  	[tilespmem:s4], [sflag:$0x2] =	stream.linear.gather [hbm4b:s30+s6], $0x400, $0x38;
	[tilespmem:$0x1E400] =	vst v63  }
0x1be: {  	s30 =	sadd.s32 $0xF4280, s30;
	s4 =	simm.s32 $0x13C00  }
0x1bf: {  	[tilespmem:s4], [sflag:$0x2] =	stream.linear.gather [hbm4b:s30+s6], $0x400, $0x38;
	[tilespmem:$0x1E400] =	vst v63  }
0x1c0: {  	s25 =	sadd.s32 s2, s25;
	s30 =	simm.s32 $0x15C00  }
0x1c1: {  	[tilespmem:s30], [sflag:$0x2] =	stream.linear.gather [hbm4b:s25+s6], $0x400, $0x38;
	[tilespmem:$0x1E400] =	vst v63  }
0x1c2: {  	s29 =	sadd.s32 s3, s29;
	s30 =	simm.s32 $0x17C00  }
0x1c3: {  	[tilespmem:s30], [sflag:$0x2] =	stream.linear.gather [hbm4b:s29+s6], $0x400, $0x38;
	[tilespmem:$0x1E400] =	vst v63  }
0x1c4: {  	s29 =	spop (v2sf)  }
0x1c5: {  	s25 =	sand.u32 $0xFFFFF80, s29  }
0x1c6: {  	s30 =	simm.s32 $0xE000;
	s29 =	sadd.s32 s0, s25  }
0x1c7: {  	[tilespmem:s30], [sflag:$0x2] =	stream.linear.gather [hbm4b:s29+s6], $0x400, $0x38;
	[tilespmem:$0x1E400] =	vst v63  }
0x1c8: {  	s29 =	sadd.s32 $0xF4280, s29;
	s30 =	simm.s32 $0x10000  }
0x1c9: {  	[tilespmem:s30], [sflag:$0x2] =	stream.linear.gather [hbm4b:s29+s6], $0x400, $0x38;
	[tilespmem:$0x1E400] =	vst v63  }
0x1ca: {  	s4 =	spop (v2sf)  }
0x1cb: {  	s29 =	sand.u32 $0xFFFFF80, s4  }
0x1cc: {  	s4 =	simm.s32 $0x12000;
	s30 =	sadd.s32 s1, s29  }
0x1cd: {  	[tilespmem:s4], [sflag:$0x2] =	stream.linear.gather [hbm4b:s30+s6], $0x400, $0x38;
	[tilespmem:$0x1E400] =	vst v63  }
0x1ce: {  	s30 =	sadd.s32 $0xF4280, s30;
	s4 =	simm.s32 $0x14000  }
0x1cf: {  	[tilespmem:s4], [sflag:$0x2] =	stream.linear.gather [hbm4b:s30+s6], $0x400, $0x38;
	[tilespmem:$0x1E400] =	vst v63  }
0x1d0: {  	s25 =	sadd.s32 s2, s25  }
0x1d1: {  	[tilespmem:s5], [sflag:$0x2] =	stream.linear.gather [hbm4b:s25+s6], $0x400, $0x38;
	[tilespmem:$0x1E400] =	vst v63  }
0x1d2: {  	s29 =	sadd.s32 s3, s29  }
0x1d3: {  	[tilespmem:s15], [sflag:$0x2] =	stream.linear.gather [hbm4b:s29+s6], $0x400, $0x38;
	[tilespmem:$0x1E400] =	vst v63  }
0x1d4: {  	_ =	swait.ge [sflag:s8], $0x4000  }
0x1d5: {  	[sflag:s8] =	ssyncset.done $0x0  }
0x1d6: {  	[sflag:s8] =	ssyncadd.s32 $0xFFFFC000  }
0x1d7: {  	_ =	swait.ge [sflag:s8], $0x4000  }
0x1d8: {  	[sflag:s8] =	ssyncset.done $0x0  }
0x1d9: {  	[sflag:s8] =	ssyncadd.s32 $0xFFFFC000  }
0x1da: {  	_ =	swait.ge [sflag:s8], $0x2000  }
0x1db: {  	[sflag:s8] =	ssyncset.done $0x0  }
0x1dc: {  	[sflag:s8] =	ssyncadd.s32 $0xFFFFE000  }
0x1dd: {  	_ =	swait.ge [sflag:s8], $0x2000  }
0x1de: {  	(v2sf) =	vpush v17, $0x0;
	_ =	sdelay $0x5  }
0x1df: {  	(v2sf) =	vpush v18, $0x0;
	_ =	sdelay $0x8  }
0x1e0: {  	s30 =	spop (v2sf)  }
0x1e1: {  	s25 =	sand.u32 $0x7F, s30  }
0x1e2: {  	v19 =	vor.u32 s25, v0  }
0x1e3: {  	v20 =	vmov s14  }
0x1e4: {  	v21 =	vshll.u32 v20, $0x3  }
0x1e5: {  	v20 =	vand.u32 $0x70, v20;
	v21 =	vand.u32 $0xC00, v21;
	[sflag:s8] =	ssyncset.done $0x0  }
0x1e6: {  	v20 =	vor.u32 v20, v21;
	[sflag:s8] =	ssyncadd.s32 $0xFFFFE000;
	s4 =	spop (v2sf)  }
0x1e7: {  	v21 =	vor.u32 v2, v20;
	s29 =	sand.u32 $0x7F, s4;
	v19 =	vld.idx.msk [tilespmem:v19+s16+$0x0], $0xffff  }
0x1e8: {  	v22 =	vor.u32 s29, v0;
	_ =	sdelay $0x3  }
0x1e9: {  	[tilespmem:v21+s9+$0x0] =	vst.idx.msk $0xffff, v19  }
0x1ea: {  	v19 =	vld.idx.msk [tilespmem:v22+s18+$0x0], $0xffff  }
0x1eb: {  	v29 =	vor.u32 s25, v1;
	_ =	sdelay $0x3  }
0x1ec: {  	[tilespmem:v21+s10+$0x0] =	vst.idx.msk $0xffff, v19  }
0x1ed: {  	v20 =	vor.u32 v1, v20;
	v19 =	vld.idx.msk [tilespmem:v29+s20+$0x0], $0xff  }
0x1ee: {  	v30 =	vor.u32 s29, v1;
	_ =	sdelay $0x2  }
0x1ef: {  	v17 =	vand.u32 $0x7F, v17  }
0x1f0: {  	[tilespmem:v20+s11+$0x0] =	vst.idx.msk $0xff, v19;
	v19 =	vbroadcast v17, $0x1  }
0x1f1: {  	v21 =	vld.idx.msk [tilespmem:v30+s21+$0x0], $0xff  }
0x1f2: {  	s30 =	sadd.s32 $0x1, s14;
	v31 =	vor.u32 v3, v19  }
0x1f3: {  	v23 =	vmov s30  }
0x1f4: {  	v24 =	vshll.u32 v23, $0x3  }
0x1f5: {  	v18 =	vand.u32 $0x7F, v18;
	v23 =	vand.u32 $0x71, v23;
	v24 =	vand.u32 $0xC00, v24  }
0x1f6: {  	v32 =	vbroadcast v18, $0x1;
	[tilespmem:v20+s12+$0x0] =	vst.idx.msk $0xff, v21;
	v20 =	vor.u32 v23, v24  }
0x1f7: {  	v22 =	vld.idx.msk [tilespmem:v31+s16+$0x0], $0xffff;
	v23 =	vor.u32 v2, v20  }
0x1f8: {  	v33 =	vor.u32 v3, v32;
	_ =	sdelay $0x3  }
0x1f9: {  	[tilespmem:v23+s9+$0x0] =	vst.idx.msk $0xffff, v22  }
0x1fa: {  	v22 =	vld.idx.msk [tilespmem:v33+s18+$0x0], $0xffff  }
0x1fb: {  	v19 =	vor.u32 v4, v19;
	_ =	sdelay $0x3  }
0x1fc: {  	[tilespmem:v23+s10+$0x0] =	vst.idx.msk $0xffff, v22  }
0x1fd: {  	v20 =	vor.u32 v1, v20;
	v19 =	vld.idx.msk [tilespmem:v19+s20+$0x0], $0xff  }
0x1fe: {  	v21 =	vor.u32 v4, v32;
	_ =	sdelay $0x3  }
0x1ff: {  	[tilespmem:v20+s11+$0x0] =	vst.idx.msk $0xff, v19;
	v19 =	vbroadcast v17, $0x2  }
0x200: {  	v21 =	vld.idx.msk [tilespmem:v21+s21+$0x0], $0xff  }
0x201: {  	s4 =	sadd.s32 $0x2, s14;
	v34 =	vor.u32 v5, v19  }
0x202: {  	v35 =	vmov s4  }
0x203: {  	v36 =	vshll.u32 v35, $0x3  }
0x204: {  	v24 =	vand.u32 $0xC00, v36;
	v23 =	vand.u32 $0x72, v35  }
0x205: {  	v37 =	vbroadcast v18, $0x2;
	[tilespmem:v20+s12+$0x0] =	vst.idx.msk $0xff, v21;
	v20 =	vor.u32 v23, v24  }
0x206: {  	v22 =	vld.idx.msk [tilespmem:v34+s16+$0x0], $0xffff;
	v23 =	vor.u32 v2, v20  }
0x207: {  	v38 =	vor.u32 v5, v37;
	_ =	sdelay $0x3  }
0x208: {  	[tilespmem:v23+s9+$0x0] =	vst.idx.msk $0xffff, v22  }
0x209: {  	v22 =	vld.idx.msk [tilespmem:v38+s18+$0x0], $0xffff  }
0x20a: {  	v19 =	vor.u32 v6, v19;
	_ =	sdelay $0x3  }
0x20b: {  	[tilespmem:v23+s10+$0x0] =	vst.idx.msk $0xffff, v22  }
0x20c: {  	v20 =	vor.u32 v1, v20;
	v19 =	vld.idx.msk [tilespmem:v19+s20+$0x0], $0xff  }
0x20d: {  	v21 =	vor.u32 v6, v37;
	_ =	sdelay $0x3  }
0x20e: {  	[tilespmem:v20+s11+$0x0] =	vst.idx.msk $0xff, v19;
	v19 =	vbroadcast v17, $0x3  }
0x20f: {  	v21 =	vld.idx.msk [tilespmem:v21+s21+$0x0], $0xff  }
0x210: {  	s29 =	sadd.s32 $0x3, s14;
	v39 =	vor.u32 v7, v19  }
0x211: {  	v40 =	vmov s29  }
0x212: {  	v41 =	vshll.u32 v40, $0x3  }
0x213: {  	v24 =	vand.u32 $0xC00, v41;
	v23 =	vand.u32 $0x73, v40  }
0x214: {  	v42 =	vbroadcast v18, $0x3;
	[tilespmem:v20+s12+$0x0] =	vst.idx.msk $0xff, v21;
	v20 =	vor.u32 v23, v24  }
0x215: {  	v22 =	vld.idx.msk [tilespmem:v39+s16+$0x0], $0xffff;
	v23 =	vor.u32 v2, v20  }
0x216: {  	v43 =	vor.u32 v7, v42;
	_ =	sdelay $0x3  }
0x217: {  	[tilespmem:v23+s9+$0x0] =	vst.idx.msk $0xffff, v22  }
0x218: {  	v22 =	vld.idx.msk [tilespmem:v43+s18+$0x0], $0xffff  }
0x219: {  	v19 =	vor.u32 v8, v19;
	_ =	sdelay $0x3  }
0x21a: {  	[tilespmem:v23+s10+$0x0] =	vst.idx.msk $0xffff, v22  }
0x21b: {  	v20 =	vor.u32 v1, v20;
	v19 =	vld.idx.msk [tilespmem:v19+s20+$0x0], $0xff  }
0x21c: {  	v21 =	vor.u32 v8, v42;
	_ =	sdelay $0x3  }
0x21d: {  	[tilespmem:v20+s11+$0x0] =	vst.idx.msk $0xff, v19;
	v19 =	vbroadcast v17, $0x4  }
0x21e: {  	v21 =	vld.idx.msk [tilespmem:v21+s21+$0x0], $0xff  }
0x21f: {  	s30 =	sadd.s32 $0x4, s14;
	v44 =	vor.u32 v9, v19  }
0x220: {  	v45 =	vmov s30  }
0x221: {  	v46 =	vshll.u32 v45, $0x3  }
0x222: {  	v24 =	vand.u32 $0xC00, v46;
	v23 =	vand.u32 $0x74, v45  }
0x223: {  	v47 =	vbroadcast v18, $0x4;
	[tilespmem:v20+s12+$0x0] =	vst.idx.msk $0xff, v21;
	v20 =	vor.u32 v23, v24  }
0x224: {  	v22 =	vld.idx.msk [tilespmem:v44+s16+$0x0], $0xffff;
	v23 =	vor.u32 v2, v20  }
0x225: {  	v48 =	vor.u32 v9, v47;
	_ =	sdelay $0x3  }
0x226: {  	[tilespmem:v23+s9+$0x0] =	vst.idx.msk $0xffff, v22  }
0x227: {  	v22 =	vld.idx.msk [tilespmem:v48+s18+$0x0], $0xffff  }
0x228: {  	v19 =	vor.u32 v10, v19;
	_ =	sdelay $0x3  }
0x229: {  	[tilespmem:v23+s10+$0x0] =	vst.idx.msk $0xffff, v22  }
0x22a: {  	v20 =	vor.u32 v1, v20;
	v19 =	vld.idx.msk [tilespmem:v19+s20+$0x0], $0xff  }
0x22b: {  	v21 =	vor.u32 v10, v47;
	_ =	sdelay $0x3  }
0x22c: {  	[tilespmem:v20+s11+$0x0] =	vst.idx.msk $0xff, v19;
	v19 =	vbroadcast v17, $0x5  }
0x22d: {  	v21 =	vld.idx.msk [tilespmem:v21+s21+$0x0], $0xff  }
0x22e: {  	s4 =	sadd.s32 $0x5, s14;
	v49 =	vor.u32 v11, v19  }
0x22f: {  	v50 =	vmov s4  }
0x230: {  	v51 =	vshll.u32 v50, $0x3  }
0x231: {  	v24 =	vand.u32 $0xC00, v51;
	v23 =	vand.u32 $0x75, v50  }
0x232: {  	v52 =	vbroadcast v18, $0x5;
	[tilespmem:v20+s12+$0x0] =	vst.idx.msk $0xff, v21;
	v20 =	vor.u32 v23, v24  }
0x233: {  	v22 =	vld.idx.msk [tilespmem:v49+s16+$0x0], $0xffff;
	v23 =	vor.u32 v2, v20  }
0x234: {  	v53 =	vor.u32 v11, v52;
	_ =	sdelay $0x3  }
0x235: {  	[tilespmem:v23+s9+$0x0] =	vst.idx.msk $0xffff, v22  }
0x236: {  	v22 =	vld.idx.msk [tilespmem:v53+s18+$0x0], $0xffff  }
0x237: {  	v19 =	vor.u32 v12, v19;
	_ =	sdelay $0x3  }
0x238: {  	[tilespmem:v23+s10+$0x0] =	vst.idx.msk $0xffff, v22  }
0x239: {  	v20 =	vor.u32 v1, v20;
	v19 =	vld.idx.msk [tilespmem:v19+s20+$0x0], $0xff  }
0x23a: {  	v21 =	vor.u32 v12, v52;
	_ =	sdelay $0x3  }
0x23b: {  	[tilespmem:v20+s11+$0x0] =	vst.idx.msk $0xff, v19;
	v19 =	vbroadcast v17, $0x6  }
0x23c: {  	v21 =	vld.idx.msk [tilespmem:v21+s21+$0x0], $0xff  }
0x23d: {  	s29 =	sadd.s32 $0x6, s14;
	v54 =	vor.u32 v13, v19  }
0x23e: {  	v55 =	vmov s29  }
0x23f: {  	v56 =	vshll.u32 v55, $0x3  }
0x240: {  	v24 =	vand.u32 $0xC00, v56;
	v23 =	vand.u32 $0x76, v55  }
0x241: {  	v57 =	vbroadcast v18, $0x6;
	[tilespmem:v20+s12+$0x0] =	vst.idx.msk $0xff, v21;
	v20 =	vor.u32 v23, v24  }
0x242: {  	v22 =	vld.idx.msk [tilespmem:v54+s16+$0x0], $0xffff;
	v23 =	vor.u32 v2, v20  }
0x243: {  	v58 =	vor.u32 v13, v57;
	_ =	sdelay $0x3  }
0x244: {  	[tilespmem:v23+s9+$0x0] =	vst.idx.msk $0xffff, v22  }
0x245: {  	v22 =	vld.idx.msk [tilespmem:v58+s18+$0x0], $0xffff  }
0x246: {  	v19 =	vor.u32 v14, v19;
	_ =	sdelay $0x3  }
0x247: {  	[tilespmem:v23+s10+$0x0] =	vst.idx.msk $0xffff, v22  }
0x248: {  	v20 =	vor.u32 v1, v20;
	v19 =	vld.idx.msk [tilespmem:v19+s20+$0x0], $0xff  }
0x249: {  	v21 =	vor.u32 v14, v57;
	_ =	sdelay $0x3  }
0x24a: {  	[tilespmem:v20+s11+$0x0] =	vst.idx.msk $0xff, v19;
	v19 =	vbroadcast v17, $0x7  }
0x24b: {  	v21 =	vld.idx.msk [tilespmem:v21+s21+$0x0], $0xff  }
0x24c: {  	s30 =	sadd.s32 $0x7, s14;
	v59 =	vor.u32 v15, v19  }
0x24d: {  	v60 =	vmov s30  }
0x24e: {  	v61 =	vshll.u32 v60, $0x3  }
0x24f: {  	v24 =	vand.u32 $0xC00, v61;
	v23 =	vand.u32 $0x77, v60  }
0x250: {  	v62 =	vbroadcast v18, $0x7;
	[tilespmem:v20+s12+$0x0] =	vst.idx.msk $0xff, v21;
	v20 =	vor.u32 v23, v24  }
0x251: {  	v22 =	vld.idx.msk [tilespmem:v59+s16+$0x0], $0xffff;
	v23 =	vor.u32 v2, v20  }
0x252: {  	v63 =	vor.u32 v15, v62;
	_ =	sdelay $0x3  }
0x253: {  	[tilespmem:v23+s9+$0x0] =	vst.idx.msk $0xffff, v22  }
0x254: {  	v22 =	vld.idx.msk [tilespmem:v63+s18+$0x0], $0xffff  }
0x255: {  	v19 =	vor.u32 v16, v19;
	_ =	sdelay $0x3  }
0x256: {  	[tilespmem:v23+s10+$0x0] =	vst.idx.msk $0xffff, v22  }
0x257: {  	v20 =	vor.u32 v1, v20;
	v19 =	vld.idx.msk [tilespmem:v19+s20+$0x0], $0xff  }
0x258: {  	v21 =	vor.u32 v16, v62;
	_ =	sdelay $0x3  }
0x259: {  	[tilespmem:v20+s11+$0x0] =	vst.idx.msk $0xff, v19  }
0x25a: {  	p0 =	seq.s32 s14, $0x1F0;
	v19 =	vld.idx.msk [tilespmem:v21+s21+$0x0], $0xff  }
.Ltmp4:
0x25b: {  	_ = 	snop;
	(pc) =	sbr.rel @p0 .LBB2_4-.Ltmp4, $2  }
0x25c: {  	_ =	sdelay $0x2  }
0x25d: {  	[tilespmem:v20+s12+$0x0] =	vst.idx.msk $0xff, v19  }
0x25e: {  	v19 =	vld [tilespmem:s19+$0x0];
	_ =	sdelay $0x4  }
0x25f: {  	(v2sf) =	vpush v19, $0x0  }
0x260: {  	v20 =	vld [tilespmem:s17+$0x0];
	_ =	sdelay $0x4  }
0x261: {  	(v2sf) =	vpush v20, $0x0;
	_ =	sdelay $0x5  }
0x262: {  	(v2sf) =	vpush v19, $0x1;
	_ =	sdelay $0x2  }
0x263: {  	s25 =	spop (v2sf)  }
0x264: {  	s25 =	sand.u32 $0xFFFFF80, s25  }
0x265: {  	s29 =	sadd.s32 s0, s25  }
0x266: {  	(v2sf) =	vpush v20, $0x1;
	[tilespmem:s16], [sflag:$0x1] =	stream.linear.gather [hbm4b:s29+s6], $0x400, $0x38;
	[tilespmem:$0x1E400] =	vst v63  }
0x267: {  	s30 =	simm.s32 $0x2400;
	s29 =	sadd.s32 $0xF4280, s29  }
0x268: {  	[tilespmem:s30], [sflag:$0x1] =	stream.linear.gather [hbm4b:s29+s6], $0x400, $0x38;
	[tilespmem:$0x1E400] =	vst v63  }
0x269: {  	s30 =	spop (v2sf)  }
0x26a: {  	s29 =	sand.u32 $0xFFFFF80, s30  }
0x26b: {  	s4 =	sadd.s32 s1, s29  }
0x26c: {  	[tilespmem:s18], [sflag:$0x1] =	stream.linear.gather [hbm4b:s4+s6], $0x400, $0x38;
	[tilespmem:$0x1E400] =	vst v63  }
0x26d: {  	s31 =	simm.s32 $0x6400;
	s30 =	sadd.s32 $0xF4280, s4  }
0x26e: {  	[tilespmem:s31], [sflag:$0x1] =	stream.linear.gather [hbm4b:s30+s6], $0x400, $0x38;
	[tilespmem:$0x1E400] =	vst v63  }
0x26f: {  	s25 =	sadd.s32 s2, s25;
	(v2sf) =	vpush v19, $0x2;
	s30 =	spop (v2sf)  }
0x270: {  	[tilespmem:s20], [sflag:$0x1] =	stream.linear.gather [hbm4b:s25+s6], $0x400, $0x38;
	[tilespmem:$0x1E400] =	vst v63  }
0x271: {  	s4 =	sadd.s32 s3, s29;
	s25 =	sand.u32 $0xFFFFF80, s30  }
0x272: {  	[tilespmem:s21], [sflag:$0x1] =	stream.linear.gather [hbm4b:s4+s6], $0x400, $0x38;
	[tilespmem:$0x1E400] =	vst v63  }
0x273: {  	s29 =	sadd.s32 s0, s25;
	s4 =	simm.s32 $0x800  }
0x274: {  	[tilespmem:s4], [sflag:$0x1] =	stream.linear.gather [hbm4b:s29+s6], $0x400, $0x38;
	[tilespmem:$0x1E400] =	vst v63  }
0x275: {  	s30 =	spop (v2sf);
	s29 =	sadd.s32 $0xF4280, s29;
	s4 =	simm.s32 $0x2800  }
0x276: {  	(v2sf) =	vpush v20, $0x2;
	[tilespmem:s4], [sflag:$0x1] =	stream.linear.gather [hbm4b:s29+s6], $0x400, $0x38;
	[tilespmem:$0x1E400] =	vst v63  }
0x277: {  	s29 =	sand.u32 $0xFFFFF80, s30  }
0x278: {  	s31 =	simm.s32 $0x4800;
	s4 =	sadd.s32 s1, s29  }
0x279: {  	[tilespmem:s31], [sflag:$0x1] =	stream.linear.gather [hbm4b:s4+s6], $0x400, $0x38;
	[tilespmem:$0x1E400] =	vst v63  }
0x27a: {  	s30 =	sadd.s32 $0xF4280, s4;
	s31 =	simm.s32 $0x6800  }
0x27b: {  	[tilespmem:s31], [sflag:$0x1] =	stream.linear.gather [hbm4b:s30+s6], $0x400, $0x38;
	[tilespmem:$0x1E400] =	vst v63  }
0x27c: {  	s25 =	sadd.s32 s2, s25;
	s4 =	simm.s32 $0x8800  }
0x27d: {  	[tilespmem:s4], [sflag:$0x1] =	stream.linear.gather [hbm4b:s25+s6], $0x400, $0x38;
	[tilespmem:$0x1E400] =	vst v63  }
0x27e: {  	s25 =	sadd.s32 s3, s29;
	s29 =	spop (v2sf);
	(v2sf) =	vpush v19, $0x3;
	s4 =	simm.s32 $0xA800  }
0x27f: {  	[tilespmem:s4], [sflag:$0x1] =	stream.linear.gather [hbm4b:s25+s6], $0x400, $0x38;
	[tilespmem:$0x1E400] =	vst v63  }
0x280: {  	s25 =	sand.u32 $0xFFFFF80, s29  }
0x281: {  	s4 =	simm.s32 $0xC00;
	s29 =	sadd.s32 s0, s25  }
0x282: {  	[tilespmem:s4], [sflag:$0x1] =	stream.linear.gather [hbm4b:s29+s6], $0x400, $0x38;
	[tilespmem:$0x1E400] =	vst v63  }
0x283: {  	s29 =	sadd.s32 $0xF4280, s29;
	s4 =	simm.s32 $0x2C00  }
0x284: {  	[tilespmem:s4], [sflag:$0x1] =	stream.linear.gather [hbm4b:s29+s6], $0x400, $0x38;
	[tilespmem:$0x1E400] =	vst v63  }
0x285: {  	s30 =	spop (v2sf);
	(v2sf) =	vpush v20, $0x3  }
0x286: {  	s29 =	sand.u32 $0xFFFFF80, s30  }
0x287: {  	s31 =	simm.s32 $0x4C00;
	s4 =	sadd.s32 s1, s29  }
0x288: {  	[tilespmem:s31], [sflag:$0x1] =	stream.linear.gather [hbm4b:s4+s6], $0x400, $0x38;
	[tilespmem:$0x1E400] =	vst v63  }
0x289: {  	s30 =	sadd.s32 $0xF4280, s4;
	s31 =	simm.s32 $0x6C00  }
0x28a: {  	[tilespmem:s31], [sflag:$0x1] =	stream.linear.gather [hbm4b:s30+s6], $0x400, $0x38;
	[tilespmem:$0x1E400] =	vst v63  }
0x28b: {  	s25 =	sadd.s32 s2, s25;
	s4 =	simm.s32 $0x8C00  }
0x28c: {  	[tilespmem:s4], [sflag:$0x1] =	stream.linear.gather [hbm4b:s25+s6], $0x400, $0x38;
	[tilespmem:$0x1E400] =	vst v63  }
0x28d: {  	s25 =	sadd.s32 s3, s29;
	s4 =	simm.s32 $0xAC00;
	s29 =	spop (v2sf);
	(v2sf) =	vpush v19, $0x4  }
0x28e: {  	[tilespmem:s4], [sflag:$0x1] =	stream.linear.gather [hbm4b:s25+s6], $0x400, $0x38;
	[tilespmem:$0x1E400] =	vst v63  }
0x28f: {  	s25 =	sand.u32 $0xFFFFF80, s29  }
0x290: {  	s31 =	simm.s32 $0x1000;
	s29 =	sadd.s32 s0, s25  }
0x291: {  	[tilespmem:s31], [sflag:$0x1] =	stream.linear.gather [hbm4b:s29+s6], $0x400, $0x38;
	[tilespmem:$0x1E400] =	vst v63  }
0x292: {  	s4 =	simm.s32 $0x3000;
	s29 =	sadd.s32 $0xF4280, s29  }
0x293: {  	[tilespmem:s4], [sflag:$0x1] =	stream.linear.gather [hbm4b:s29+s6], $0x400, $0x38;
	[tilespmem:$0x1E400] =	vst v63  }
0x294: {  	s4 =	spop (v2sf);
	(v2sf) =	vpush v20, $0x4  }
0x295: {  	s29 =	sand.u32 $0xFFFFF80, s4  }
0x296: {  	s4 =	simm.s32 $0x5000;
	s30 =	sadd.s32 s1, s29  }
0x297: {  	[tilespmem:s4], [sflag:$0x1] =	stream.linear.gather [hbm4b:s30+s6], $0x400, $0x38;
	[tilespmem:$0x1E400] =	vst v63  }
0x298: {  	s30 =	sadd.s32 $0xF4280, s30;
	s4 =	simm.s32 $0x7000  }
0x299: {  	[tilespmem:s4], [sflag:$0x1] =	stream.linear.gather [hbm4b:s30+s6], $0x400, $0x38;
	[tilespmem:$0x1E400] =	vst v63  }
0x29a: {  	s25 =	sadd.s32 s2, s25;
	s30 =	simm.s32 $0x9000  }
0x29b: {  	[tilespmem:s30], [sflag:$0x1] =	stream.linear.gather [hbm4b:s25+s6], $0x400, $0x38;
	[tilespmem:$0x1E400] =	vst v63  }
0x29c: {  	s4 =	sadd.s32 s3, s29;
	s30 =	simm.s32 $0xB000;
	s29 =	spop (v2sf);
	(v2sf) =	vpush v19, $0x5  }
0x29d: {  	[tilespmem:s30], [sflag:$0x1] =	stream.linear.gather [hbm4b:s4+s6], $0x400, $0x38;
	[tilespmem:$0x1E400] =	vst v63  }
0x29e: {  	s25 =	sand.u32 $0xFFFFF80, s29  }
0x29f: {  	s30 =	simm.s32 $0x1400;
	s29 =	sadd.s32 s0, s25  }
0x2a0: {  	[tilespmem:s30], [sflag:$0x1] =	stream.linear.gather [hbm4b:s29+s6], $0x400, $0x38;
	[tilespmem:$0x1E400] =	vst v63  }
0x2a1: {  	s29 =	sadd.s32 $0xF4280, s29;
	s30 =	simm.s32 $0x3400  }
0x2a2: {  	[tilespmem:s30], [sflag:$0x1] =	stream.linear.gather [hbm4b:s29+s6], $0x400, $0x38;
	[tilespmem:$0x1E400] =	vst v63  }
0x2a3: {  	s4 =	spop (v2sf);
	(v2sf) =	vpush v20, $0x5  }
0x2a4: {  	s29 =	sand.u32 $0xFFFFF80, s4  }
0x2a5: {  	s4 =	simm.s32 $0x5400;
	s30 =	sadd.s32 s1, s29  }
0x2a6: {  	[tilespmem:s4], [sflag:$0x1] =	stream.linear.gather [hbm4b:s30+s6], $0x400, $0x38;
	[tilespmem:$0x1E400] =	vst v63  }
0x2a7: {  	s30 =	sadd.s32 $0xF4280, s30;
	s4 =	simm.s32 $0x7400  }
0x2a8: {  	[tilespmem:s4], [sflag:$0x1] =	stream.linear.gather [hbm4b:s30+s6], $0x400, $0x38;
	[tilespmem:$0x1E400] =	vst v63  }
0x2a9: {  	s25 =	sadd.s32 s2, s25;
	s30 =	simm.s32 $0x9400  }
0x2aa: {  	[tilespmem:s30], [sflag:$0x1] =	stream.linear.gather [hbm4b:s25+s6], $0x400, $0x38;
	[tilespmem:$0x1E400] =	vst v63  }
0x2ab: {  	s4 =	sadd.s32 s3, s29;
	s30 =	simm.s32 $0xB400;
	s29 =	spop (v2sf);
	(v2sf) =	vpush v19, $0x6  }
0x2ac: {  	[tilespmem:s30], [sflag:$0x1] =	stream.linear.gather [hbm4b:s4+s6], $0x400, $0x38;
	[tilespmem:$0x1E400] =	vst v63  }
0x2ad: {  	s25 =	sand.u32 $0xFFFFF80, s29  }
0x2ae: {  	s30 =	simm.s32 $0x1800;
	s29 =	sadd.s32 s0, s25  }
0x2af: {  	[tilespmem:s30], [sflag:$0x1] =	stream.linear.gather [hbm4b:s29+s6], $0x400, $0x38;
	[tilespmem:$0x1E400] =	vst v63  }
0x2b0: {  	s29 =	sadd.s32 $0xF4280, s29;
	s30 =	simm.s32 $0x3800  }
0x2b1: {  	[tilespmem:s30], [sflag:$0x1] =	stream.linear.gather [hbm4b:s29+s6], $0x400, $0x38;
	[tilespmem:$0x1E400] =	vst v63  }
0x2b2: {  	s4 =	spop (v2sf);
	(v2sf) =	vpush v20, $0x6  }
0x2b3: {  	s29 =	sand.u32 $0xFFFFF80, s4  }
0x2b4: {  	s4 =	simm.s32 $0x5800;
	s30 =	sadd.s32 s1, s29  }
0x2b5: {  	[tilespmem:s4], [sflag:$0x1] =	stream.linear.gather [hbm4b:s30+s6], $0x400, $0x38;
	[tilespmem:$0x1E400] =	vst v63  }
0x2b6: {  	s30 =	sadd.s32 $0xF4280, s30;
	s4 =	simm.s32 $0x7800  }
0x2b7: {  	[tilespmem:s4], [sflag:$0x1] =	stream.linear.gather [hbm4b:s30+s6], $0x400, $0x38;
	[tilespmem:$0x1E400] =	vst v63  }
0x2b8: {  	s25 =	sadd.s32 s2, s25;
	s30 =	simm.s32 $0x9800  }
0x2b9: {  	[tilespmem:s30], [sflag:$0x1] =	stream.linear.gather [hbm4b:s25+s6], $0x400, $0x38;
	[tilespmem:$0x1E400] =	vst v63  }
0x2ba: {  	s4 =	sadd.s32 s3, s29;
	s30 =	simm.s32 $0xB800;
	s29 =	spop (v2sf);
	(v2sf) =	vpush v19, $0x7  }
0x2bb: {  	[tilespmem:s30], [sflag:$0x1] =	stream.linear.gather [hbm4b:s4+s6], $0x400, $0x38;
	[tilespmem:$0x1E400] =	vst v63  }
0x2bc: {  	s25 =	sand.u32 $0xFFFFF80, s29  }
0x2bd: {  	s30 =	simm.s32 $0x1C00;
	s29 =	sadd.s32 s0, s25  }
0x2be: {  	[tilespmem:s30], [sflag:$0x1] =	stream.linear.gather [hbm4b:s29+s6], $0x400, $0x38;
	[tilespmem:$0x1E400] =	vst v63  }
0x2bf: {  	s29 =	sadd.s32 $0xF4280, s29;
	s30 =	simm.s32 $0x3C00  }
0x2c0: {  	[tilespmem:s30], [sflag:$0x1] =	stream.linear.gather [hbm4b:s29+s6], $0x400, $0x38;
	[tilespmem:$0x1E400] =	vst v63  }
0x2c1: {  	s4 =	spop (v2sf);
	(v2sf) =	vpush v20, $0x7  }
0x2c2: {  	s29 =	sand.u32 $0xFFFFF80, s4  }
0x2c3: {  	s4 =	simm.s32 $0x5C00;
	s30 =	sadd.s32 s1, s29  }
0x2c4: {  	[tilespmem:s4], [sflag:$0x1] =	stream.linear.gather [hbm4b:s30+s6], $0x400, $0x38;
	[tilespmem:$0x1E400] =	vst v63  }
0x2c5: {  	s30 =	sadd.s32 $0xF4280, s30;
	s4 =	simm.s32 $0x7C00  }
0x2c6: {  	[tilespmem:s4], [sflag:$0x1] =	stream.linear.gather [hbm4b:s30+s6], $0x400, $0x38;
	[tilespmem:$0x1E400] =	vst v63  }
0x2c7: {  	s25 =	sadd.s32 s2, s25;
	s30 =	simm.s32 $0x9C00  }
0x2c8: {  	[tilespmem:s30], [sflag:$0x1] =	stream.linear.gather [hbm4b:s25+s6], $0x400, $0x38;
	[tilespmem:$0x1E400] =	vst v63  }
0x2c9: {  	s29 =	sadd.s32 s3, s29;
	s30 =	simm.s32 $0xBC00;
	s25 =	spop (v2sf)  }
0x2ca: {  	[tilespmem:s30], [sflag:$0x1] =	stream.linear.gather [hbm4b:s29+s6], $0x400, $0x38;
	[tilespmem:$0x1E400] =	vst v63  }
0x2cb: {  	s25 =	sand.u32 $0xFFFFF80, s25  }
0x2cc: {  	s30 =	simm.s32 $0x2000;
	s29 =	sadd.s32 s0, s25  }
0x2cd: {  	[tilespmem:s30], [sflag:$0x1] =	stream.linear.gather [hbm4b:s29+s6], $0x400, $0x38;
	[tilespmem:$0x1E400] =	vst v63  }
0x2ce: {  	s29 =	sadd.s32 $0xF4280, s29;
	s30 =	simm.s32 $0x4000  }
0x2cf: {  	[tilespmem:s30], [sflag:$0x1] =	stream.linear.gather [hbm4b:s29+s6], $0x400, $0x38;
	[tilespmem:$0x1E400] =	vst v63  }
0x2d0: {  	s4 =	spop (v2sf)  }
0x2d1: {  	s29 =	sand.u32 $0xFFFFF80, s4  }
0x2d2: {  	s4 =	simm.s32 $0x6000;
	s30 =	sadd.s32 s1, s29  }
0x2d3: {  	[tilespmem:s4], [sflag:$0x1] =	stream.linear.gather [hbm4b:s30+s6], $0x400, $0x38;
	[tilespmem:$0x1E400] =	vst v63  }
0x2d4: {  	s30 =	sadd.s32 $0xF4280, s30;
	s4 =	simm.s32 $0x8000  }
0x2d5: {  	[tilespmem:s4], [sflag:$0x1] =	stream.linear.gather [hbm4b:s30+s6], $0x400, $0x38;
	[tilespmem:$0x1E400] =	vst v63  }
.Ltmp5:
0x2d6: {  	_ = 	snop;
	(pc) =	sbr.rel .LBB2_4-.Ltmp5, $4  }
0x2d7: {  	s25 =	sadd.s32 s2, s25;
	s30 =	simm.s32 $0xA000  }
0x2d8: {  	[tilespmem:s30], [sflag:$0x1] =	stream.linear.gather [hbm4b:s25+s6], $0x400, $0x38;
	[tilespmem:$0x1E400] =	vst v63  }
0x2d9: {  	s29 =	sadd.s32 s3, s29;
	s30 =	simm.s32 $0xC000  }
0x2da: {  	[tilespmem:s30], [sflag:$0x1] =	stream.linear.gather [hbm4b:s29+s6], $0x400, $0x38;
	[tilespmem:$0x1E400] =	vst v63  }
.LBB2_6:
0x2db: {  	_ =	sfence.sel $0x180000  }
0x2dc: {  	[bflag:$0x0] =	sbarrier.arrive $0xFFFF  }
0x2dd: {  	_ =	strace $0x90000047  }
0x2de: {  	s0 =	stileid.u32;
	[bflag:$0x2] =	sbarrier.arrive $0xFFFF  }
0x2df: {  	p0 =	sne.s32 s0, $0x0;
	s0 =	rddreg [dreg:$0x7]  }
0x2e0: {  	s0 =	sadd.s32 @!p0 $0x100000, s0  }
0x2e1: {  	[sflag:s0] =	ssyncadd.tile.s32 @!p0 $0x1;
	_ =	shalt  }
.Lfunc_end2:
_tile_overlayer_lowered:
.L_overlay_start_2:
0x2e2: {  	(tag) =	ssettag $0x2  }
0x2e3: {  	s0 =	rddreg [dreg:$0x0];
	s2 =	stileid.u32  }
0x2e4: {  	s1 =	rddreg [dreg:$0x1];
	p0 =	sne.s32 s2, $0x0  }
0x2e5: {  	s3 =	rddreg [dreg:$0x2];
	[bflag:$0x3] =	sbarrier.arrive $0xFFFF;
	s2 =	simm.s32 @!p0 $0x1C03  }
0x2e6: {  	[timem:s3], [sflag:s2] =	dma.local @!p0 [hbm:s0], s1  }
0x2e7: {  	s0 =	simm.s32 @!p0 $0x3  }
0x2e8: {  	_ =	swait.ge @!p0 [sflag:s0], s1  }
0x2e9: {  	s1 =	ssub.s32 @!p0 $0x0, s1;
	[sflag:s0] =	ssyncset.done @!p0 $0x0  }
0x2ea: {  	[sflag:s0] =	ssyncadd.s32 @!p0 s1  }
0x2eb: {  	[bflag:$0x3] =	sbarrier.arrive $0xFFFF  }
0x2ec: {  	_ =	shalt  }

</sc_bundles>
